<compile_context>
chip_gen: v7x
topology: tpu7x:2x2x1
jax: 0.10.2.dev20260603
libtpu: 0.0.44.dev20260713+nightly
codegen_flags: <defaults>
</compile_context>

<pallas_src>
import functools

import jax
import jax.numpy as jnp
from jax import lax
from jax.experimental import pallas as pl
from jax.experimental.pallas import tpu as pltpu
from jax.experimental.pallas import tpu_sc as plsc

_N_FIELDS = 26
_VOCAB = 100000
_DIM = 16
_MAX_NORM = 4.0
_BATCH = 4096
_TIME = 20

_NROWS = _BATCH * _TIME * _N_FIELDS
_IDX_ROWS = _NROWS // 128

_NC = 2
_NS = 16
_NW = _NC * _NS
_G = _IDX_ROWS // _NW
_K = 8
_CHUNK_ROWS = _K * 128
_PACKED_ROWS = _NROWS // 8
_NROWS_TBL = _N_FIELDS * _VOCAB


@functools.partial(
    pl.kernel,
    mesh=plsc.VectorSubcoreMesh(core_axis_name="c", subcore_axis_name="s"),
    out_type=jax.ShapeDtypeStruct((_NROWS, _DIM), jnp.float32),
    scratch_types=[
        pltpu.VMEM((_K, 128), jnp.int32),
        pltpu.VMEM((_CHUNK_ROWS, _DIM), jnp.float32),
        pltpu.SemaphoreType.DMA,
    ],
    compiler_params=pltpu.CompilerParams(use_tc_tiling_on_sc=False),
)
def _sc_gather(table_hbm, idx_hbm, out_hbm, idx_v, rows_v, sem):
    wid = lax.axis_index("s") * _NC + lax.axis_index("c")
    base = wid * _G
    def chunk(c, carry):
        r0 = base + c * _K
        pltpu.sync_copy(idx_hbm.at[pl.ds(r0, _K)], idx_v)
        lane = lax.iota(jnp.int32, 16)
        for j in range(_K):
            rowbase = (r0 + j) * 128
            for l in range(8):
                p = lane + (rowbase + l * 16)
                f = lax.rem(p, jnp.int32(_N_FIELDS))
                sl = (j, pl.ds(l * 16, 16))
                idx_v[sl] = idx_v[sl] + f * jnp.int32(_VOCAB)
        copies = [
            pltpu.async_copy(
                table_hbm.at[idx_v.at[j]],
                rows_v.at[pl.ds(j * 128, 128)],
                sem,
            )
            for j in range(_K)
        ]
        for cp in copies:
            cp.wait()
        pltpu.sync_copy(rows_v, out_hbm.at[pl.ds(r0 * 128, _CHUNK_ROWS)])
        return carry

    lax.fori_loop(0, _G // _K, chunk, 0)


_TC_BLK = 1024


_ROWS_PER_B = _N_FIELDS * _DIM * _TIME // 128
_BBLK = 128
_TC_ROWS = _ROWS_PER_B * _BBLK


def _tc_body(v_ref, o_ref):
    v = v_ref[...]
    v2 = v * v
    li = lax.broadcasted_iota(jnp.int32, (128, 128), 0) // _DIM
    lj = lax.broadcasted_iota(jnp.int32, (128, 128), 1) // _DIM
    m = (li == lj).astype(jnp.float32)
    ss = lax.dot_general(
        v2, m, (((1,), (0,)), ((), ())), preferred_element_type=jnp.float32
    )
    scale = jnp.where(
        ss > _MAX_NORM * _MAX_NORM, _MAX_NORM * lax.rsqrt(ss), 1.0
    )
    v = v * scale
    u = 1.0 + jnp.exp(v)
    w = v * (1.0 - 2.0 / (u * u + 1.0))
    w3 = w.reshape(_BBLK, _ROWS_PER_B, 128)
    for s in range(_ROWS_PER_B):
        o_ref[pl.ds(s * 128, 128), :] = w3[:, s, :].T


_tc_post = pl.pallas_call(
    _tc_body,
    grid=(_BATCH // _BBLK,),
    in_specs=[pl.BlockSpec((_TC_ROWS, 128), lambda i: (i, 0))],
    out_specs=pl.BlockSpec((_TIME * _N_FIELDS * _DIM, _BBLK), lambda i: (0, i)),
    out_shape=jax.ShapeDtypeStruct((_TIME * _N_FIELDS * _DIM, _BATCH), jnp.float32),
)


def kernel(x, emb):
    idx = x.reshape(_IDX_ROWS, 128)
    t1 = lax.optimization_barrier(emb.reshape(_NROWS_TBL * _DIM // 128, 128))
    table = t1.reshape(_NROWS_TBL, _DIM)
    rows = _sc_gather(table, idx)
    out = _tc_post(rows.reshape(_PACKED_ROWS, 128))
    out = out.reshape(_TIME, _N_FIELDS * _DIM, _BATCH)
    return jnp.transpose(out, (2, 0, 1))

# --- scband reference (transcript-rebuilt; emitter-appended) ---
"""Pipeline reference for scband-multi-embedding-81037442941210 (READ-ONLY COPY).

The authoritative reference and input builder live on the scoring server;
editing this copy changes nothing except your own understanding.
"""

import jax, jax.numpy as jnp
import numpy as np

N_FIELDS = 26
VOCAB = 100000
DIM = 16
MAX_NORM = float(np.sqrt(DIM))
BATCH = 4096
TIME = 20


def setup_inputs(seed: int = 0) -> dict:
    key = jax.random.key(seed)
    kx, ke = jax.random.split(key)
    x = jax.random.randint(kx, (BATCH, TIME, N_FIELDS), 0, VOCAB, dtype=jnp.int32)
    # 26 embedding tables, all (VOCAB, DIM); stacked for convenience
    emb = jax.random.normal(ke, (N_FIELDS, VOCAB, DIM), dtype=jnp.float32)
    return {"x": x, "emb": emb}


def _mish(v):
    return v * jnp.tanh(jax.nn.softplus(v))


def reference(x, emb):
    # MultiEmbedding.forward with no categorical_groups and no paddings:
    # per-field nn.Embedding(max_norm=sqrt(dim)) lookup -> mish -> concat over last dim.
    outs = []
    for i in range(N_FIELDS):
        v = jnp.take(emb[i], x[..., i], axis=0)  # [B, T, DIM] gather
        n = jnp.linalg.norm(v, axis=-1, keepdims=True)
        # torch max_norm renorm: rows with norm > max_norm scaled to max_norm (eps 1e-7)
        scale = jnp.where(n > MAX_NORM, MAX_NORM / (n + 1e-7), 1.0)
        v = v * scale
        outs.append(_mish(v))
    return jnp.concatenate(outs, axis=-1)  # [B, T, 26*16]

if __name__ == "__main__":
    import jax
    _d = setup_inputs()
    print(jax.jit(kernel)(*tuple(_d.values())))

</pallas_src>

<mosaic_0001>
#map = affine_map<(d0, d1) -> (0, 0)>
module attributes {stable_mosaic.version = 14 : i64} {
  func.func @_sc_gather(%arg0: i32, %arg1: i32, %arg2: memref<2600000x16xf32, #tpu.memory_space<hbm>>, %arg3: memref<16640x128xi32, #tpu.memory_space<hbm>>, %arg4: memref<2129920x16xf32, #tpu.memory_space<hbm>>, %arg5: memref<8x128xi32, #tpu.memory_space<vmem>>, %arg6: memref<1024x16xf32, #tpu.memory_space<vmem>>, %arg7: memref<!tpu.dma_semaphore, #tpu.memory_space<semaphore_mem>>) attributes {dimension_semantics = [#tpu.dimension_semantics<core_parallel>, #tpu.dimension_semantics<subcore_parallel>], iteration_bounds = array<i64: 2, 16>, scalar_prefetch = 0 : i64, scratch_operands = 3 : i64, tpu.core_type = #tpu.core_type<sc_vector_subcore>, window_params = [{transform_indices = #map}, {transform_indices = #map}, {transform_indices = #map}]} {
    %mul3A = arith.constant 2 : i32
    %mul3A_0 = arith.muli %arg1, %mul3A : i32
    %add3A = arith.addi %mul3A_0, %arg0 : i32
    %mul3A_1 = arith.constant 520 : i32
    %mul3A_2 = arith.muli %add3A, %mul3A_1 : i32
    %scan3A = arith.constant 0 : i32
    %scan3A_3 = arith.constant 0 : i32
    %scan3A_4 = arith.constant 65 : i32
    %scan3A_5 = arith.addi %scan3A_3, %scan3A_4 : i32
    %scan3A_6 = arith.constant 1 : i32
    scf.for %scan3A_8 = %scan3A_3 to %scan3A_5 step %scan3A_6  : i32 {
      %mul3A_9 = arith.constant 8 : i32
      %mul3A_10 = arith.muli %scan3A_8, %mul3A_9 : i32
      %add3A_11 = arith.addi %mul3A_2, %mul3A_10 : i32
      "tpu.region"() ({
        %run_scoped3A = tpu.sem_alloc : memref<!tpu.dma_semaphore, #tpu.memory_space<semaphore_mem>>
        %dma_start3A_1609 = arith.constant 0 : i32
        %dma_start3A_1610 = tpu.memref_slice %arg3[%add3A_11, %dma_start3A_1609] : memref<16640x128xi32, #tpu.memory_space<hbm>> -> memref<8x128xi32, #tpu.memory_space<hbm>>
        %dma_start3A_1611 = arith.constant 0 : i32
        %dma_start3A_1612 = tpu.memref_slice %arg3[%add3A_11, %dma_start3A_1611] : memref<16640x128xi32, #tpu.memory_space<hbm>> -> memref<8x128xi32, #tpu.memory_space<hbm>>
        tpu.enqueue_dma source(%dma_start3A_1612 : memref<8x128xi32, #tpu.memory_space<hbm>>) target(%arg5 : memref<8x128xi32, #tpu.memory_space<vmem>>) target_semaphore(%run_scoped3A : memref<!tpu.dma_semaphore, #tpu.memory_space<semaphore_mem>>)
        %dma_wait3A_1613 = arith.constant 0 : i32
        %dma_wait3A_1614 = tpu.memref_slice %arg3[%add3A_11, %dma_wait3A_1613] : memref<16640x128xi32, #tpu.memory_space<hbm>> -> memref<8x128xi32, #tpu.memory_space<hbm>>
        %dma_wait3A_1615 = arith.constant 0 : i32
        %dma_wait3A_1616 = tpu.memref_slice %arg3[%add3A_11, %dma_wait3A_1615] : memref<16640x128xi32, #tpu.memory_space<hbm>> -> memref<8x128xi32, #tpu.memory_space<hbm>>
        tpu.wait_dma2 semaphore(%run_scoped3A : memref<!tpu.dma_semaphore, #tpu.memory_space<semaphore_mem>>) src(%dma_wait3A_1616 : memref<8x128xi32, #tpu.memory_space<hbm>>) dst(%arg5 : memref<8x128xi32, #tpu.memory_space<vmem>>)
        tpu.yield
      }) : () -> ()
      %iota3A = tpu.iota {dimensions = array<i32: 0>} : vector<16xi32>
      %add3A_12 = arith.constant 0 : i32
      %add3A_13 = arith.addi %add3A_11, %add3A_12 : i32
      %mul3A_14 = arith.constant 128 : i32
      %mul3A_15 = arith.muli %add3A_13, %mul3A_14 : i32
      %add3A_16 = arith.constant 0 : i32
      %add3A_17 = arith.addi %mul3A_15, %add3A_16 : i32
      %add3A_18 = vector.broadcast %add3A_17 : i32 to vector<16xi32>
      %add3A_19 = arith.addi %iota3A, %add3A_18 : vector<16xi32>
      %rem3A = arith.constant 26 : i32
      %rem3A_20 = vector.broadcast %rem3A : i32 to vector<16xi32>
      %rem3A_21 = arith.remsi %add3A_19, %rem3A_20 : vector<16xi32>
      %get3A = arith.constant 0 : i32
      %get3A_22 = arith.index_cast %get3A : i32 to index
      %get3A_23 = arith.constant 0 : index
      %get3A_24 = tpu.vector_load %arg5[%get3A_22, %get3A_23] {strides = array<i32>} : memref<8x128xi32, #tpu.memory_space<vmem>>, vector<1x16xi32>,
      %get3A_25 = vector.shape_cast %get3A_24 : vector<1x16xi32> to vector<16xi32>
      %mul3A_26 = arith.constant 100000 : i32
      %mul3A_27 = vector.broadcast %mul3A_26 : i32 to vector<16xi32>
      %mul3A_28 = arith.muli %rem3A_21, %mul3A_27 : vector<16xi32>
      %add3A_29 = arith.addi %get3A_25, %mul3A_28 : vector<16xi32>
      %swap3A = arith.constant 0 : i32
      %swap3A_30 = arith.index_cast %swap3A : i32 to index
      %swap3A_31 = arith.constant 0 : index
      %swap3A_32 = tpu.vector_load %arg5[%swap3A_30, %swap3A_31] {strides = array<i32>} : memref<8x128xi32, #tpu.memory_space<vmem>>, vector<1x16xi32>,
      %swap3A_33 = vector.shape_cast %swap3A_32 : vector<1x16xi32> to vector<16xi32>
      %swap3A_34 = vector.shape_cast %add3A_29 : vector<16xi32> to vector<1x16xi32>
      tpu.vector_store %arg5[%swap3A_30, %swap3A_31], %swap3A_34 {strides = array<i32>} : memref<8x128xi32, #tpu.memory_space<vmem>>, vector<1x16xi32>,
      %add3A_35 = arith.constant 16 : i32
      %add3A_36 = arith.addi %mul3A_15, %add3A_35 : i32
      %add3A_37 = vector.broadcast %add3A_36 : i32 to vector<16xi32>
      %add3A_38 = arith.addi %iota3A, %add3A_37 : vector<16xi32>
      %rem3A_39 = arith.constant 26 : i32
      %rem3A_40 = vector.broadcast %rem3A_39 : i32 to vector<16xi32>
      %rem3A_41 = arith.remsi %add3A_38, %rem3A_40 : vector<16xi32>
      %get3A_42 = arith.constant 0 : i32
      %get3A_43 = arith.index_cast %get3A_42 : i32 to index
      %get3A_44 = arith.constant 16 : index
      %get3A_45 = tpu.vector_load %arg5[%get3A_43, %get3A_44] {strides = array<i32>} : memref<8x128xi32, #tpu.memory_space<vmem>>, vector<1x16xi32>,
      %get3A_46 = vector.shape_cast %get3A_45 : vector<1x16xi32> to vector<16xi32>
      %mul3A_47 = arith.constant 100000 : i32
      %mul3A_48 = vector.broadcast %mul3A_47 : i32 to vector<16xi32>
      %mul3A_49 = arith.muli %rem3A_41, %mul3A_48 : vector<16xi32>
      %add3A_50 = arith.addi %get3A_46, %mul3A_49 : vector<16xi32>
      %swap3A_51 = arith.constant 0 : i32
      %swap3A_52 = arith.index_cast %swap3A_51 : i32 to index
      %swap3A_53 = arith.constant 16 : index
      %swap3A_54 = tpu.vector_load %arg5[%swap3A_52, %swap3A_53] {strides = array<i32>} : memref<8x128xi32, #tpu.memory_space<vmem>>, vector<1x16xi32>,
      %swap3A_55 = vector.shape_cast %swap3A_54 : vector<1x16xi32> to vector<16xi32>
      %swap3A_56 = vector.shape_cast %add3A_50 : vector<16xi32> to vector<1x16xi32>
      tpu.vector_store %arg5[%swap3A_52, %swap3A_53], %swap3A_56 {strides = array<i32>} : memref<8x128xi32, #tpu.memory_space<vmem>>, vector<1x16xi32>,
      %add3A_57 = arith.constant 32 : i32
      %add3A_58 = arith.addi %mul3A_15, %add3A_57 : i32
      %add3A_59 = vector.broadcast %add3A_58 : i32 to vector<16xi32>
      %add3A_60 = arith.addi %iota3A, %add3A_59 : vector<16xi32>
      %rem3A_61 = arith.constant 26 : i32
      %rem3A_62 = vector.broadcast %rem3A_61 : i32 to vector<16xi32>
      %rem3A_63 = arith.remsi %add3A_60, %rem3A_62 : vector<16xi32>
      %get3A_64 = arith.constant 0 : i32
      %get3A_65 = arith.index_cast %get3A_64 : i32 to index
      %get3A_66 = arith.constant 32 : index
      %get3A_67 = tpu.vector_load %arg5[%get3A_65, %get3A_66] {strides = array<i32>} : memref<8x128xi32, #tpu.memory_space<vmem>>, vector<1x16xi32>,
      %get3A_68 = vector.shape_cast %get3A_67 : vector<1x16xi32> to vector<16xi32>
      %mul3A_69 = arith.constant 100000 : i32
      %mul3A_70 = vector.broadcast %mul3A_69 : i32 to vector<16xi32>
      %mul3A_71 = arith.muli %rem3A_63, %mul3A_70 : vector<16xi32>
      %add3A_72 = arith.addi %get3A_68, %mul3A_71 : vector<16xi32>
      %swap3A_73 = arith.constant 0 : i32
      %swap3A_74 = arith.index_cast %swap3A_73 : i32 to index
      %swap3A_75 = arith.constant 32 : index
      %swap3A_76 = tpu.vector_load %arg5[%swap3A_74, %swap3A_75] {strides = array<i32>} : memref<8x128xi32, #tpu.memory_space<vmem>>, vector<1x16xi32>,
      %swap3A_77 = vector.shape_cast %swap3A_76 : vector<1x16xi32> to vector<16xi32>
      %swap3A_78 = vector.shape_cast %add3A_72 : vector<16xi32> to vector<1x16xi32>
      tpu.vector_store %arg5[%swap3A_74, %swap3A_75], %swap3A_78 {strides = array<i32>} : memref<8x128xi32, #tpu.memory_space<vmem>>, vector<1x16xi32>,
      %add3A_79 = arith.constant 48 : i32
      %add3A_80 = arith.addi %mul3A_15, %add3A_79 : i32
      %add3A_81 = vector.broadcast %add3A_80 : i32 to vector<16xi32>
      %add3A_82 = arith.addi %iota3A, %add3A_81 : vector<16xi32>
      %rem3A_83 = arith.constant 26 : i32
      %rem3A_84 = vector.broadcast %rem3A_83 : i32 to vector<16xi32>
      %rem3A_85 = arith.remsi %add3A_82, %rem3A_84 : vector<16xi32>
      %get3A_86 = arith.constant 0 : i32
      %get3A_87 = arith.index_cast %get3A_86 : i32 to index
      %get3A_88 = arith.constant 48 : index
      %get3A_89 = tpu.vector_load %arg5[%get3A_87, %get3A_88] {strides = array<i32>} : memref<8x128xi32, #tpu.memory_space<vmem>>, vector<1x16xi32>,
      %get3A_90 = vector.shape_cast %get3A_89 : vector<1x16xi32> to vector<16xi32>
      %mul3A_91 = arith.constant 100000 : i32
      %mul3A_92 = vector.broadcast %mul3A_91 : i32 to vector<16xi32>
      %mul3A_93 = arith.muli %rem3A_85, %mul3A_92 : vector<16xi32>
      %add3A_94 = arith.addi %get3A_90, %mul3A_93 : vector<16xi32>
      %swap3A_95 = arith.constant 0 : i32
      %swap3A_96 = arith.index_cast %swap3A_95 : i32 to index
      %swap3A_97 = arith.constant 48 : index
      %swap3A_98 = tpu.vector_load %arg5[%swap3A_96, %swap3A_97] {strides = array<i32>} : memref<8x128xi32, #tpu.memory_space<vmem>>, vector<1x16xi32>,
      %swap3A_99 = vector.shape_cast %swap3A_98 : vector<1x16xi32> to vector<16xi32>
      %swap3A_100 = vector.shape_cast %add3A_94 : vector<16xi32> to vector<1x16xi32>
      tpu.vector_store %arg5[%swap3A_96, %swap3A_97], %swap3A_100 {strides = array<i32>} : memref<8x128xi32, #tpu.memory_space<vmem>>, vector<1x16xi32>,
      %add3A_101 = arith.constant 64 : i32
      %add3A_102 = arith.addi %mul3A_15, %add3A_101 : i32
      %add3A_103 = vector.broadcast %add3A_102 : i32 to vector<16xi32>
      %add3A_104 = arith.addi %iota3A, %add3A_103 : vector<16xi32>
      %rem3A_105 = arith.constant 26 : i32
      %rem3A_106 = vector.broadcast %rem3A_105 : i32 to vector<16xi32>
      %rem3A_107 = arith.remsi %add3A_104, %rem3A_106 : vector<16xi32>
      %get3A_108 = arith.constant 0 : i32
      %get3A_109 = arith.index_cast %get3A_108 : i32 to index
      %get3A_110 = arith.constant 64 : index
      %get3A_111 = tpu.vector_load %arg5[%get3A_109, %get3A_110] {strides = array<i32>} : memref<8x128xi32, #tpu.memory_space<vmem>>, vector<1x16xi32>,
      %get3A_112 = vector.shape_cast %get3A_111 : vector<1x16xi32> to vector<16xi32>
      %mul3A_113 = arith.constant 100000 : i32
      %mul3A_114 = vector.broadcast %mul3A_113 : i32 to vector<16xi32>
      %mul3A_115 = arith.muli %rem3A_107, %mul3A_114 : vector<16xi32>
      %add3A_116 = arith.addi %get3A_112, %mul3A_115 : vector<16xi32>
      %swap3A_117 = arith.constant 0 : i32
      %swap3A_118 = arith.index_cast %swap3A_117 : i32 to index
      %swap3A_119 = arith.constant 64 : index
      %swap3A_120 = tpu.vector_load %arg5[%swap3A_118, %swap3A_119] {strides = array<i32>} : memref<8x128xi32, #tpu.memory_space<vmem>>, vector<1x16xi32>,
      %swap3A_121 = vector.shape_cast %swap3A_120 : vector<1x16xi32> to vector<16xi32>
      %swap3A_122 = vector.shape_cast %add3A_116 : vector<16xi32> to vector<1x16xi32>
      tpu.vector_store %arg5[%swap3A_118, %swap3A_119], %swap3A_122 {strides = array<i32>} : memref<8x128xi32, #tpu.memory_space<vmem>>, vector<1x16xi32>,
      %add3A_123 = arith.constant 80 : i32
      %add3A_124 = arith.addi %mul3A_15, %add3A_123 : i32
      %add3A_125 = vector.broadcast %add3A_124 : i32 to vector<16xi32>
      %add3A_126 = arith.addi %iota3A, %add3A_125 : vector<16xi32>
      %rem3A_127 = arith.constant 26 : i32
      %rem3A_128 = vector.broadcast %rem3A_127 : i32 to vector<16xi32>
      %rem3A_129 = arith.remsi %add3A_126, %rem3A_128 : vector<16xi32>
      %get3A_130 = arith.constant 0 : i32
      %get3A_131 = arith.index_cast %get3A_130 : i32 to index
      %get3A_132 = arith.constant 80 : index
      %get3A_133 = tpu.vector_load %arg5[%get3A_131, %get3A_132] {strides = array<i32>} : memref<8x128xi32, #tpu.memory_space<vmem>>, vector<1x16xi32>,
      %get3A_134 = vector.shape_cast %get3A_133 : vector<1x16xi32> to vector<16xi32>
      %mul3A_135 = arith.constant 100000 : i32
      %mul3A_136 = vector.broadcast %mul3A_135 : i32 to vector<16xi32>
      %mul3A_137 = arith.muli %rem3A_129, %mul3A_136 : vector<16xi32>
      %add3A_138 = arith.addi %get3A_134, %mul3A_137 : vector<16xi32>
      %swap3A_139 = arith.constant 0 : i32
      %swap3A_140 = arith.index_cast %swap3A_139 : i32 to index
      %swap3A_141 = arith.constant 80 : index
      %swap3A_142 = tpu.vector_load %arg5[%swap3A_140, %swap3A_141] {strides = array<i32>} : memref<8x128xi32, #tpu.memory_space<vmem>>, vector<1x16xi32>,
      %swap3A_143 = vector.shape_cast %swap3A_142 : vector<1x16xi32> to vector<16xi32>
      %swap3A_144 = vector.shape_cast %add3A_138 : vector<16xi32> to vector<1x16xi32>
      tpu.vector_store %arg5[%swap3A_140, %swap3A_141], %swap3A_144 {strides = array<i32>} : memref<8x128xi32, #tpu.memory_space<vmem>>, vector<1x16xi32>,
      %add3A_145 = arith.constant 96 : i32
      %add3A_146 = arith.addi %mul3A_15, %add3A_145 : i32
      %add3A_147 = vector.broadcast %add3A_146 : i32 to vector<16xi32>
      %add3A_148 = arith.addi %iota3A, %add3A_147 : vector<16xi32>
      %rem3A_149 = arith.constant 26 : i32
      %rem3A_150 = vector.broadcast %rem3A_149 : i32 to vector<16xi32>
      %rem3A_151 = arith.remsi %add3A_148, %rem3A_150 : vector<16xi32>
      %get3A_152 = arith.constant 0 : i32
      %get3A_153 = arith.index_cast %get3A_152 : i32 to index
      %get3A_154 = arith.constant 96 : index
      %get3A_155 = tpu.vector_load %arg5[%get3A_153, %get3A_154] {strides = array<i32>} : memref<8x128xi32, #tpu.memory_space<vmem>>, vector<1x16xi32>,
      %get3A_156 = vector.shape_cast %get3A_155 : vector<1x16xi32> to vector<16xi32>
      %mul3A_157 = arith.constant 100000 : i32
      %mul3A_158 = vector.broadcast %mul3A_157 : i32 to vector<16xi32>
      %mul3A_159 = arith.muli %rem3A_151, %mul3A_158 : vector<16xi32>
      %add3A_160 = arith.addi %get3A_156, %mul3A_159 : vector<16xi32>
      %swap3A_161 = arith.constant 0 : i32
      %swap3A_162 = arith.index_cast %swap3A_161 : i32 to index
      %swap3A_163 = arith.constant 96 : index
      %swap3A_164 = tpu.vector_load %arg5[%swap3A_162, %swap3A_163] {strides = array<i32>} : memref<8x128xi32, #tpu.memory_space<vmem>>, vector<1x16xi32>,
      %swap3A_165 = vector.shape_cast %swap3A_164 : vector<1x16xi32> to vector<16xi32>
      %swap3A_166 = vector.shape_cast %add3A_160 : vector<16xi32> to vector<1x16xi32>
      tpu.vector_store %arg5[%swap3A_162, %swap3A_163], %swap3A_166 {strides = array<i32>} : memref<8x128xi32, #tpu.memory_space<vmem>>, vector<1x16xi32>,
      %add3A_167 = arith.constant 112 : i32
      %add3A_168 = arith.addi %mul3A_15, %add3A_167 : i32
      %add3A_169 = vector.broadcast %add3A_168 : i32 to vector<16xi32>
      %add3A_170 = arith.addi %iota3A, %add3A_169 : vector<16xi32>
      %rem3A_171 = arith.constant 26 : i32
      %rem3A_172 = vector.broadcast %rem3A_171 : i32 to vector<16xi32>
      %rem3A_173 = arith.remsi %add3A_170, %rem3A_172 : vector<16xi32>
      %get3A_174 = arith.constant 0 : i32
      %get3A_175 = arith.index_cast %get3A_174 : i32 to index
      %get3A_176 = arith.constant 112 : index
      %get3A_177 = tpu.vector_load %arg5[%get3A_175, %get3A_176] {strides = array<i32>} : memref<8x128xi32, #tpu.memory_space<vmem>>, vector<1x16xi32>,
      %get3A_178 = vector.shape_cast %get3A_177 : vector<1x16xi32> to vector<16xi32>
      %mul3A_179 = arith.constant 100000 : i32
      %mul3A_180 = vector.broadcast %mul3A_179 : i32 to vector<16xi32>
      %mul3A_181 = arith.muli %rem3A_173, %mul3A_180 : vector<16xi32>
      %add3A_182 = arith.addi %get3A_178, %mul3A_181 : vector<16xi32>
      %swap3A_183 = arith.constant 0 : i32
      %swap3A_184 = arith.index_cast %swap3A_183 : i32 to index
      %swap3A_185 = arith.constant 112 : index
      %swap3A_186 = tpu.vector_load %arg5[%swap3A_184, %swap3A_185] {strides = array<i32>} : memref<8x128xi32, #tpu.memory_space<vmem>>, vector<1x16xi32>,
      %swap3A_187 = vector.shape_cast %swap3A_186 : vector<1x16xi32> to vector<16xi32>
      %swap3A_188 = vector.shape_cast %add3A_182 : vector<16xi32> to vector<1x16xi32>
      tpu.vector_store %arg5[%swap3A_184, %swap3A_185], %swap3A_188 {strides = array<i32>} : memref<8x128xi32, #tpu.memory_space<vmem>>, vector<1x16xi32>,
      %add3A_189 = arith.constant 1 : i32
      %add3A_190 = arith.addi %add3A_11, %add3A_189 : i32
      %mul3A_191 = arith.constant 128 : i32
      %mul3A_192 = arith.muli %add3A_190, %mul3A_191 : i32
      %add3A_193 = arith.constant 0 : i32
      %add3A_194 = arith.addi %mul3A_192, %add3A_193 : i32
      %add3A_195 = vector.broadcast %add3A_194 : i32 to vector<16xi32>
      %add3A_196 = arith.addi %iota3A, %add3A_195 : vector<16xi32>
      %rem3A_197 = arith.constant 26 : i32
      %rem3A_198 = vector.broadcast %rem3A_197 : i32 to vector<16xi32>
      %rem3A_199 = arith.remsi %add3A_196, %rem3A_198 : vector<16xi32>
      %get3A_200 = arith.constant 1 : i32
      %get3A_201 = arith.index_cast %get3A_200 : i32 to index
      %get3A_202 = arith.constant 0 : index
      %get3A_203 = tpu.vector_load %arg5[%get3A_201, %get3A_202] {strides = array<i32>} : memref<8x128xi32, #tpu.memory_space<vmem>>, vector<1x16xi32>,
      %get3A_204 = vector.shape_cast %get3A_203 : vector<1x16xi32> to vector<16xi32>
      %mul3A_205 = arith.constant 100000 : i32
      %mul3A_206 = vector.broadcast %mul3A_205 : i32 to vector<16xi32>
      %mul3A_207 = arith.muli %rem3A_199, %mul3A_206 : vector<16xi32>
      %add3A_208 = arith.addi %get3A_204, %mul3A_207 : vector<16xi32>
      %swap3A_209 = arith.constant 1 : i32
      %swap3A_210 = arith.index_cast %swap3A_209 : i32 to index
      %swap3A_211 = arith.constant 0 : index
      %swap3A_212 = tpu.vector_load %arg5[%swap3A_210, %swap3A_211] {strides = array<i32>} : memref<8x128xi32, #tpu.memory_space<vmem>>, vector<1x16xi32>,
      %swap3A_213 = vector.shape_cast %swap3A_212 : vector<1x16xi32> to vector<16xi32>
      %swap3A_214 = vector.shape_cast %add3A_208 : vector<16xi32> to vector<1x16xi32>
      tpu.vector_store %arg5[%swap3A_210, %swap3A_211], %swap3A_214 {strides = array<i32>} : memref<8x128xi32, #tpu.memory_space<vmem>>, vector<1x16xi32>,
      %add3A_215 = arith.constant 16 : i32
      %add3A_216 = arith.addi %mul3A_192, %add3A_215 : i32
      %add3A_217 = vector.broadcast %add3A_216 : i32 to vector<16xi32>
      %add3A_218 = arith.addi %iota3A, %add3A_217 : vector<16xi32>
      %rem3A_219 = arith.constant 26 : i32
      %rem3A_220 = vector.broadcast %rem3A_219 : i32 to vector<16xi32>
      %rem3A_221 = arith.remsi %add3A_218, %rem3A_220 : vector<16xi32>
      %get3A_222 = arith.constant 1 : i32
      %get3A_223 = arith.index_cast %get3A_222 : i32 to index
      %get3A_224 = arith.constant 16 : index
      %get3A_225 = tpu.vector_load %arg5[%get3A_223, %get3A_224] {strides = array<i32>} : memref<8x128xi32, #tpu.memory_space<vmem>>, vector<1x16xi32>,
      %get3A_226 = vector.shape_cast %get3A_225 : vector<1x16xi32> to vector<16xi32>
      %mul3A_227 = arith.constant 100000 : i32
      %mul3A_228 = vector.broadcast %mul3A_227 : i32 to vector<16xi32>
      %mul3A_229 = arith.muli %rem3A_221, %mul3A_228 : vector<16xi32>
      %add3A_230 = arith.addi %get3A_226, %mul3A_229 : vector<16xi32>
      %swap3A_231 = arith.constant 1 : i32
      %swap3A_232 = arith.index_cast %swap3A_231 : i32 to index
      %swap3A_233 = arith.constant 16 : index
      %swap3A_234 = tpu.vector_load %arg5[%swap3A_232, %swap3A_233] {strides = array<i32>} : memref<8x128xi32, #tpu.memory_space<vmem>>, vector<1x16xi32>,
      %swap3A_235 = vector.shape_cast %swap3A_234 : vector<1x16xi32> to vector<16xi32>
      %swap3A_236 = vector.shape_cast %add3A_230 : vector<16xi32> to vector<1x16xi32>
      tpu.vector_store %arg5[%swap3A_232, %swap3A_233], %swap3A_236 {strides = array<i32>} : memref<8x128xi32, #tpu.memory_space<vmem>>, vector<1x16xi32>,
      %add3A_237 = arith.constant 32 : i32
      %add3A_238 = arith.addi %mul3A_192, %add3A_237 : i32
      %add3A_239 = vector.broadcast %add3A_238 : i32 to vector<16xi32>
      %add3A_240 = arith.addi %iota3A, %add3A_239 : vector<16xi32>
      %rem3A_241 = arith.constant 26 : i32
      %rem3A_242 = vector.broadcast %rem3A_241 : i32 to vector<16xi32>
      %rem3A_243 = arith.remsi %add3A_240, %rem3A_242 : vector<16xi32>
      %get3A_244 = arith.constant 1 : i32
      %get3A_245 = arith.index_cast %get3A_244 : i32 to index
      %get3A_246 = arith.constant 32 : index
      %get3A_247 = tpu.vector_load %arg5[%get3A_245, %get3A_246] {strides = array<i32>} : memref<8x128xi32, #tpu.memory_space<vmem>>, vector<1x16xi32>,
      %get3A_248 = vector.shape_cast %get3A_247 : vector<1x16xi32> to vector<16xi32>
      %mul3A_249 = arith.constant 100000 : i32
      %mul3A_250 = vector.broadcast %mul3A_249 : i32 to vector<16xi32>
      %mul3A_251 = arith.muli %rem3A_243, %mul3A_250 : vector<16xi32>
      %add3A_252 = arith.addi %get3A_248, %mul3A_251 : vector<16xi32>
      %swap3A_253 = arith.constant 1 : i32
      %swap3A_254 = arith.index_cast %swap3A_253 : i32 to index
      %swap3A_255 = arith.constant 32 : index
      %swap3A_256 = tpu.vector_load %arg5[%swap3A_254, %swap3A_255] {strides = array<i32>} : memref<8x128xi32, #tpu.memory_space<vmem>>, vector<1x16xi32>,
      %swap3A_257 = vector.shape_cast %swap3A_256 : vector<1x16xi32> to vector<16xi32>
      %swap3A_258 = vector.shape_cast %add3A_252 : vector<16xi32> to vector<1x16xi32>
      tpu.vector_store %arg5[%swap3A_254, %swap3A_255], %swap3A_258 {strides = array<i32>} : memref<8x128xi32, #tpu.memory_space<vmem>>, vector<1x16xi32>,
      %add3A_259 = arith.constant 48 : i32
      %add3A_260 = arith.addi %mul3A_192, %add3A_259 : i32
      %add3A_261 = vector.broadcast %add3A_260 : i32 to vector<16xi32>
      %add3A_262 = arith.addi %iota3A, %add3A_261 : vector<16xi32>
      %rem3A_263 = arith.constant 26 : i32
      %rem3A_264 = vector.broadcast %rem3A_263 : i32 to vector<16xi32>
      %rem3A_265 = arith.remsi %add3A_262, %rem3A_264 : vector<16xi32>
      %get3A_266 = arith.constant 1 : i32
      %get3A_267 = arith.index_cast %get3A_266 : i32 to index
      %get3A_268 = arith.constant 48 : index
      %get3A_269 = tpu.vector_load %arg5[%get3A_267, %get3A_268] {strides = array<i32>} : memref<8x128xi32, #tpu.memory_space<vmem>>, vector<1x16xi32>,
      %get3A_270 = vector.shape_cast %get3A_269 : vector<1x16xi32> to vector<16xi32>
      %mul3A_271 = arith.constant 100000 : i32
      %mul3A_272 = vector.broadcast %mul3A_271 : i32 to vector<16xi32>
      %mul3A_273 = arith.muli %rem3A_265, %mul3A_272 : vector<16xi32>
      %add3A_274 = arith.addi %get3A_270, %mul3A_273 : vector<16xi32>
      %swap3A_275 = arith.constant 1 : i32
      %swap3A_276 = arith.index_cast %swap3A_275 : i32 to index
      %swap3A_277 = arith.constant 48 : index
      %swap3A_278 = tpu.vector_load %arg5[%swap3A_276, %swap3A_277] {strides = array<i32>} : memref<8x128xi32, #tpu.memory_space<vmem>>, vector<1x16xi32>,
      %swap3A_279 = vector.shape_cast %swap3A_278 : vector<1x16xi32> to vector<16xi32>
      %swap3A_280 = vector.shape_cast %add3A_274 : vector<16xi32> to vector<1x16xi32>
      tpu.vector_store %arg5[%swap3A_276, %swap3A_277], %swap3A_280 {strides = array<i32>} : memref<8x128xi32, #tpu.memory_space<vmem>>, vector<1x16xi32>,
      %add3A_281 = arith.constant 64 : i32
      %add3A_282 = arith.addi %mul3A_192, %add3A_281 : i32
      %add3A_283 = vector.broadcast %add3A_282 : i32 to vector<16xi32>
      %add3A_284 = arith.addi %iota3A, %add3A_283 : vector<16xi32>
      %rem3A_285 = arith.constant 26 : i32
      %rem3A_286 = vector.broadcast %rem3A_285 : i32 to vector<16xi32>
      %rem3A_287 = arith.remsi %add3A_284, %rem3A_286 : vector<16xi32>
      %get3A_288 = arith.constant 1 : i32
      %get3A_289 = arith.index_cast %get3A_288 : i32 to index
      %get3A_290 = arith.constant 64 : index
      %get3A_291 = tpu.vector_load %arg5[%get3A_289, %get3A_290] {strides = array<i32>} : memref<8x128xi32, #tpu.memory_space<vmem>>, vector<1x16xi32>,
      %get3A_292 = vector.shape_cast %get3A_291 : vector<1x16xi32> to vector<16xi32>
      %mul3A_293 = arith.constant 100000 : i32
      %mul3A_294 = vector.broadcast %mul3A_293 : i32 to vector<16xi32>
      %mul3A_295 = arith.muli %rem3A_287, %mul3A_294 : vector<16xi32>
      %add3A_296 = arith.addi %get3A_292, %mul3A_295 : vector<16xi32>
      %swap3A_297 = arith.constant 1 : i32
      %swap3A_298 = arith.index_cast %swap3A_297 : i32 to index
      %swap3A_299 = arith.constant 64 : index
      %swap3A_300 = tpu.vector_load %arg5[%swap3A_298, %swap3A_299] {strides = array<i32>} : memref<8x128xi32, #tpu.memory_space<vmem>>, vector<1x16xi32>,
      %swap3A_301 = vector.shape_cast %swap3A_300 : vector<1x16xi32> to vector<16xi32>
      %swap3A_302 = vector.shape_cast %add3A_296 : vector<16xi32> to vector<1x16xi32>
      tpu.vector_store %arg5[%swap3A_298, %swap3A_299], %swap3A_302 {strides = array<i32>} : memref<8x128xi32, #tpu.memory_space<vmem>>, vector<1x16xi32>,
      %add3A_303 = arith.constant 80 : i32
      %add3A_304 = arith.addi %mul3A_192, %add3A_303 : i32
      %add3A_305 = vector.broadcast %add3A_304 : i32 to vector<16xi32>
      %add3A_306 = arith.addi %iota3A, %add3A_305 : vector<16xi32>
      %rem3A_307 = arith.constant 26 : i32
      %rem3A_308 = vector.broadcast %rem3A_307 : i32 to vector<16xi32>
      %rem3A_309 = arith.remsi %add3A_306, %rem3A_308 : vector<16xi32>
      %get3A_310 = arith.constant 1 : i32
      %get3A_311 = arith.index_cast %get3A_310 : i32 to index
      %get3A_312 = arith.constant 80 : index
      %get3A_313 = tpu.vector_load %arg5[%get3A_311, %get3A_312] {strides = array<i32>} : memref<8x128xi32, #tpu.memory_space<vmem>>, vector<1x16xi32>,
      %get3A_314 = vector.shape_cast %get3A_313 : vector<1x16xi32> to vector<16xi32>
      %mul3A_315 = arith.constant 100000 : i32
      %mul3A_316 = vector.broadcast %mul3A_315 : i32 to vector<16xi32>
      %mul3A_317 = arith.muli %rem3A_309, %mul3A_316 : vector<16xi32>
      %add3A_318 = arith.addi %get3A_314, %mul3A_317 : vector<16xi32>
      %swap3A_319 = arith.constant 1 : i32
      %swap3A_320 = arith.index_cast %swap3A_319 : i32 to index
      %swap3A_321 = arith.constant 80 : index
      %swap3A_322 = tpu.vector_load %arg5[%swap3A_320, %swap3A_321] {strides = array<i32>} : memref<8x128xi32, #tpu.memory_space<vmem>>, vector<1x16xi32>,
      %swap3A_323 = vector.shape_cast %swap3A_322 : vector<1x16xi32> to vector<16xi32>
      %swap3A_324 = vector.shape_cast %add3A_318 : vector<16xi32> to vector<1x16xi32>
      tpu.vector_store %arg5[%swap3A_320, %swap3A_321], %swap3A_324 {strides = array<i32>} : memref<8x128xi32, #tpu.memory_space<vmem>>, vector<1x16xi32>,
      %add3A_325 = arith.constant 96 : i32
      %add3A_326 = arith.addi %mul3A_192, %add3A_325 : i32
      %add3A_327 = vector.broadcast %add3A_326 : i32 to vector<16xi32>
      %add3A_328 = arith.addi %iota3A, %add3A_327 : vector<16xi32>
      %rem3A_329 = arith.constant 26 : i32
      %rem3A_330 = vector.broadcast %rem3A_329 : i32 to vector<16xi32>
      %rem3A_331 = arith.remsi %add3A_328, %rem3A_330 : vector<16xi32>
      %get3A_332 = arith.constant 1 : i32
      %get3A_333 = arith.index_cast %get3A_332 : i32 to index
      %get3A_334 = arith.constant 96 : index
      %get3A_335 = tpu.vector_load %arg5[%get3A_333, %get3A_334] {strides = array<i32>} : memref<8x128xi32, #tpu.memory_space<vmem>>, vector<1x16xi32>,
      %get3A_336 = vector.shape_cast %get3A_335 : vector<1x16xi32> to vector<16xi32>
      %mul3A_337 = arith.constant 100000 : i32
      %mul3A_338 = vector.broadcast %mul3A_337 : i32 to vector<16xi32>
      %mul3A_339 = arith.muli %rem3A_331, %mul3A_338 : vector<16xi32>
      %add3A_340 = arith.addi %get3A_336, %mul3A_339 : vector<16xi32>
      %swap3A_341 = arith.constant 1 : i32
      %swap3A_342 = arith.index_cast %swap3A_341 : i32 to index
      %swap3A_343 = arith.constant 96 : index
      %swap3A_344 = tpu.vector_load %arg5[%swap3A_342, %swap3A_343] {strides = array<i32>} : memref<8x128xi32, #tpu.memory_space<vmem>>, vector<1x16xi32>,
      %swap3A_345 = vector.shape_cast %swap3A_344 : vector<1x16xi32> to vector<16xi32>
      %swap3A_346 = vector.shape_cast %add3A_340 : vector<16xi32> to vector<1x16xi32>
      tpu.vector_store %arg5[%swap3A_342, %swap3A_343], %swap3A_346 {strides = array<i32>} : memref<8x128xi32, #tpu.memory_space<vmem>>, vector<1x16xi32>,
      %add3A_347 = arith.constant 112 : i32
      %add3A_348 = arith.addi %mul3A_192, %add3A_347 : i32
      %add3A_349 = vector.broadcast %add3A_348 : i32 to vector<16xi32>
      %add3A_350 = arith.addi %iota3A, %add3A_349 : vector<16xi32>
      %rem3A_351 = arith.constant 26 : i32
      %rem3A_352 = vector.broadcast %rem3A_351 : i32 to vector<16xi32>
      %rem3A_353 = arith.remsi %add3A_350, %rem3A_352 : vector<16xi32>
      %get3A_354 = arith.constant 1 : i32
      %get3A_355 = arith.index_cast %get3A_354 : i32 to index
      %get3A_356 = arith.constant 112 : index
      %get3A_357 = tpu.vector_load %arg5[%get3A_355, %get3A_356] {strides = array<i32>} : memref<8x128xi32, #tpu.memory_space<vmem>>, vector<1x16xi32>,
      %get3A_358 = vector.shape_cast %get3A_357 : vector<1x16xi32> to vector<16xi32>
      %mul3A_359 = arith.constant 100000 : i32
      %mul3A_360 = vector.broadcast %mul3A_359 : i32 to vector<16xi32>
      %mul3A_361 = arith.muli %rem3A_353, %mul3A_360 : vector<16xi32>
      %add3A_362 = arith.addi %get3A_358, %mul3A_361 : vector<16xi32>
      %swap3A_363 = arith.constant 1 : i32
      %swap3A_364 = arith.index_cast %swap3A_363 : i32 to index
      %swap3A_365 = arith.constant 112 : index
      %swap3A_366 = tpu.vector_load %arg5[%swap3A_364, %swap3A_365] {strides = array<i32>} : memref<8x128xi32, #tpu.memory_space<vmem>>, vector<1x16xi32>,
      %swap3A_367 = vector.shape_cast %swap3A_366 : vector<1x16xi32> to vector<16xi32>
      %swap3A_368 = vector.shape_cast %add3A_362 : vector<16xi32> to vector<1x16xi32>
      tpu.vector_store %arg5[%swap3A_364, %swap3A_365], %swap3A_368 {strides = array<i32>} : memref<8x128xi32, #tpu.memory_space<vmem>>, vector<1x16xi32>,
      %add3A_369 = arith.constant 2 : i32
      %add3A_370 = arith.addi %add3A_11, %add3A_369 : i32
      %mul3A_371 = arith.constant 128 : i32
      %mul3A_372 = arith.muli %add3A_370, %mul3A_371 : i32
      %add3A_373 = arith.constant 0 : i32
      %add3A_374 = arith.addi %mul3A_372, %add3A_373 : i32
      %add3A_375 = vector.broadcast %add3A_374 : i32 to vector<16xi32>
      %add3A_376 = arith.addi %iota3A, %add3A_375 : vector<16xi32>
      %rem3A_377 = arith.constant 26 : i32
      %rem3A_378 = vector.broadcast %rem3A_377 : i32 to vector<16xi32>
      %rem3A_379 = arith.remsi %add3A_376, %rem3A_378 : vector<16xi32>
      %get3A_380 = arith.constant 2 : i32
      %get3A_381 = arith.index_cast %get3A_380 : i32 to index
      %get3A_382 = arith.constant 0 : index
      %get3A_383 = tpu.vector_load %arg5[%get3A_381, %get3A_382] {strides = array<i32>} : memref<8x128xi32, #tpu.memory_space<vmem>>, vector<1x16xi32>,
      %get3A_384 = vector.shape_cast %get3A_383 : vector<1x16xi32> to vector<16xi32>
      %mul3A_385 = arith.constant 100000 : i32
      %mul3A_386 = vector.broadcast %mul3A_385 : i32 to vector<16xi32>
      %mul3A_387 = arith.muli %rem3A_379, %mul3A_386 : vector<16xi32>
      %add3A_388 = arith.addi %get3A_384, %mul3A_387 : vector<16xi32>
      %swap3A_389 = arith.constant 2 : i32
      %swap3A_390 = arith.index_cast %swap3A_389 : i32 to index
      %swap3A_391 = arith.constant 0 : index
      %swap3A_392 = tpu.vector_load %arg5[%swap3A_390, %swap3A_391] {strides = array<i32>} : memref<8x128xi32, #tpu.memory_space<vmem>>, vector<1x16xi32>,
      %swap3A_393 = vector.shape_cast %swap3A_392 : vector<1x16xi32> to vector<16xi32>
      %swap3A_394 = vector.shape_cast %add3A_388 : vector<16xi32> to vector<1x16xi32>
      tpu.vector_store %arg5[%swap3A_390, %swap3A_391], %swap3A_394 {strides = array<i32>} : memref<8x128xi32, #tpu.memory_space<vmem>>, vector<1x16xi32>,
      %add3A_395 = arith.constant 16 : i32
      %add3A_396 = arith.addi %mul3A_372, %add3A_395 : i32
      %add3A_397 = vector.broadcast %add3A_396 : i32 to vector<16xi32>
      %add3A_398 = arith.addi %iota3A, %add3A_397 : vector<16xi32>
      %rem3A_399 = arith.constant 26 : i32
      %rem3A_400 = vector.broadcast %rem3A_399 : i32 to vector<16xi32>
      %rem3A_401 = arith.remsi %add3A_398, %rem3A_400 : vector<16xi32>
      %get3A_402 = arith.constant 2 : i32
      %get3A_403 = arith.index_cast %get3A_402 : i32 to index
      %get3A_404 = arith.constant 16 : index
      %get3A_405 = tpu.vector_load %arg5[%get3A_403, %get3A_404] {strides = array<i32>} : memref<8x128xi32, #tpu.memory_space<vmem>>, vector<1x16xi32>,
      %get3A_406 = vector.shape_cast %get3A_405 : vector<1x16xi32> to vector<16xi32>
      %mul3A_407 = arith.constant 100000 : i32
      %mul3A_408 = vector.broadcast %mul3A_407 : i32 to vector<16xi32>
      %mul3A_409 = arith.muli %rem3A_401, %mul3A_408 : vector<16xi32>
      %add3A_410 = arith.addi %get3A_406, %mul3A_409 : vector<16xi32>
      %swap3A_411 = arith.constant 2 : i32
      %swap3A_412 = arith.index_cast %swap3A_411 : i32 to index
      %swap3A_413 = arith.constant 16 : index
      %swap3A_414 = tpu.vector_load %arg5[%swap3A_412, %swap3A_413] {strides = array<i32>} : memref<8x128xi32, #tpu.memory_space<vmem>>, vector<1x16xi32>,
      %swap3A_415 = vector.shape_cast %swap3A_414 : vector<1x16xi32> to vector<16xi32>
      %swap3A_416 = vector.shape_cast %add3A_410 : vector<16xi32> to vector<1x16xi32>
      tpu.vector_store %arg5[%swap3A_412, %swap3A_413], %swap3A_416 {strides = array<i32>} : memref<8x128xi32, #tpu.memory_space<vmem>>, vector<1x16xi32>,
      %add3A_417 = arith.constant 32 : i32
      %add3A_418 = arith.addi %mul3A_372, %add3A_417 : i32
      %add3A_419 = vector.broadcast %add3A_418 : i32 to vector<16xi32>
      %add3A_420 = arith.addi %iota3A, %add3A_419 : vector<16xi32>
      %rem3A_421 = arith.constant 26 : i32
      %rem3A_422 = vector.broadcast %rem3A_421 : i32 to vector<16xi32>
      %rem3A_423 = arith.remsi %add3A_420, %rem3A_422 : vector<16xi32>
      %get3A_424 = arith.constant 2 : i32
      %get3A_425 = arith.index_cast %get3A_424 : i32 to index
      %get3A_426 = arith.constant 32 : index
      %get3A_427 = tpu.vector_load %arg5[%get3A_425, %get3A_426] {strides = array<i32>} : memref<8x128xi32, #tpu.memory_space<vmem>>, vector<1x16xi32>,
      %get3A_428 = vector.shape_cast %get3A_427 : vector<1x16xi32> to vector<16xi32>
      %mul3A_429 = arith.constant 100000 : i32
      %mul3A_430 = vector.broadcast %mul3A_429 : i32 to vector<16xi32>
      %mul3A_431 = arith.muli %rem3A_423, %mul3A_430 : vector<16xi32>
      %add3A_432 = arith.addi %get3A_428, %mul3A_431 : vector<16xi32>
      %swap3A_433 = arith.constant 2 : i32
      %swap3A_434 = arith.index_cast %swap3A_433 : i32 to index
      %swap3A_435 = arith.constant 32 : index
      %swap3A_436 = tpu.vector_load %arg5[%swap3A_434, %swap3A_435] {strides = array<i32>} : memref<8x128xi32, #tpu.memory_space<vmem>>, vector<1x16xi32>,
      %swap3A_437 = vector.shape_cast %swap3A_436 : vector<1x16xi32> to vector<16xi32>
      %swap3A_438 = vector.shape_cast %add3A_432 : vector<16xi32> to vector<1x16xi32>
      tpu.vector_store %arg5[%swap3A_434, %swap3A_435], %swap3A_438 {strides = array<i32>} : memref<8x128xi32, #tpu.memory_space<vmem>>, vector<1x16xi32>,
      %add3A_439 = arith.constant 48 : i32
      %add3A_440 = arith.addi %mul3A_372, %add3A_439 : i32
      %add3A_441 = vector.broadcast %add3A_440 : i32 to vector<16xi32>
      %add3A_442 = arith.addi %iota3A, %add3A_441 : vector<16xi32>
      %rem3A_443 = arith.constant 26 : i32
      %rem3A_444 = vector.broadcast %rem3A_443 : i32 to vector<16xi32>
      %rem3A_445 = arith.remsi %add3A_442, %rem3A_444 : vector<16xi32>
      %get3A_446 = arith.constant 2 : i32
      %get3A_447 = arith.index_cast %get3A_446 : i32 to index
      %get3A_448 = arith.constant 48 : index
      %get3A_449 = tpu.vector_load %arg5[%get3A_447, %get3A_448] {strides = array<i32>} : memref<8x128xi32, #tpu.memory_space<vmem>>, vector<1x16xi32>,
      %get3A_450 = vector.shape_cast %get3A_449 : vector<1x16xi32> to vector<16xi32>
      %mul3A_451 = arith.constant 100000 : i32
      %mul3A_452 = vector.broadcast %mul3A_451 : i32 to vector<16xi32>
      %mul3A_453 = arith.muli %rem3A_445, %mul3A_452 : vector<16xi32>
      %add3A_454 = arith.addi %get3A_450, %mul3A_453 : vector<16xi32>
      %swap3A_455 = arith.constant 2 : i32
      %swap3A_456 = arith.index_cast %swap3A_455 : i32 to index
      %swap3A_457 = arith.constant 48 : index
      %swap3A_458 = tpu.vector_load %arg5[%swap3A_456, %swap3A_457] {strides = array<i32>} : memref<8x128xi32, #tpu.memory_space<vmem>>, vector<1x16xi32>,
      %swap3A_459 = vector.shape_cast %swap3A_458 : vector<1x16xi32> to vector<16xi32>
      %swap3A_460 = vector.shape_cast %add3A_454 : vector<16xi32> to vector<1x16xi32>
      tpu.vector_store %arg5[%swap3A_456, %swap3A_457], %swap3A_460 {strides = array<i32>} : memref<8x128xi32, #tpu.memory_space<vmem>>, vector<1x16xi32>,
      %add3A_461 = arith.constant 64 : i32
      %add3A_462 = arith.addi %mul3A_372, %add3A_461 : i32
      %add3A_463 = vector.broadcast %add3A_462 : i32 to vector<16xi32>
      %add3A_464 = arith.addi %iota3A, %add3A_463 : vector<16xi32>
      %rem3A_465 = arith.constant 26 : i32
      %rem3A_466 = vector.broadcast %rem3A_465 : i32 to vector<16xi32>
      %rem3A_467 = arith.remsi %add3A_464, %rem3A_466 : vector<16xi32>
      %get3A_468 = arith.constant 2 : i32
      %get3A_469 = arith.index_cast %get3A_468 : i32 to index
      %get3A_470 = arith.constant 64 : index
      %get3A_471 = tpu.vector_load %arg5[%get3A_469, %get3A_470] {strides = array<i32>} : memref<8x128xi32, #tpu.memory_space<vmem>>, vector<1x16xi32>,
      %get3A_472 = vector.shape_cast %get3A_471 : vector<1x16xi32> to vector<16xi32>
      %mul3A_473 = arith.constant 100000 : i32
      %mul3A_474 = vector.broadcast %mul3A_473 : i32 to vector<16xi32>
      %mul3A_475 = arith.muli %rem3A_467, %mul3A_474 : vector<16xi32>
      %add3A_476 = arith.addi %get3A_472, %mul3A_475 : vector<16xi32>
      %swap3A_477 = arith.constant 2 : i32
      %swap3A_478 = arith.index_cast %swap3A_477 : i32 to index
      %swap3A_479 = arith.constant 64 : index
      %swap3A_480 = tpu.vector_load %arg5[%swap3A_478, %swap3A_479] {strides = array<i32>} : memref<8x128xi32, #tpu.memory_space<vmem>>, vector<1x16xi32>,
      %swap3A_481 = vector.shape_cast %swap3A_480 : vector<1x16xi32> to vector<16xi32>
      %swap3A_482 = vector.shape_cast %add3A_476 : vector<16xi32> to vector<1x16xi32>
      tpu.vector_store %arg5[%swap3A_478, %swap3A_479], %swap3A_482 {strides = array<i32>} : memref<8x128xi32, #tpu.memory_space<vmem>>, vector<1x16xi32>,
      %add3A_483 = arith.constant 80 : i32
      %add3A_484 = arith.addi %mul3A_372, %add3A_483 : i32
      %add3A_485 = vector.broadcast %add3A_484 : i32 to vector<16xi32>
      %add3A_486 = arith.addi %iota3A, %add3A_485 : vector<16xi32>
      %rem3A_487 = arith.constant 26 : i32
      %rem3A_488 = vector.broadcast %rem3A_487 : i32 to vector<16xi32>
      %rem3A_489 = arith.remsi %add3A_486, %rem3A_488 : vector<16xi32>
      %get3A_490 = arith.constant 2 : i32
      %get3A_491 = arith.index_cast %get3A_490 : i32 to index
      %get3A_492 = arith.constant 80 : index
      %get3A_493 = tpu.vector_load %arg5[%get3A_491, %get3A_492] {strides = array<i32>} : memref<8x128xi32, #tpu.memory_space<vmem>>, vector<1x16xi32>,
      %get3A_494 = vector.shape_cast %get3A_493 : vector<1x16xi32> to vector<16xi32>
      %mul3A_495 = arith.constant 100000 : i32
      %mul3A_496 = vector.broadcast %mul3A_495 : i32 to vector<16xi32>
      %mul3A_497 = arith.muli %rem3A_489, %mul3A_496 : vector<16xi32>
      %add3A_498 = arith.addi %get3A_494, %mul3A_497 : vector<16xi32>
      %swap3A_499 = arith.constant 2 : i32
      %swap3A_500 = arith.index_cast %swap3A_499 : i32 to index
      %swap3A_501 = arith.constant 80 : index
      %swap3A_502 = tpu.vector_load %arg5[%swap3A_500, %swap3A_501] {strides = array<i32>} : memref<8x128xi32, #tpu.memory_space<vmem>>, vector<1x16xi32>,
      %swap3A_503 = vector.shape_cast %swap3A_502 : vector<1x16xi32> to vector<16xi32>
      %swap3A_504 = vector.shape_cast %add3A_498 : vector<16xi32> to vector<1x16xi32>
      tpu.vector_store %arg5[%swap3A_500, %swap3A_501], %swap3A_504 {strides = array<i32>} : memref<8x128xi32, #tpu.memory_space<vmem>>, vector<1x16xi32>,
      %add3A_505 = arith.constant 96 : i32
      %add3A_506 = arith.addi %mul3A_372, %add3A_505 : i32
      %add3A_507 = vector.broadcast %add3A_506 : i32 to vector<16xi32>
      %add3A_508 = arith.addi %iota3A, %add3A_507 : vector<16xi32>
      %rem3A_509 = arith.constant 26 : i32
      %rem3A_510 = vector.broadcast %rem3A_509 : i32 to vector<16xi32>
      %rem3A_511 = arith.remsi %add3A_508, %rem3A_510 : vector<16xi32>
      %get3A_512 = arith.constant 2 : i32
      %get3A_513 = arith.index_cast %get3A_512 : i32 to index
      %get3A_514 = arith.constant 96 : index
      %get3A_515 = tpu.vector_load %arg5[%get3A_513, %get3A_514] {strides = array<i32>} : memref<8x128xi32, #tpu.memory_space<vmem>>, vector<1x16xi32>,
      %get3A_516 = vector.shape_cast %get3A_515 : vector<1x16xi32> to vector<16xi32>
      %mul3A_517 = arith.constant 100000 : i32
      %mul3A_518 = vector.broadcast %mul3A_517 : i32 to vector<16xi32>
      %mul3A_519 = arith.muli %rem3A_511, %mul3A_518 : vector<16xi32>
      %add3A_520 = arith.addi %get3A_516, %mul3A_519 : vector<16xi32>
      %swap3A_521 = arith.constant 2 : i32
      %swap3A_522 = arith.index_cast %swap3A_521 : i32 to index
      %swap3A_523 = arith.constant 96 : index
      %swap3A_524 = tpu.vector_load %arg5[%swap3A_522, %swap3A_523] {strides = array<i32>} : memref<8x128xi32, #tpu.memory_space<vmem>>, vector<1x16xi32>,
      %swap3A_525 = vector.shape_cast %swap3A_524 : vector<1x16xi32> to vector<16xi32>
      %swap3A_526 = vector.shape_cast %add3A_520 : vector<16xi32> to vector<1x16xi32>
      tpu.vector_store %arg5[%swap3A_522, %swap3A_523], %swap3A_526 {strides = array<i32>} : memref<8x128xi32, #tpu.memory_space<vmem>>, vector<1x16xi32>,
      %add3A_527 = arith.constant 112 : i32
      %add3A_528 = arith.addi %mul3A_372, %add3A_527 : i32
      %add3A_529 = vector.broadcast %add3A_528 : i32 to vector<16xi32>
      %add3A_530 = arith.addi %iota3A, %add3A_529 : vector<16xi32>
      %rem3A_531 = arith.constant 26 : i32
      %rem3A_532 = vector.broadcast %rem3A_531 : i32 to vector<16xi32>
      %rem3A_533 = arith.remsi %add3A_530, %rem3A_532 : vector<16xi32>
      %get3A_534 = arith.constant 2 : i32
      %get3A_535 = arith.index_cast %get3A_534 : i32 to index
      %get3A_536 = arith.constant 112 : index
      %get3A_537 = tpu.vector_load %arg5[%get3A_535, %get3A_536] {strides = array<i32>} : memref<8x128xi32, #tpu.memory_space<vmem>>, vector<1x16xi32>,
      %get3A_538 = vector.shape_cast %get3A_537 : vector<1x16xi32> to vector<16xi32>
      %mul3A_539 = arith.constant 100000 : i32
      %mul3A_540 = vector.broadcast %mul3A_539 : i32 to vector<16xi32>
      %mul3A_541 = arith.muli %rem3A_533, %mul3A_540 : vector<16xi32>
      %add3A_542 = arith.addi %get3A_538, %mul3A_541 : vector<16xi32>
      %swap3A_543 = arith.constant 2 : i32
      %swap3A_544 = arith.index_cast %swap3A_543 : i32 to index
      %swap3A_545 = arith.constant 112 : index
      %swap3A_546 = tpu.vector_load %arg5[%swap3A_544, %swap3A_545] {strides = array<i32>} : memref<8x128xi32, #tpu.memory_space<vmem>>, vector<1x16xi32>,
      %swap3A_547 = vector.shape_cast %swap3A_546 : vector<1x16xi32> to vector<16xi32>
      %swap3A_548 = vector.shape_cast %add3A_542 : vector<16xi32> to vector<1x16xi32>
      tpu.vector_store %arg5[%swap3A_544, %swap3A_545], %swap3A_548 {strides = array<i32>} : memref<8x128xi32, #tpu.memory_space<vmem>>, vector<1x16xi32>,
      %add3A_549 = arith.constant 3 : i32
      %add3A_550 = arith.addi %add3A_11, %add3A_549 : i32
      %mul3A_551 = arith.constant 128 : i32
      %mul3A_552 = arith.muli %add3A_550, %mul3A_551 : i32
      %add3A_553 = arith.constant 0 : i32
      %add3A_554 = arith.addi %mul3A_552, %add3A_553 : i32
      %add3A_555 = vector.broadcast %add3A_554 : i32 to vector<16xi32>
      %add3A_556 = arith.addi %iota3A, %add3A_555 : vector<16xi32>
      %rem3A_557 = arith.constant 26 : i32
      %rem3A_558 = vector.broadcast %rem3A_557 : i32 to vector<16xi32>
      %rem3A_559 = arith.remsi %add3A_556, %rem3A_558 : vector<16xi32>
      %get3A_560 = arith.constant 3 : i32
      %get3A_561 = arith.index_cast %get3A_560 : i32 to index
      %get3A_562 = arith.constant 0 : index
      %get3A_563 = tpu.vector_load %arg5[%get3A_561, %get3A_562] {strides = array<i32>} : memref<8x128xi32, #tpu.memory_space<vmem>>, vector<1x16xi32>,
      %get3A_564 = vector.shape_cast %get3A_563 : vector<1x16xi32> to vector<16xi32>
      %mul3A_565 = arith.constant 100000 : i32
      %mul3A_566 = vector.broadcast %mul3A_565 : i32 to vector<16xi32>
      %mul3A_567 = arith.muli %rem3A_559, %mul3A_566 : vector<16xi32>
      %add3A_568 = arith.addi %get3A_564, %mul3A_567 : vector<16xi32>
      %swap3A_569 = arith.constant 3 : i32
      %swap3A_570 = arith.index_cast %swap3A_569 : i32 to index
      %swap3A_571 = arith.constant 0 : index
      %swap3A_572 = tpu.vector_load %arg5[%swap3A_570, %swap3A_571] {strides = array<i32>} : memref<8x128xi32, #tpu.memory_space<vmem>>, vector<1x16xi32>,
      %swap3A_573 = vector.shape_cast %swap3A_572 : vector<1x16xi32> to vector<16xi32>
      %swap3A_574 = vector.shape_cast %add3A_568 : vector<16xi32> to vector<1x16xi32>
      tpu.vector_store %arg5[%swap3A_570, %swap3A_571], %swap3A_574 {strides = array<i32>} : memref<8x128xi32, #tpu.memory_space<vmem>>, vector<1x16xi32>,
      %add3A_575 = arith.constant 16 : i32
      %add3A_576 = arith.addi %mul3A_552, %add3A_575 : i32
      %add3A_577 = vector.broadcast %add3A_576 : i32 to vector<16xi32>
      %add3A_578 = arith.addi %iota3A, %add3A_577 : vector<16xi32>
      %rem3A_579 = arith.constant 26 : i32
      %rem3A_580 = vector.broadcast %rem3A_579 : i32 to vector<16xi32>
      %rem3A_581 = arith.remsi %add3A_578, %rem3A_580 : vector<16xi32>
      %get3A_582 = arith.constant 3 : i32
      %get3A_583 = arith.index_cast %get3A_582 : i32 to index
      %get3A_584 = arith.constant 16 : index
      %get3A_585 = tpu.vector_load %arg5[%get3A_583, %get3A_584] {strides = array<i32>} : memref<8x128xi32, #tpu.memory_space<vmem>>, vector<1x16xi32>,
      %get3A_586 = vector.shape_cast %get3A_585 : vector<1x16xi32> to vector<16xi32>
      %mul3A_587 = arith.constant 100000 : i32
      %mul3A_588 = vector.broadcast %mul3A_587 : i32 to vector<16xi32>
      %mul3A_589 = arith.muli %rem3A_581, %mul3A_588 : vector<16xi32>
      %add3A_590 = arith.addi %get3A_586, %mul3A_589 : vector<16xi32>
      %swap3A_591 = arith.constant 3 : i32
      %swap3A_592 = arith.index_cast %swap3A_591 : i32 to index
      %swap3A_593 = arith.constant 16 : index
      %swap3A_594 = tpu.vector_load %arg5[%swap3A_592, %swap3A_593] {strides = array<i32>} : memref<8x128xi32, #tpu.memory_space<vmem>>, vector<1x16xi32>,
      %swap3A_595 = vector.shape_cast %swap3A_594 : vector<1x16xi32> to vector<16xi32>
      %swap3A_596 = vector.shape_cast %add3A_590 : vector<16xi32> to vector<1x16xi32>
      tpu.vector_store %arg5[%swap3A_592, %swap3A_593], %swap3A_596 {strides = array<i32>} : memref<8x128xi32, #tpu.memory_space<vmem>>, vector<1x16xi32>,
      %add3A_597 = arith.constant 32 : i32
      %add3A_598 = arith.addi %mul3A_552, %add3A_597 : i32
      %add3A_599 = vector.broadcast %add3A_598 : i32 to vector<16xi32>
      %add3A_600 = arith.addi %iota3A, %add3A_599 : vector<16xi32>
      %rem3A_601 = arith.constant 26 : i32
      %rem3A_602 = vector.broadcast %rem3A_601 : i32 to vector<16xi32>
      %rem3A_603 = arith.remsi %add3A_600, %rem3A_602 : vector<16xi32>
      %get3A_604 = arith.constant 3 : i32
      %get3A_605 = arith.index_cast %get3A_604 : i32 to index
      %get3A_606 = arith.constant 32 : index
      %get3A_607 = tpu.vector_load %arg5[%get3A_605, %get3A_606] {strides = array<i32>} : memref<8x128xi32, #tpu.memory_space<vmem>>, vector<1x16xi32>,
      %get3A_608 = vector.shape_cast %get3A_607 : vector<1x16xi32> to vector<16xi32>
      %mul3A_609 = arith.constant 100000 : i32
      %mul3A_610 = vector.broadcast %mul3A_609 : i32 to vector<16xi32>
      %mul3A_611 = arith.muli %rem3A_603, %mul3A_610 : vector<16xi32>
      %add3A_612 = arith.addi %get3A_608, %mul3A_611 : vector<16xi32>
      %swap3A_613 = arith.constant 3 : i32
      %swap3A_614 = arith.index_cast %swap3A_613 : i32 to index
      %swap3A_615 = arith.constant 32 : index
      %swap3A_616 = tpu.vector_load %arg5[%swap3A_614, %swap3A_615] {strides = array<i32>} : memref<8x128xi32, #tpu.memory_space<vmem>>, vector<1x16xi32>,
      %swap3A_617 = vector.shape_cast %swap3A_616 : vector<1x16xi32> to vector<16xi32>
      %swap3A_618 = vector.shape_cast %add3A_612 : vector<16xi32> to vector<1x16xi32>
      tpu.vector_store %arg5[%swap3A_614, %swap3A_615], %swap3A_618 {strides = array<i32>} : memref<8x128xi32, #tpu.memory_space<vmem>>, vector<1x16xi32>,
      %add3A_619 = arith.constant 48 : i32
      %add3A_620 = arith.addi %mul3A_552, %add3A_619 : i32
      %add3A_621 = vector.broadcast %add3A_620 : i32 to vector<16xi32>
      %add3A_622 = arith.addi %iota3A, %add3A_621 : vector<16xi32>
      %rem3A_623 = arith.constant 26 : i32
      %rem3A_624 = vector.broadcast %rem3A_623 : i32 to vector<16xi32>
      %rem3A_625 = arith.remsi %add3A_622, %rem3A_624 : vector<16xi32>
      %get3A_626 = arith.constant 3 : i32
      %get3A_627 = arith.index_cast %get3A_626 : i32 to index
      %get3A_628 = arith.constant 48 : index
      %get3A_629 = tpu.vector_load %arg5[%get3A_627, %get3A_628] {strides = array<i32>} : memref<8x128xi32, #tpu.memory_space<vmem>>, vector<1x16xi32>,
      %get3A_630 = vector.shape_cast %get3A_629 : vector<1x16xi32> to vector<16xi32>
      %mul3A_631 = arith.constant 100000 : i32
      %mul3A_632 = vector.broadcast %mul3A_631 : i32 to vector<16xi32>
      %mul3A_633 = arith.muli %rem3A_625, %mul3A_632 : vector<16xi32>
      %add3A_634 = arith.addi %get3A_630, %mul3A_633 : vector<16xi32>
      %swap3A_635 = arith.constant 3 : i32
      %swap3A_636 = arith.index_cast %swap3A_635 : i32 to index
      %swap3A_637 = arith.constant 48 : index
      %swap3A_638 = tpu.vector_load %arg5[%swap3A_636, %swap3A_637] {strides = array<i32>} : memref<8x128xi32, #tpu.memory_space<vmem>>, vector<1x16xi32>,
      %swap3A_639 = vector.shape_cast %swap3A_638 : vector<1x16xi32> to vector<16xi32>
      %swap3A_640 = vector.shape_cast %add3A_634 : vector<16xi32> to vector<1x16xi32>
      tpu.vector_store %arg5[%swap3A_636, %swap3A_637], %swap3A_640 {strides = array<i32>} : memref<8x128xi32, #tpu.memory_space<vmem>>, vector<1x16xi32>,
      %add3A_641 = arith.constant 64 : i32
      %add3A_642 = arith.addi %mul3A_552, %add3A_641 : i32
      %add3A_643 = vector.broadcast %add3A_642 : i32 to vector<16xi32>
      %add3A_644 = arith.addi %iota3A, %add3A_643 : vector<16xi32>
      %rem3A_645 = arith.constant 26 : i32
      %rem3A_646 = vector.broadcast %rem3A_645 : i32 to vector<16xi32>
      %rem3A_647 = arith.remsi %add3A_644, %rem3A_646 : vector<16xi32>
      %get3A_648 = arith.constant 3 : i32
      %get3A_649 = arith.index_cast %get3A_648 : i32 to index
      %get3A_650 = arith.constant 64 : index
      %get3A_651 = tpu.vector_load %arg5[%get3A_649, %get3A_650] {strides = array<i32>} : memref<8x128xi32, #tpu.memory_space<vmem>>, vector<1x16xi32>,
      %get3A_652 = vector.shape_cast %get3A_651 : vector<1x16xi32> to vector<16xi32>
      %mul3A_653 = arith.constant 100000 : i32
      %mul3A_654 = vector.broadcast %mul3A_653 : i32 to vector<16xi32>
      %mul3A_655 = arith.muli %rem3A_647, %mul3A_654 : vector<16xi32>
      %add3A_656 = arith.addi %get3A_652, %mul3A_655 : vector<16xi32>
      %swap3A_657 = arith.constant 3 : i32
      %swap3A_658 = arith.index_cast %swap3A_657 : i32 to index
      %swap3A_659 = arith.constant 64 : index
      %swap3A_660 = tpu.vector_load %arg5[%swap3A_658, %swap3A_659] {strides = array<i32>} : memref<8x128xi32, #tpu.memory_space<vmem>>, vector<1x16xi32>,
      %swap3A_661 = vector.shape_cast %swap3A_660 : vector<1x16xi32> to vector<16xi32>
      %swap3A_662 = vector.shape_cast %add3A_656 : vector<16xi32> to vector<1x16xi32>
      tpu.vector_store %arg5[%swap3A_658, %swap3A_659], %swap3A_662 {strides = array<i32>} : memref<8x128xi32, #tpu.memory_space<vmem>>, vector<1x16xi32>,
      %add3A_663 = arith.constant 80 : i32
      %add3A_664 = arith.addi %mul3A_552, %add3A_663 : i32
      %add3A_665 = vector.broadcast %add3A_664 : i32 to vector<16xi32>
      %add3A_666 = arith.addi %iota3A, %add3A_665 : vector<16xi32>
      %rem3A_667 = arith.constant 26 : i32
      %rem3A_668 = vector.broadcast %rem3A_667 : i32 to vector<16xi32>
      %rem3A_669 = arith.remsi %add3A_666, %rem3A_668 : vector<16xi32>
      %get3A_670 = arith.constant 3 : i32
      %get3A_671 = arith.index_cast %get3A_670 : i32 to index
      %get3A_672 = arith.constant 80 : index
      %get3A_673 = tpu.vector_load %arg5[%get3A_671, %get3A_672] {strides = array<i32>} : memref<8x128xi32, #tpu.memory_space<vmem>>, vector<1x16xi32>,
      %get3A_674 = vector.shape_cast %get3A_673 : vector<1x16xi32> to vector<16xi32>
      %mul3A_675 = arith.constant 100000 : i32
      %mul3A_676 = vector.broadcast %mul3A_675 : i32 to vector<16xi32>
      %mul3A_677 = arith.muli %rem3A_669, %mul3A_676 : vector<16xi32>
      %add3A_678 = arith.addi %get3A_674, %mul3A_677 : vector<16xi32>
      %swap3A_679 = arith.constant 3 : i32
      %swap3A_680 = arith.index_cast %swap3A_679 : i32 to index
      %swap3A_681 = arith.constant 80 : index
      %swap3A_682 = tpu.vector_load %arg5[%swap3A_680, %swap3A_681] {strides = array<i32>} : memref<8x128xi32, #tpu.memory_space<vmem>>, vector<1x16xi32>,
      %swap3A_683 = vector.shape_cast %swap3A_682 : vector<1x16xi32> to vector<16xi32>
      %swap3A_684 = vector.shape_cast %add3A_678 : vector<16xi32> to vector<1x16xi32>
      tpu.vector_store %arg5[%swap3A_680, %swap3A_681], %swap3A_684 {strides = array<i32>} : memref<8x128xi32, #tpu.memory_space<vmem>>, vector<1x16xi32>,
      %add3A_685 = arith.constant 96 : i32
      %add3A_686 = arith.addi %mul3A_552, %add3A_685 : i32
      %add3A_687 = vector.broadcast %add3A_686 : i32 to vector<16xi32>
      %add3A_688 = arith.addi %iota3A, %add3A_687 : vector<16xi32>
      %rem3A_689 = arith.constant 26 : i32
      %rem3A_690 = vector.broadcast %rem3A_689 : i32 to vector<16xi32>
      %rem3A_691 = arith.remsi %add3A_688, %rem3A_690 : vector<16xi32>
      %get3A_692 = arith.constant 3 : i32
      %get3A_693 = arith.index_cast %get3A_692 : i32 to index
      %get3A_694 = arith.constant 96 : index
      %get3A_695 = tpu.vector_load %arg5[%get3A_693, %get3A_694] {strides = array<i32>} : memref<8x128xi32, #tpu.memory_space<vmem>>, vector<1x16xi32>,
      %get3A_696 = vector.shape_cast %get3A_695 : vector<1x16xi32> to vector<16xi32>
      %mul3A_697 = arith.constant 100000 : i32
      %mul3A_698 = vector.broadcast %mul3A_697 : i32 to vector<16xi32>
      %mul3A_699 = arith.muli %rem3A_691, %mul3A_698 : vector<16xi32>
      %add3A_700 = arith.addi %get3A_696, %mul3A_699 : vector<16xi32>
      %swap3A_701 = arith.constant 3 : i32
      %swap3A_702 = arith.index_cast %swap3A_701 : i32 to index
      %swap3A_703 = arith.constant 96 : index
      %swap3A_704 = tpu.vector_load %arg5[%swap3A_702, %swap3A_703] {strides = array<i32>} : memref<8x128xi32, #tpu.memory_space<vmem>>, vector<1x16xi32>,
      %swap3A_705 = vector.shape_cast %swap3A_704 : vector<1x16xi32> to vector<16xi32>
      %swap3A_706 = vector.shape_cast %add3A_700 : vector<16xi32> to vector<1x16xi32>
      tpu.vector_store %arg5[%swap3A_702, %swap3A_703], %swap3A_706 {strides = array<i32>} : memref<8x128xi32, #tpu.memory_space<vmem>>, vector<1x16xi32>,
      %add3A_707 = arith.constant 112 : i32
      %add3A_708 = arith.addi %mul3A_552, %add3A_707 : i32
      %add3A_709 = vector.broadcast %add3A_708 : i32 to vector<16xi32>
      %add3A_710 = arith.addi %iota3A, %add3A_709 : vector<16xi32>
      %rem3A_711 = arith.constant 26 : i32
      %rem3A_712 = vector.broadcast %rem3A_711 : i32 to vector<16xi32>
      %rem3A_713 = arith.remsi %add3A_710, %rem3A_712 : vector<16xi32>
      %get3A_714 = arith.constant 3 : i32
      %get3A_715 = arith.index_cast %get3A_714 : i32 to index
      %get3A_716 = arith.constant 112 : index
      %get3A_717 = tpu.vector_load %arg5[%get3A_715, %get3A_716] {strides = array<i32>} : memref<8x128xi32, #tpu.memory_space<vmem>>, vector<1x16xi32>,
      %get3A_718 = vector.shape_cast %get3A_717 : vector<1x16xi32> to vector<16xi32>
      %mul3A_719 = arith.constant 100000 : i32
      %mul3A_720 = vector.broadcast %mul3A_719 : i32 to vector<16xi32>
      %mul3A_721 = arith.muli %rem3A_713, %mul3A_720 : vector<16xi32>
      %add3A_722 = arith.addi %get3A_718, %mul3A_721 : vector<16xi32>
      %swap3A_723 = arith.constant 3 : i32
      %swap3A_724 = arith.index_cast %swap3A_723 : i32 to index
      %swap3A_725 = arith.constant 112 : index
      %swap3A_726 = tpu.vector_load %arg5[%swap3A_724, %swap3A_725] {strides = array<i32>} : memref<8x128xi32, #tpu.memory_space<vmem>>, vector<1x16xi32>,
      %swap3A_727 = vector.shape_cast %swap3A_726 : vector<1x16xi32> to vector<16xi32>
      %swap3A_728 = vector.shape_cast %add3A_722 : vector<16xi32> to vector<1x16xi32>
      tpu.vector_store %arg5[%swap3A_724, %swap3A_725], %swap3A_728 {strides = array<i32>} : memref<8x128xi32, #tpu.memory_space<vmem>>, vector<1x16xi32>,
      %add3A_729 = arith.constant 4 : i32
      %add3A_730 = arith.addi %add3A_11, %add3A_729 : i32
      %mul3A_731 = arith.constant 128 : i32
      %mul3A_732 = arith.muli %add3A_730, %mul3A_731 : i32
      %add3A_733 = arith.constant 0 : i32
      %add3A_734 = arith.addi %mul3A_732, %add3A_733 : i32
      %add3A_735 = vector.broadcast %add3A_734 : i32 to vector<16xi32>
      %add3A_736 = arith.addi %iota3A, %add3A_735 : vector<16xi32>
      %rem3A_737 = arith.constant 26 : i32
      %rem3A_738 = vector.broadcast %rem3A_737 : i32 to vector<16xi32>
      %rem3A_739 = arith.remsi %add3A_736, %rem3A_738 : vector<16xi32>
      %get3A_740 = arith.constant 4 : i32
      %get3A_741 = arith.index_cast %get3A_740 : i32 to index
      %get3A_742 = arith.constant 0 : index
      %get3A_743 = tpu.vector_load %arg5[%get3A_741, %get3A_742] {strides = array<i32>} : memref<8x128xi32, #tpu.memory_space<vmem>>, vector<1x16xi32>,
      %get3A_744 = vector.shape_cast %get3A_743 : vector<1x16xi32> to vector<16xi32>
      %mul3A_745 = arith.constant 100000 : i32
      %mul3A_746 = vector.broadcast %mul3A_745 : i32 to vector<16xi32>
      %mul3A_747 = arith.muli %rem3A_739, %mul3A_746 : vector<16xi32>
      %add3A_748 = arith.addi %get3A_744, %mul3A_747 : vector<16xi32>
      %swap3A_749 = arith.constant 4 : i32
      %swap3A_750 = arith.index_cast %swap3A_749 : i32 to index
      %swap3A_751 = arith.constant 0 : index
      %swap3A_752 = tpu.vector_load %arg5[%swap3A_750, %swap3A_751] {strides = array<i32>} : memref<8x128xi32, #tpu.memory_space<vmem>>, vector<1x16xi32>,
      %swap3A_753 = vector.shape_cast %swap3A_752 : vector<1x16xi32> to vector<16xi32>
      %swap3A_754 = vector.shape_cast %add3A_748 : vector<16xi32> to vector<1x16xi32>
      tpu.vector_store %arg5[%swap3A_750, %swap3A_751], %swap3A_754 {strides = array<i32>} : memref<8x128xi32, #tpu.memory_space<vmem>>, vector<1x16xi32>,
      %add3A_755 = arith.constant 16 : i32
      %add3A_756 = arith.addi %mul3A_732, %add3A_755 : i32
      %add3A_757 = vector.broadcast %add3A_756 : i32 to vector<16xi32>
      %add3A_758 = arith.addi %iota3A, %add3A_757 : vector<16xi32>
      %rem3A_759 = arith.constant 26 : i32
      %rem3A_760 = vector.broadcast %rem3A_759 : i32 to vector<16xi32>
      %rem3A_761 = arith.remsi %add3A_758, %rem3A_760 : vector<16xi32>
      %get3A_762 = arith.constant 4 : i32
      %get3A_763 = arith.index_cast %get3A_762 : i32 to index
      %get3A_764 = arith.constant 16 : index
      %get3A_765 = tpu.vector_load %arg5[%get3A_763, %get3A_764] {strides = array<i32>} : memref<8x128xi32, #tpu.memory_space<vmem>>, vector<1x16xi32>,
      %get3A_766 = vector.shape_cast %get3A_765 : vector<1x16xi32> to vector<16xi32>
      %mul3A_767 = arith.constant 100000 : i32
      %mul3A_768 = vector.broadcast %mul3A_767 : i32 to vector<16xi32>
      %mul3A_769 = arith.muli %rem3A_761, %mul3A_768 : vector<16xi32>
      %add3A_770 = arith.addi %get3A_766, %mul3A_769 : vector<16xi32>
      %swap3A_771 = arith.constant 4 : i32
      %swap3A_772 = arith.index_cast %swap3A_771 : i32 to index
      %swap3A_773 = arith.constant 16 : index
      %swap3A_774 = tpu.vector_load %arg5[%swap3A_772, %swap3A_773] {strides = array<i32>} : memref<8x128xi32, #tpu.memory_space<vmem>>, vector<1x16xi32>,
      %swap3A_775 = vector.shape_cast %swap3A_774 : vector<1x16xi32> to vector<16xi32>
      %swap3A_776 = vector.shape_cast %add3A_770 : vector<16xi32> to vector<1x16xi32>
      tpu.vector_store %arg5[%swap3A_772, %swap3A_773], %swap3A_776 {strides = array<i32>} : memref<8x128xi32, #tpu.memory_space<vmem>>, vector<1x16xi32>,
      %add3A_777 = arith.constant 32 : i32
      %add3A_778 = arith.addi %mul3A_732, %add3A_777 : i32
      %add3A_779 = vector.broadcast %add3A_778 : i32 to vector<16xi32>
      %add3A_780 = arith.addi %iota3A, %add3A_779 : vector<16xi32>
      %rem3A_781 = arith.constant 26 : i32
      %rem3A_782 = vector.broadcast %rem3A_781 : i32 to vector<16xi32>
      %rem3A_783 = arith.remsi %add3A_780, %rem3A_782 : vector<16xi32>
      %get3A_784 = arith.constant 4 : i32
      %get3A_785 = arith.index_cast %get3A_784 : i32 to index
      %get3A_786 = arith.constant 32 : index
      %get3A_787 = tpu.vector_load %arg5[%get3A_785, %get3A_786] {strides = array<i32>} : memref<8x128xi32, #tpu.memory_space<vmem>>, vector<1x16xi32>,
      %get3A_788 = vector.shape_cast %get3A_787 : vector<1x16xi32> to vector<16xi32>
      %mul3A_789 = arith.constant 100000 : i32
      %mul3A_790 = vector.broadcast %mul3A_789 : i32 to vector<16xi32>
      %mul3A_791 = arith.muli %rem3A_783, %mul3A_790 : vector<16xi32>
      %add3A_792 = arith.addi %get3A_788, %mul3A_791 : vector<16xi32>
      %swap3A_793 = arith.constant 4 : i32
      %swap3A_794 = arith.index_cast %swap3A_793 : i32 to index
      %swap3A_795 = arith.constant 32 : index
      %swap3A_796 = tpu.vector_load %arg5[%swap3A_794, %swap3A_795] {strides = array<i32>} : memref<8x128xi32, #tpu.memory_space<vmem>>, vector<1x16xi32>,
      %swap3A_797 = vector.shape_cast %swap3A_796 : vector<1x16xi32> to vector<16xi32>
      %swap3A_798 = vector.shape_cast %add3A_792 : vector<16xi32> to vector<1x16xi32>
      tpu.vector_store %arg5[%swap3A_794, %swap3A_795], %swap3A_798 {strides = array<i32>} : memref<8x128xi32, #tpu.memory_space<vmem>>, vector<1x16xi32>,
      %add3A_799 = arith.constant 48 : i32
      %add3A_800 = arith.addi %mul3A_732, %add3A_799 : i32
      %add3A_801 = vector.broadcast %add3A_800 : i32 to vector<16xi32>
      %add3A_802 = arith.addi %iota3A, %add3A_801 : vector<16xi32>
      %rem3A_803 = arith.constant 26 : i32
      %rem3A_804 = vector.broadcast %rem3A_803 : i32 to vector<16xi32>
      %rem3A_805 = arith.remsi %add3A_802, %rem3A_804 : vector<16xi32>
      %get3A_806 = arith.constant 4 : i32
      %get3A_807 = arith.index_cast %get3A_806 : i32 to index
      %get3A_808 = arith.constant 48 : index
      %get3A_809 = tpu.vector_load %arg5[%get3A_807, %get3A_808] {strides = array<i32>} : memref<8x128xi32, #tpu.memory_space<vmem>>, vector<1x16xi32>,
      %get3A_810 = vector.shape_cast %get3A_809 : vector<1x16xi32> to vector<16xi32>
      %mul3A_811 = arith.constant 100000 : i32
      %mul3A_812 = vector.broadcast %mul3A_811 : i32 to vector<16xi32>
      %mul3A_813 = arith.muli %rem3A_805, %mul3A_812 : vector<16xi32>
      %add3A_814 = arith.addi %get3A_810, %mul3A_813 : vector<16xi32>
      %swap3A_815 = arith.constant 4 : i32
      %swap3A_816 = arith.index_cast %swap3A_815 : i32 to index
      %swap3A_817 = arith.constant 48 : index
      %swap3A_818 = tpu.vector_load %arg5[%swap3A_816, %swap3A_817] {strides = array<i32>} : memref<8x128xi32, #tpu.memory_space<vmem>>, vector<1x16xi32>,
      %swap3A_819 = vector.shape_cast %swap3A_818 : vector<1x16xi32> to vector<16xi32>
      %swap3A_820 = vector.shape_cast %add3A_814 : vector<16xi32> to vector<1x16xi32>
      tpu.vector_store %arg5[%swap3A_816, %swap3A_817], %swap3A_820 {strides = array<i32>} : memref<8x128xi32, #tpu.memory_space<vmem>>, vector<1x16xi32>,
      %add3A_821 = arith.constant 64 : i32
      %add3A_822 = arith.addi %mul3A_732, %add3A_821 : i32
      %add3A_823 = vector.broadcast %add3A_822 : i32 to vector<16xi32>
      %add3A_824 = arith.addi %iota3A, %add3A_823 : vector<16xi32>
      %rem3A_825 = arith.constant 26 : i32
      %rem3A_826 = vector.broadcast %rem3A_825 : i32 to vector<16xi32>
      %rem3A_827 = arith.remsi %add3A_824, %rem3A_826 : vector<16xi32>
      %get3A_828 = arith.constant 4 : i32
      %get3A_829 = arith.index_cast %get3A_828 : i32 to index
      %get3A_830 = arith.constant 64 : index
      %get3A_831 = tpu.vector_load %arg5[%get3A_829, %get3A_830] {strides = array<i32>} : memref<8x128xi32, #tpu.memory_space<vmem>>, vector<1x16xi32>,
      %get3A_832 = vector.shape_cast %get3A_831 : vector<1x16xi32> to vector<16xi32>
      %mul3A_833 = arith.constant 100000 : i32
      %mul3A_834 = vector.broadcast %mul3A_833 : i32 to vector<16xi32>
      %mul3A_835 = arith.muli %rem3A_827, %mul3A_834 : vector<16xi32>
      %add3A_836 = arith.addi %get3A_832, %mul3A_835 : vector<16xi32>
      %swap3A_837 = arith.constant 4 : i32
      %swap3A_838 = arith.index_cast %swap3A_837 : i32 to index
      %swap3A_839 = arith.constant 64 : index
      %swap3A_840 = tpu.vector_load %arg5[%swap3A_838, %swap3A_839] {strides = array<i32>} : memref<8x128xi32, #tpu.memory_space<vmem>>, vector<1x16xi32>,
      %swap3A_841 = vector.shape_cast %swap3A_840 : vector<1x16xi32> to vector<16xi32>
      %swap3A_842 = vector.shape_cast %add3A_836 : vector<16xi32> to vector<1x16xi32>
      tpu.vector_store %arg5[%swap3A_838, %swap3A_839], %swap3A_842 {strides = array<i32>} : memref<8x128xi32, #tpu.memory_space<vmem>>, vector<1x16xi32>,
      %add3A_843 = arith.constant 80 : i32
      %add3A_844 = arith.addi %mul3A_732, %add3A_843 : i32
      %add3A_845 = vector.broadcast %add3A_844 : i32 to vector<16xi32>
      %add3A_846 = arith.addi %iota3A, %add3A_845 : vector<16xi32>
      %rem3A_847 = arith.constant 26 : i32
      %rem3A_848 = vector.broadcast %rem3A_847 : i32 to vector<16xi32>
      %rem3A_849 = arith.remsi %add3A_846, %rem3A_848 : vector<16xi32>
      %get3A_850 = arith.constant 4 : i32
      %get3A_851 = arith.index_cast %get3A_850 : i32 to index
      %get3A_852 = arith.constant 80 : index
      %get3A_853 = tpu.vector_load %arg5[%get3A_851, %get3A_852] {strides = array<i32>} : memref<8x128xi32, #tpu.memory_space<vmem>>, vector<1x16xi32>,
      %get3A_854 = vector.shape_cast %get3A_853 : vector<1x16xi32> to vector<16xi32>
      %mul3A_855 = arith.constant 100000 : i32
      %mul3A_856 = vector.broadcast %mul3A_855 : i32 to vector<16xi32>
      %mul3A_857 = arith.muli %rem3A_849, %mul3A_856 : vector<16xi32>
      %add3A_858 = arith.addi %get3A_854, %mul3A_857 : vector<16xi32>
      %swap3A_859 = arith.constant 4 : i32
      %swap3A_860 = arith.index_cast %swap3A_859 : i32 to index
      %swap3A_861 = arith.constant 80 : index
      %swap3A_862 = tpu.vector_load %arg5[%swap3A_860, %swap3A_861] {strides = array<i32>} : memref<8x128xi32, #tpu.memory_space<vmem>>, vector<1x16xi32>,
      %swap3A_863 = vector.shape_cast %swap3A_862 : vector<1x16xi32> to vector<16xi32>
      %swap3A_864 = vector.shape_cast %add3A_858 : vector<16xi32> to vector<1x16xi32>
      tpu.vector_store %arg5[%swap3A_860, %swap3A_861], %swap3A_864 {strides = array<i32>} : memref<8x128xi32, #tpu.memory_space<vmem>>, vector<1x16xi32>,
      %add3A_865 = arith.constant 96 : i32
      %add3A_866 = arith.addi %mul3A_732, %add3A_865 : i32
      %add3A_867 = vector.broadcast %add3A_866 : i32 to vector<16xi32>
      %add3A_868 = arith.addi %iota3A, %add3A_867 : vector<16xi32>
      %rem3A_869 = arith.constant 26 : i32
      %rem3A_870 = vector.broadcast %rem3A_869 : i32 to vector<16xi32>
      %rem3A_871 = arith.remsi %add3A_868, %rem3A_870 : vector<16xi32>
      %get3A_872 = arith.constant 4 : i32
      %get3A_873 = arith.index_cast %get3A_872 : i32 to index
      %get3A_874 = arith.constant 96 : index
      %get3A_875 = tpu.vector_load %arg5[%get3A_873, %get3A_874] {strides = array<i32>} : memref<8x128xi32, #tpu.memory_space<vmem>>, vector<1x16xi32>,
      %get3A_876 = vector.shape_cast %get3A_875 : vector<1x16xi32> to vector<16xi32>
      %mul3A_877 = arith.constant 100000 : i32
      %mul3A_878 = vector.broadcast %mul3A_877 : i32 to vector<16xi32>
      %mul3A_879 = arith.muli %rem3A_871, %mul3A_878 : vector<16xi32>
      %add3A_880 = arith.addi %get3A_876, %mul3A_879 : vector<16xi32>
      %swap3A_881 = arith.constant 4 : i32
      %swap3A_882 = arith.index_cast %swap3A_881 : i32 to index
      %swap3A_883 = arith.constant 96 : index
      %swap3A_884 = tpu.vector_load %arg5[%swap3A_882, %swap3A_883] {strides = array<i32>} : memref<8x128xi32, #tpu.memory_space<vmem>>, vector<1x16xi32>,
      %swap3A_885 = vector.shape_cast %swap3A_884 : vector<1x16xi32> to vector<16xi32>
      %swap3A_886 = vector.shape_cast %add3A_880 : vector<16xi32> to vector<1x16xi32>
      tpu.vector_store %arg5[%swap3A_882, %swap3A_883], %swap3A_886 {strides = array<i32>} : memref<8x128xi32, #tpu.memory_space<vmem>>, vector<1x16xi32>,
      %add3A_887 = arith.constant 112 : i32
      %add3A_888 = arith.addi %mul3A_732, %add3A_887 : i32
      %add3A_889 = vector.broadcast %add3A_888 : i32 to vector<16xi32>
      %add3A_890 = arith.addi %iota3A, %add3A_889 : vector<16xi32>
      %rem3A_891 = arith.constant 26 : i32
      %rem3A_892 = vector.broadcast %rem3A_891 : i32 to vector<16xi32>
      %rem3A_893 = arith.remsi %add3A_890, %rem3A_892 : vector<16xi32>
      %get3A_894 = arith.constant 4 : i32
      %get3A_895 = arith.index_cast %get3A_894 : i32 to index
      %get3A_896 = arith.constant 112 : index
      %get3A_897 = tpu.vector_load %arg5[%get3A_895, %get3A_896] {strides = array<i32>} : memref<8x128xi32, #tpu.memory_space<vmem>>, vector<1x16xi32>,
      %get3A_898 = vector.shape_cast %get3A_897 : vector<1x16xi32> to vector<16xi32>
      %mul3A_899 = arith.constant 100000 : i32
      %mul3A_900 = vector.broadcast %mul3A_899 : i32 to vector<16xi32>
      %mul3A_901 = arith.muli %rem3A_893, %mul3A_900 : vector<16xi32>
      %add3A_902 = arith.addi %get3A_898, %mul3A_901 : vector<16xi32>
      %swap3A_903 = arith.constant 4 : i32
      %swap3A_904 = arith.index_cast %swap3A_903 : i32 to index
      %swap3A_905 = arith.constant 112 : index
      %swap3A_906 = tpu.vector_load %arg5[%swap3A_904, %swap3A_905] {strides = array<i32>} : memref<8x128xi32, #tpu.memory_space<vmem>>, vector<1x16xi32>,
      %swap3A_907 = vector.shape_cast %swap3A_906 : vector<1x16xi32> to vector<16xi32>
      %swap3A_908 = vector.shape_cast %add3A_902 : vector<16xi32> to vector<1x16xi32>
      tpu.vector_store %arg5[%swap3A_904, %swap3A_905], %swap3A_908 {strides = array<i32>} : memref<8x128xi32, #tpu.memory_space<vmem>>, vector<1x16xi32>,
      %add3A_909 = arith.constant 5 : i32
      %add3A_910 = arith.addi %add3A_11, %add3A_909 : i32
      %mul3A_911 = arith.constant 128 : i32
      %mul3A_912 = arith.muli %add3A_910, %mul3A_911 : i32
      %add3A_913 = arith.constant 0 : i32
      %add3A_914 = arith.addi %mul3A_912, %add3A_913 : i32
      %add3A_915 = vector.broadcast %add3A_914 : i32 to vector<16xi32>
      %add3A_916 = arith.addi %iota3A, %add3A_915 : vector<16xi32>
      %rem3A_917 = arith.constant 26 : i32
      %rem3A_918 = vector.broadcast %rem3A_917 : i32 to vector<16xi32>
      %rem3A_919 = arith.remsi %add3A_916, %rem3A_918 : vector<16xi32>
      %get3A_920 = arith.constant 5 : i32
      %get3A_921 = arith.index_cast %get3A_920 : i32 to index
      %get3A_922 = arith.constant 0 : index
      %get3A_923 = tpu.vector_load %arg5[%get3A_921, %get3A_922] {strides = array<i32>} : memref<8x128xi32, #tpu.memory_space<vmem>>, vector<1x16xi32>,
      %get3A_924 = vector.shape_cast %get3A_923 : vector<1x16xi32> to vector<16xi32>
      %mul3A_925 = arith.constant 100000 : i32
      %mul3A_926 = vector.broadcast %mul3A_925 : i32 to vector<16xi32>
      %mul3A_927 = arith.muli %rem3A_919, %mul3A_926 : vector<16xi32>
      %add3A_928 = arith.addi %get3A_924, %mul3A_927 : vector<16xi32>
      %swap3A_929 = arith.constant 5 : i32
      %swap3A_930 = arith.index_cast %swap3A_929 : i32 to index
      %swap3A_931 = arith.constant 0 : index
      %swap3A_932 = tpu.vector_load %arg5[%swap3A_930, %swap3A_931] {strides = array<i32>} : memref<8x128xi32, #tpu.memory_space<vmem>>, vector<1x16xi32>,
      %swap3A_933 = vector.shape_cast %swap3A_932 : vector<1x16xi32> to vector<16xi32>
      %swap3A_934 = vector.shape_cast %add3A_928 : vector<16xi32> to vector<1x16xi32>
      tpu.vector_store %arg5[%swap3A_930, %swap3A_931], %swap3A_934 {strides = array<i32>} : memref<8x128xi32, #tpu.memory_space<vmem>>, vector<1x16xi32>,
      %add3A_935 = arith.constant 16 : i32
      %add3A_936 = arith.addi %mul3A_912, %add3A_935 : i32
      %add3A_937 = vector.broadcast %add3A_936 : i32 to vector<16xi32>
      %add3A_938 = arith.addi %iota3A, %add3A_937 : vector<16xi32>
      %rem3A_939 = arith.constant 26 : i32
      %rem3A_940 = vector.broadcast %rem3A_939 : i32 to vector<16xi32>
      %rem3A_941 = arith.remsi %add3A_938, %rem3A_940 : vector<16xi32>
      %get3A_942 = arith.constant 5 : i32
      %get3A_943 = arith.index_cast %get3A_942 : i32 to index
      %get3A_944 = arith.constant 16 : index
      %get3A_945 = tpu.vector_load %arg5[%get3A_943, %get3A_944] {strides = array<i32>} : memref<8x128xi32, #tpu.memory_space<vmem>>, vector<1x16xi32>,
      %get3A_946 = vector.shape_cast %get3A_945 : vector<1x16xi32> to vector<16xi32>
      %mul3A_947 = arith.constant 100000 : i32
      %mul3A_948 = vector.broadcast %mul3A_947 : i32 to vector<16xi32>
      %mul3A_949 = arith.muli %rem3A_941, %mul3A_948 : vector<16xi32>
      %add3A_950 = arith.addi %get3A_946, %mul3A_949 : vector<16xi32>
      %swap3A_951 = arith.constant 5 : i32
      %swap3A_952 = arith.index_cast %swap3A_951 : i32 to index
      %swap3A_953 = arith.constant 16 : index
      %swap3A_954 = tpu.vector_load %arg5[%swap3A_952, %swap3A_953] {strides = array<i32>} : memref<8x128xi32, #tpu.memory_space<vmem>>, vector<1x16xi32>,
      %swap3A_955 = vector.shape_cast %swap3A_954 : vector<1x16xi32> to vector<16xi32>
      %swap3A_956 = vector.shape_cast %add3A_950 : vector<16xi32> to vector<1x16xi32>
      tpu.vector_store %arg5[%swap3A_952, %swap3A_953], %swap3A_956 {strides = array<i32>} : memref<8x128xi32, #tpu.memory_space<vmem>>, vector<1x16xi32>,
      %add3A_957 = arith.constant 32 : i32
      %add3A_958 = arith.addi %mul3A_912, %add3A_957 : i32
      %add3A_959 = vector.broadcast %add3A_958 : i32 to vector<16xi32>
      %add3A_960 = arith.addi %iota3A, %add3A_959 : vector<16xi32>
      %rem3A_961 = arith.constant 26 : i32
      %rem3A_962 = vector.broadcast %rem3A_961 : i32 to vector<16xi32>
      %rem3A_963 = arith.remsi %add3A_960, %rem3A_962 : vector<16xi32>
      %get3A_964 = arith.constant 5 : i32
      %get3A_965 = arith.index_cast %get3A_964 : i32 to index
      %get3A_966 = arith.constant 32 : index
      %get3A_967 = tpu.vector_load %arg5[%get3A_965, %get3A_966] {strides = array<i32>} : memref<8x128xi32, #tpu.memory_space<vmem>>, vector<1x16xi32>,
      %get3A_968 = vector.shape_cast %get3A_967 : vector<1x16xi32> to vector<16xi32>
      %mul3A_969 = arith.constant 100000 : i32
      %mul3A_970 = vector.broadcast %mul3A_969 : i32 to vector<16xi32>
      %mul3A_971 = arith.muli %rem3A_963, %mul3A_970 : vector<16xi32>
      %add3A_972 = arith.addi %get3A_968, %mul3A_971 : vector<16xi32>
      %swap3A_973 = arith.constant 5 : i32
      %swap3A_974 = arith.index_cast %swap3A_973 : i32 to index
      %swap3A_975 = arith.constant 32 : index
      %swap3A_976 = tpu.vector_load %arg5[%swap3A_974, %swap3A_975] {strides = array<i32>} : memref<8x128xi32, #tpu.memory_space<vmem>>, vector<1x16xi32>,
      %swap3A_977 = vector.shape_cast %swap3A_976 : vector<1x16xi32> to vector<16xi32>
      %swap3A_978 = vector.shape_cast %add3A_972 : vector<16xi32> to vector<1x16xi32>
      tpu.vector_store %arg5[%swap3A_974, %swap3A_975], %swap3A_978 {strides = array<i32>} : memref<8x128xi32, #tpu.memory_space<vmem>>, vector<1x16xi32>,
      %add3A_979 = arith.constant 48 : i32
      %add3A_980 = arith.addi %mul3A_912, %add3A_979 : i32
      %add3A_981 = vector.broadcast %add3A_980 : i32 to vector<16xi32>
      %add3A_982 = arith.addi %iota3A, %add3A_981 : vector<16xi32>
      %rem3A_983 = arith.constant 26 : i32
      %rem3A_984 = vector.broadcast %rem3A_983 : i32 to vector<16xi32>
      %rem3A_985 = arith.remsi %add3A_982, %rem3A_984 : vector<16xi32>
      %get3A_986 = arith.constant 5 : i32
      %get3A_987 = arith.index_cast %get3A_986 : i32 to index
      %get3A_988 = arith.constant 48 : index
      %get3A_989 = tpu.vector_load %arg5[%get3A_987, %get3A_988] {strides = array<i32>} : memref<8x128xi32, #tpu.memory_space<vmem>>, vector<1x16xi32>,
      %get3A_990 = vector.shape_cast %get3A_989 : vector<1x16xi32> to vector<16xi32>
      %mul3A_991 = arith.constant 100000 : i32
      %mul3A_992 = vector.broadcast %mul3A_991 : i32 to vector<16xi32>
      %mul3A_993 = arith.muli %rem3A_985, %mul3A_992 : vector<16xi32>
      %add3A_994 = arith.addi %get3A_990, %mul3A_993 : vector<16xi32>
      %swap3A_995 = arith.constant 5 : i32
      %swap3A_996 = arith.index_cast %swap3A_995 : i32 to index
      %swap3A_997 = arith.constant 48 : index
      %swap3A_998 = tpu.vector_load %arg5[%swap3A_996, %swap3A_997] {strides = array<i32>} : memref<8x128xi32, #tpu.memory_space<vmem>>, vector<1x16xi32>,
      %swap3A_999 = vector.shape_cast %swap3A_998 : vector<1x16xi32> to vector<16xi32>
      %swap3A_1000 = vector.shape_cast %add3A_994 : vector<16xi32> to vector<1x16xi32>
      tpu.vector_store %arg5[%swap3A_996, %swap3A_997], %swap3A_1000 {strides = array<i32>} : memref<8x128xi32, #tpu.memory_space<vmem>>, vector<1x16xi32>,
      %add3A_1001 = arith.constant 64 : i32
      %add3A_1002 = arith.addi %mul3A_912, %add3A_1001 : i32
      %add3A_1003 = vector.broadcast %add3A_1002 : i32 to vector<16xi32>
      %add3A_1004 = arith.addi %iota3A, %add3A_1003 : vector<16xi32>
      %rem3A_1005 = arith.constant 26 : i32
      %rem3A_1006 = vector.broadcast %rem3A_1005 : i32 to vector<16xi32>
      %rem3A_1007 = arith.remsi %add3A_1004, %rem3A_1006 : vector<16xi32>
      %get3A_1008 = arith.constant 5 : i32
      %get3A_1009 = arith.index_cast %get3A_1008 : i32 to index
      %get3A_1010 = arith.constant 64 : index
      %get3A_1011 = tpu.vector_load %arg5[%get3A_1009, %get3A_1010] {strides = array<i32>} : memref<8x128xi32, #tpu.memory_space<vmem>>, vector<1x16xi32>,
      %get3A_1012 = vector.shape_cast %get3A_1011 : vector<1x16xi32> to vector<16xi32>
      %mul3A_1013 = arith.constant 100000 : i32
      %mul3A_1014 = vector.broadcast %mul3A_1013 : i32 to vector<16xi32>
      %mul3A_1015 = arith.muli %rem3A_1007, %mul3A_1014 : vector<16xi32>
      %add3A_1016 = arith.addi %get3A_1012, %mul3A_1015 : vector<16xi32>
      %swap3A_1017 = arith.constant 5 : i32
      %swap3A_1018 = arith.index_cast %swap3A_1017 : i32 to index
      %swap3A_1019 = arith.constant 64 : index
      %swap3A_1020 = tpu.vector_load %arg5[%swap3A_1018, %swap3A_1019] {strides = array<i32>} : memref<8x128xi32, #tpu.memory_space<vmem>>, vector<1x16xi32>,
      %swap3A_1021 = vector.shape_cast %swap3A_1020 : vector<1x16xi32> to vector<16xi32>
      %swap3A_1022 = vector.shape_cast %add3A_1016 : vector<16xi32> to vector<1x16xi32>
      tpu.vector_store %arg5[%swap3A_1018, %swap3A_1019], %swap3A_1022 {strides = array<i32>} : memref<8x128xi32, #tpu.memory_space<vmem>>, vector<1x16xi32>,
      %add3A_1023 = arith.constant 80 : i32
      %add3A_1024 = arith.addi %mul3A_912, %add3A_1023 : i32
      %add3A_1025 = vector.broadcast %add3A_1024 : i32 to vector<16xi32>
      %add3A_1026 = arith.addi %iota3A, %add3A_1025 : vector<16xi32>
      %rem3A_1027 = arith.constant 26 : i32
      %rem3A_1028 = vector.broadcast %rem3A_1027 : i32 to vector<16xi32>
      %rem3A_1029 = arith.remsi %add3A_1026, %rem3A_1028 : vector<16xi32>
      %get3A_1030 = arith.constant 5 : i32
      %get3A_1031 = arith.index_cast %get3A_1030 : i32 to index
      %get3A_1032 = arith.constant 80 : index
      %get3A_1033 = tpu.vector_load %arg5[%get3A_1031, %get3A_1032] {strides = array<i32>} : memref<8x128xi32, #tpu.memory_space<vmem>>, vector<1x16xi32>,
      %get3A_1034 = vector.shape_cast %get3A_1033 : vector<1x16xi32> to vector<16xi32>
      %mul3A_1035 = arith.constant 100000 : i32
      %mul3A_1036 = vector.broadcast %mul3A_1035 : i32 to vector<16xi32>
      %mul3A_1037 = arith.muli %rem3A_1029, %mul3A_1036 : vector<16xi32>
      %add3A_1038 = arith.addi %get3A_1034, %mul3A_1037 : vector<16xi32>
      %swap3A_1039 = arith.constant 5 : i32
      %swap3A_1040 = arith.index_cast %swap3A_1039 : i32 to index
      %swap3A_1041 = arith.constant 80 : index
      %swap3A_1042 = tpu.vector_load %arg5[%swap3A_1040, %swap3A_1041] {strides = array<i32>} : memref<8x128xi32, #tpu.memory_space<vmem>>, vector<1x16xi32>,
      %swap3A_1043 = vector.shape_cast %swap3A_1042 : vector<1x16xi32> to vector<16xi32>
      %swap3A_1044 = vector.shape_cast %add3A_1038 : vector<16xi32> to vector<1x16xi32>
      tpu.vector_store %arg5[%swap3A_1040, %swap3A_1041], %swap3A_1044 {strides = array<i32>} : memref<8x128xi32, #tpu.memory_space<vmem>>, vector<1x16xi32>,
      %add3A_1045 = arith.constant 96 : i32
      %add3A_1046 = arith.addi %mul3A_912, %add3A_1045 : i32
      %add3A_1047 = vector.broadcast %add3A_1046 : i32 to vector<16xi32>
      %add3A_1048 = arith.addi %iota3A, %add3A_1047 : vector<16xi32>
      %rem3A_1049 = arith.constant 26 : i32
      %rem3A_1050 = vector.broadcast %rem3A_1049 : i32 to vector<16xi32>
      %rem3A_1051 = arith.remsi %add3A_1048, %rem3A_1050 : vector<16xi32>
      %get3A_1052 = arith.constant 5 : i32
      %get3A_1053 = arith.index_cast %get3A_1052 : i32 to index
      %get3A_1054 = arith.constant 96 : index
      %get3A_1055 = tpu.vector_load %arg5[%get3A_1053, %get3A_1054] {strides = array<i32>} : memref<8x128xi32, #tpu.memory_space<vmem>>, vector<1x16xi32>,
      %get3A_1056 = vector.shape_cast %get3A_1055 : vector<1x16xi32> to vector<16xi32>
      %mul3A_1057 = arith.constant 100000 : i32
      %mul3A_1058 = vector.broadcast %mul3A_1057 : i32 to vector<16xi32>
      %mul3A_1059 = arith.muli %rem3A_1051, %mul3A_1058 : vector<16xi32>
      %add3A_1060 = arith.addi %get3A_1056, %mul3A_1059 : vector<16xi32>
      %swap3A_1061 = arith.constant 5 : i32
      %swap3A_1062 = arith.index_cast %swap3A_1061 : i32 to index
      %swap3A_1063 = arith.constant 96 : index
      %swap3A_1064 = tpu.vector_load %arg5[%swap3A_1062, %swap3A_1063] {strides = array<i32>} : memref<8x128xi32, #tpu.memory_space<vmem>>, vector<1x16xi32>,
      %swap3A_1065 = vector.shape_cast %swap3A_1064 : vector<1x16xi32> to vector<16xi32>
      %swap3A_1066 = vector.shape_cast %add3A_1060 : vector<16xi32> to vector<1x16xi32>
      tpu.vector_store %arg5[%swap3A_1062, %swap3A_1063], %swap3A_1066 {strides = array<i32>} : memref<8x128xi32, #tpu.memory_space<vmem>>, vector<1x16xi32>,
      %add3A_1067 = arith.constant 112 : i32
      %add3A_1068 = arith.addi %mul3A_912, %add3A_1067 : i32
      %add3A_1069 = vector.broadcast %add3A_1068 : i32 to vector<16xi32>
      %add3A_1070 = arith.addi %iota3A, %add3A_1069 : vector<16xi32>
      %rem3A_1071 = arith.constant 26 : i32
      %rem3A_1072 = vector.broadcast %rem3A_1071 : i32 to vector<16xi32>
      %rem3A_1073 = arith.remsi %add3A_1070, %rem3A_1072 : vector<16xi32>
      %get3A_1074 = arith.constant 5 : i32
      %get3A_1075 = arith.index_cast %get3A_1074 : i32 to index
      %get3A_1076 = arith.constant 112 : index
      %get3A_1077 = tpu.vector_load %arg5[%get3A_1075, %get3A_1076] {strides = array<i32>} : memref<8x128xi32, #tpu.memory_space<vmem>>, vector<1x16xi32>,
      %get3A_1078 = vector.shape_cast %get3A_1077 : vector<1x16xi32> to vector<16xi32>
      %mul3A_1079 = arith.constant 100000 : i32
      %mul3A_1080 = vector.broadcast %mul3A_1079 : i32 to vector<16xi32>
      %mul3A_1081 = arith.muli %rem3A_1073, %mul3A_1080 : vector<16xi32>
      %add3A_1082 = arith.addi %get3A_1078, %mul3A_1081 : vector<16xi32>
      %swap3A_1083 = arith.constant 5 : i32
      %swap3A_1084 = arith.index_cast %swap3A_1083 : i32 to index
      %swap3A_1085 = arith.constant 112 : index
      %swap3A_1086 = tpu.vector_load %arg5[%swap3A_1084, %swap3A_1085] {strides = array<i32>} : memref<8x128xi32, #tpu.memory_space<vmem>>, vector<1x16xi32>,
      %swap3A_1087 = vector.shape_cast %swap3A_1086 : vector<1x16xi32> to vector<16xi32>
      %swap3A_1088 = vector.shape_cast %add3A_1082 : vector<16xi32> to vector<1x16xi32>
      tpu.vector_store %arg5[%swap3A_1084, %swap3A_1085], %swap3A_1088 {strides = array<i32>} : memref<8x128xi32, #tpu.memory_space<vmem>>, vector<1x16xi32>,
      %add3A_1089 = arith.constant 6 : i32
      %add3A_1090 = arith.addi %add3A_11, %add3A_1089 : i32
      %mul3A_1091 = arith.constant 128 : i32
      %mul3A_1092 = arith.muli %add3A_1090, %mul3A_1091 : i32
      %add3A_1093 = arith.constant 0 : i32
      %add3A_1094 = arith.addi %mul3A_1092, %add3A_1093 : i32
      %add3A_1095 = vector.broadcast %add3A_1094 : i32 to vector<16xi32>
      %add3A_1096 = arith.addi %iota3A, %add3A_1095 : vector<16xi32>
      %rem3A_1097 = arith.constant 26 : i32
      %rem3A_1098 = vector.broadcast %rem3A_1097 : i32 to vector<16xi32>
      %rem3A_1099 = arith.remsi %add3A_1096, %rem3A_1098 : vector<16xi32>
      %get3A_1100 = arith.constant 6 : i32
      %get3A_1101 = arith.index_cast %get3A_1100 : i32 to index
      %get3A_1102 = arith.constant 0 : index
      %get3A_1103 = tpu.vector_load %arg5[%get3A_1101, %get3A_1102] {strides = array<i32>} : memref<8x128xi32, #tpu.memory_space<vmem>>, vector<1x16xi32>,
      %get3A_1104 = vector.shape_cast %get3A_1103 : vector<1x16xi32> to vector<16xi32>
      %mul3A_1105 = arith.constant 100000 : i32
      %mul3A_1106 = vector.broadcast %mul3A_1105 : i32 to vector<16xi32>
      %mul3A_1107 = arith.muli %rem3A_1099, %mul3A_1106 : vector<16xi32>
      %add3A_1108 = arith.addi %get3A_1104, %mul3A_1107 : vector<16xi32>
      %swap3A_1109 = arith.constant 6 : i32
      %swap3A_1110 = arith.index_cast %swap3A_1109 : i32 to index
      %swap3A_1111 = arith.constant 0 : index
      %swap3A_1112 = tpu.vector_load %arg5[%swap3A_1110, %swap3A_1111] {strides = array<i32>} : memref<8x128xi32, #tpu.memory_space<vmem>>, vector<1x16xi32>,
      %swap3A_1113 = vector.shape_cast %swap3A_1112 : vector<1x16xi32> to vector<16xi32>
      %swap3A_1114 = vector.shape_cast %add3A_1108 : vector<16xi32> to vector<1x16xi32>
      tpu.vector_store %arg5[%swap3A_1110, %swap3A_1111], %swap3A_1114 {strides = array<i32>} : memref<8x128xi32, #tpu.memory_space<vmem>>, vector<1x16xi32>,
      %add3A_1115 = arith.constant 16 : i32
      %add3A_1116 = arith.addi %mul3A_1092, %add3A_1115 : i32
      %add3A_1117 = vector.broadcast %add3A_1116 : i32 to vector<16xi32>
      %add3A_1118 = arith.addi %iota3A, %add3A_1117 : vector<16xi32>
      %rem3A_1119 = arith.constant 26 : i32
      %rem3A_1120 = vector.broadcast %rem3A_1119 : i32 to vector<16xi32>
      %rem3A_1121 = arith.remsi %add3A_1118, %rem3A_1120 : vector<16xi32>
      %get3A_1122 = arith.constant 6 : i32
      %get3A_1123 = arith.index_cast %get3A_1122 : i32 to index
      %get3A_1124 = arith.constant 16 : index
      %get3A_1125 = tpu.vector_load %arg5[%get3A_1123, %get3A_1124] {strides = array<i32>} : memref<8x128xi32, #tpu.memory_space<vmem>>, vector<1x16xi32>,
      %get3A_1126 = vector.shape_cast %get3A_1125 : vector<1x16xi32> to vector<16xi32>
      %mul3A_1127 = arith.constant 100000 : i32
      %mul3A_1128 = vector.broadcast %mul3A_1127 : i32 to vector<16xi32>
      %mul3A_1129 = arith.muli %rem3A_1121, %mul3A_1128 : vector<16xi32>
      %add3A_1130 = arith.addi %get3A_1126, %mul3A_1129 : vector<16xi32>
      %swap3A_1131 = arith.constant 6 : i32
      %swap3A_1132 = arith.index_cast %swap3A_1131 : i32 to index
      %swap3A_1133 = arith.constant 16 : index
      %swap3A_1134 = tpu.vector_load %arg5[%swap3A_1132, %swap3A_1133] {strides = array<i32>} : memref<8x128xi32, #tpu.memory_space<vmem>>, vector<1x16xi32>,
      %swap3A_1135 = vector.shape_cast %swap3A_1134 : vector<1x16xi32> to vector<16xi32>
      %swap3A_1136 = vector.shape_cast %add3A_1130 : vector<16xi32> to vector<1x16xi32>
      tpu.vector_store %arg5[%swap3A_1132, %swap3A_1133], %swap3A_1136 {strides = array<i32>} : memref<8x128xi32, #tpu.memory_space<vmem>>, vector<1x16xi32>,
      %add3A_1137 = arith.constant 32 : i32
      %add3A_1138 = arith.addi %mul3A_1092, %add3A_1137 : i32
      %add3A_1139 = vector.broadcast %add3A_1138 : i32 to vector<16xi32>
      %add3A_1140 = arith.addi %iota3A, %add3A_1139 : vector<16xi32>
      %rem3A_1141 = arith.constant 26 : i32
      %rem3A_1142 = vector.broadcast %rem3A_1141 : i32 to vector<16xi32>
      %rem3A_1143 = arith.remsi %add3A_1140, %rem3A_1142 : vector<16xi32>
      %get3A_1144 = arith.constant 6 : i32
      %get3A_1145 = arith.index_cast %get3A_1144 : i32 to index
      %get3A_1146 = arith.constant 32 : index
      %get3A_1147 = tpu.vector_load %arg5[%get3A_1145, %get3A_1146] {strides = array<i32>} : memref<8x128xi32, #tpu.memory_space<vmem>>, vector<1x16xi32>,
      %get3A_1148 = vector.shape_cast %get3A_1147 : vector<1x16xi32> to vector<16xi32>
      %mul3A_1149 = arith.constant 100000 : i32
      %mul3A_1150 = vector.broadcast %mul3A_1149 : i32 to vector<16xi32>
      %mul3A_1151 = arith.muli %rem3A_1143, %mul3A_1150 : vector<16xi32>
      %add3A_1152 = arith.addi %get3A_1148, %mul3A_1151 : vector<16xi32>
      %swap3A_1153 = arith.constant 6 : i32
      %swap3A_1154 = arith.index_cast %swap3A_1153 : i32 to index
      %swap3A_1155 = arith.constant 32 : index
      %swap3A_1156 = tpu.vector_load %arg5[%swap3A_1154, %swap3A_1155] {strides = array<i32>} : memref<8x128xi32, #tpu.memory_space<vmem>>, vector<1x16xi32>,
      %swap3A_1157 = vector.shape_cast %swap3A_1156 : vector<1x16xi32> to vector<16xi32>
      %swap3A_1158 = vector.shape_cast %add3A_1152 : vector<16xi32> to vector<1x16xi32>
      tpu.vector_store %arg5[%swap3A_1154, %swap3A_1155], %swap3A_1158 {strides = array<i32>} : memref<8x128xi32, #tpu.memory_space<vmem>>, vector<1x16xi32>,
      %add3A_1159 = arith.constant 48 : i32
      %add3A_1160 = arith.addi %mul3A_1092, %add3A_1159 : i32
      %add3A_1161 = vector.broadcast %add3A_1160 : i32 to vector<16xi32>
      %add3A_1162 = arith.addi %iota3A, %add3A_1161 : vector<16xi32>
      %rem3A_1163 = arith.constant 26 : i32
      %rem3A_1164 = vector.broadcast %rem3A_1163 : i32 to vector<16xi32>
      %rem3A_1165 = arith.remsi %add3A_1162, %rem3A_1164 : vector<16xi32>
      %get3A_1166 = arith.constant 6 : i32
      %get3A_1167 = arith.index_cast %get3A_1166 : i32 to index
      %get3A_1168 = arith.constant 48 : index
      %get3A_1169 = tpu.vector_load %arg5[%get3A_1167, %get3A_1168] {strides = array<i32>} : memref<8x128xi32, #tpu.memory_space<vmem>>, vector<1x16xi32>,
      %get3A_1170 = vector.shape_cast %get3A_1169 : vector<1x16xi32> to vector<16xi32>
      %mul3A_1171 = arith.constant 100000 : i32
      %mul3A_1172 = vector.broadcast %mul3A_1171 : i32 to vector<16xi32>
      %mul3A_1173 = arith.muli %rem3A_1165, %mul3A_1172 : vector<16xi32>
      %add3A_1174 = arith.addi %get3A_1170, %mul3A_1173 : vector<16xi32>
      %swap3A_1175 = arith.constant 6 : i32
      %swap3A_1176 = arith.index_cast %swap3A_1175 : i32 to index
      %swap3A_1177 = arith.constant 48 : index
      %swap3A_1178 = tpu.vector_load %arg5[%swap3A_1176, %swap3A_1177] {strides = array<i32>} : memref<8x128xi32, #tpu.memory_space<vmem>>, vector<1x16xi32>,
      %swap3A_1179 = vector.shape_cast %swap3A_1178 : vector<1x16xi32> to vector<16xi32>
      %swap3A_1180 = vector.shape_cast %add3A_1174 : vector<16xi32> to vector<1x16xi32>
      tpu.vector_store %arg5[%swap3A_1176, %swap3A_1177], %swap3A_1180 {strides = array<i32>} : memref<8x128xi32, #tpu.memory_space<vmem>>, vector<1x16xi32>,
      %add3A_1181 = arith.constant 64 : i32
      %add3A_1182 = arith.addi %mul3A_1092, %add3A_1181 : i32
      %add3A_1183 = vector.broadcast %add3A_1182 : i32 to vector<16xi32>
      %add3A_1184 = arith.addi %iota3A, %add3A_1183 : vector<16xi32>
      %rem3A_1185 = arith.constant 26 : i32
      %rem3A_1186 = vector.broadcast %rem3A_1185 : i32 to vector<16xi32>
      %rem3A_1187 = arith.remsi %add3A_1184, %rem3A_1186 : vector<16xi32>
      %get3A_1188 = arith.constant 6 : i32
      %get3A_1189 = arith.index_cast %get3A_1188 : i32 to index
      %get3A_1190 = arith.constant 64 : index
      %get3A_1191 = tpu.vector_load %arg5[%get3A_1189, %get3A_1190] {strides = array<i32>} : memref<8x128xi32, #tpu.memory_space<vmem>>, vector<1x16xi32>,
      %get3A_1192 = vector.shape_cast %get3A_1191 : vector<1x16xi32> to vector<16xi32>
      %mul3A_1193 = arith.constant 100000 : i32
      %mul3A_1194 = vector.broadcast %mul3A_1193 : i32 to vector<16xi32>
      %mul3A_1195 = arith.muli %rem3A_1187, %mul3A_1194 : vector<16xi32>
      %add3A_1196 = arith.addi %get3A_1192, %mul3A_1195 : vector<16xi32>
      %swap3A_1197 = arith.constant 6 : i32
      %swap3A_1198 = arith.index_cast %swap3A_1197 : i32 to index
      %swap3A_1199 = arith.constant 64 : index
      %swap3A_1200 = tpu.vector_load %arg5[%swap3A_1198, %swap3A_1199] {strides = array<i32>} : memref<8x128xi32, #tpu.memory_space<vmem>>, vector<1x16xi32>,
      %swap3A_1201 = vector.shape_cast %swap3A_1200 : vector<1x16xi32> to vector<16xi32>
      %swap3A_1202 = vector.shape_cast %add3A_1196 : vector<16xi32> to vector<1x16xi32>
      tpu.vector_store %arg5[%swap3A_1198, %swap3A_1199], %swap3A_1202 {strides = array<i32>} : memref<8x128xi32, #tpu.memory_space<vmem>>, vector<1x16xi32>,
      %add3A_1203 = arith.constant 80 : i32
      %add3A_1204 = arith.addi %mul3A_1092, %add3A_1203 : i32
      %add3A_1205 = vector.broadcast %add3A_1204 : i32 to vector<16xi32>
      %add3A_1206 = arith.addi %iota3A, %add3A_1205 : vector<16xi32>
      %rem3A_1207 = arith.constant 26 : i32
      %rem3A_1208 = vector.broadcast %rem3A_1207 : i32 to vector<16xi32>
      %rem3A_1209 = arith.remsi %add3A_1206, %rem3A_1208 : vector<16xi32>
      %get3A_1210 = arith.constant 6 : i32
      %get3A_1211 = arith.index_cast %get3A_1210 : i32 to index
      %get3A_1212 = arith.constant 80 : index
      %get3A_1213 = tpu.vector_load %arg5[%get3A_1211, %get3A_1212] {strides = array<i32>} : memref<8x128xi32, #tpu.memory_space<vmem>>, vector<1x16xi32>,
      %get3A_1214 = vector.shape_cast %get3A_1213 : vector<1x16xi32> to vector<16xi32>
      %mul3A_1215 = arith.constant 100000 : i32
      %mul3A_1216 = vector.broadcast %mul3A_1215 : i32 to vector<16xi32>
      %mul3A_1217 = arith.muli %rem3A_1209, %mul3A_1216 : vector<16xi32>
      %add3A_1218 = arith.addi %get3A_1214, %mul3A_1217 : vector<16xi32>
      %swap3A_1219 = arith.constant 6 : i32
      %swap3A_1220 = arith.index_cast %swap3A_1219 : i32 to index
      %swap3A_1221 = arith.constant 80 : index
      %swap3A_1222 = tpu.vector_load %arg5[%swap3A_1220, %swap3A_1221] {strides = array<i32>} : memref<8x128xi32, #tpu.memory_space<vmem>>, vector<1x16xi32>,
      %swap3A_1223 = vector.shape_cast %swap3A_1222 : vector<1x16xi32> to vector<16xi32>
      %swap3A_1224 = vector.shape_cast %add3A_1218 : vector<16xi32> to vector<1x16xi32>
      tpu.vector_store %arg5[%swap3A_1220, %swap3A_1221], %swap3A_1224 {strides = array<i32>} : memref<8x128xi32, #tpu.memory_space<vmem>>, vector<1x16xi32>,
      %add3A_1225 = arith.constant 96 : i32
      %add3A_1226 = arith.addi %mul3A_1092, %add3A_1225 : i32
      %add3A_1227 = vector.broadcast %add3A_1226 : i32 to vector<16xi32>
      %add3A_1228 = arith.addi %iota3A, %add3A_1227 : vector<16xi32>
      %rem3A_1229 = arith.constant 26 : i32
      %rem3A_1230 = vector.broadcast %rem3A_1229 : i32 to vector<16xi32>
      %rem3A_1231 = arith.remsi %add3A_1228, %rem3A_1230 : vector<16xi32>
      %get3A_1232 = arith.constant 6 : i32
      %get3A_1233 = arith.index_cast %get3A_1232 : i32 to index
      %get3A_1234 = arith.constant 96 : index
      %get3A_1235 = tpu.vector_load %arg5[%get3A_1233, %get3A_1234] {strides = array<i32>} : memref<8x128xi32, #tpu.memory_space<vmem>>, vector<1x16xi32>,
      %get3A_1236 = vector.shape_cast %get3A_1235 : vector<1x16xi32> to vector<16xi32>
      %mul3A_1237 = arith.constant 100000 : i32
      %mul3A_1238 = vector.broadcast %mul3A_1237 : i32 to vector<16xi32>
      %mul3A_1239 = arith.muli %rem3A_1231, %mul3A_1238 : vector<16xi32>
      %add3A_1240 = arith.addi %get3A_1236, %mul3A_1239 : vector<16xi32>
      %swap3A_1241 = arith.constant 6 : i32
      %swap3A_1242 = arith.index_cast %swap3A_1241 : i32 to index
      %swap3A_1243 = arith.constant 96 : index
      %swap3A_1244 = tpu.vector_load %arg5[%swap3A_1242, %swap3A_1243] {strides = array<i32>} : memref<8x128xi32, #tpu.memory_space<vmem>>, vector<1x16xi32>,
      %swap3A_1245 = vector.shape_cast %swap3A_1244 : vector<1x16xi32> to vector<16xi32>
      %swap3A_1246 = vector.shape_cast %add3A_1240 : vector<16xi32> to vector<1x16xi32>
      tpu.vector_store %arg5[%swap3A_1242, %swap3A_1243], %swap3A_1246 {strides = array<i32>} : memref<8x128xi32, #tpu.memory_space<vmem>>, vector<1x16xi32>,
      %add3A_1247 = arith.constant 112 : i32
      %add3A_1248 = arith.addi %mul3A_1092, %add3A_1247 : i32
      %add3A_1249 = vector.broadcast %add3A_1248 : i32 to vector<16xi32>
      %add3A_1250 = arith.addi %iota3A, %add3A_1249 : vector<16xi32>
      %rem3A_1251 = arith.constant 26 : i32
      %rem3A_1252 = vector.broadcast %rem3A_1251 : i32 to vector<16xi32>
      %rem3A_1253 = arith.remsi %add3A_1250, %rem3A_1252 : vector<16xi32>
      %get3A_1254 = arith.constant 6 : i32
      %get3A_1255 = arith.index_cast %get3A_1254 : i32 to index
      %get3A_1256 = arith.constant 112 : index
      %get3A_1257 = tpu.vector_load %arg5[%get3A_1255, %get3A_1256] {strides = array<i32>} : memref<8x128xi32, #tpu.memory_space<vmem>>, vector<1x16xi32>,
      %get3A_1258 = vector.shape_cast %get3A_1257 : vector<1x16xi32> to vector<16xi32>
      %mul3A_1259 = arith.constant 100000 : i32
      %mul3A_1260 = vector.broadcast %mul3A_1259 : i32 to vector<16xi32>
      %mul3A_1261 = arith.muli %rem3A_1253, %mul3A_1260 : vector<16xi32>
      %add3A_1262 = arith.addi %get3A_1258, %mul3A_1261 : vector<16xi32>
      %swap3A_1263 = arith.constant 6 : i32
      %swap3A_1264 = arith.index_cast %swap3A_1263 : i32 to index
      %swap3A_1265 = arith.constant 112 : index
      %swap3A_1266 = tpu.vector_load %arg5[%swap3A_1264, %swap3A_1265] {strides = array<i32>} : memref<8x128xi32, #tpu.memory_space<vmem>>, vector<1x16xi32>,
      %swap3A_1267 = vector.shape_cast %swap3A_1266 : vector<1x16xi32> to vector<16xi32>
      %swap3A_1268 = vector.shape_cast %add3A_1262 : vector<16xi32> to vector<1x16xi32>
      tpu.vector_store %arg5[%swap3A_1264, %swap3A_1265], %swap3A_1268 {strides = array<i32>} : memref<8x128xi32, #tpu.memory_space<vmem>>, vector<1x16xi32>,
      %add3A_1269 = arith.constant 7 : i32
      %add3A_1270 = arith.addi %add3A_11, %add3A_1269 : i32
      %mul3A_1271 = arith.constant 128 : i32
      %mul3A_1272 = arith.muli %add3A_1270, %mul3A_1271 : i32
      %add3A_1273 = arith.constant 0 : i32
      %add3A_1274 = arith.addi %mul3A_1272, %add3A_1273 : i32
      %add3A_1275 = vector.broadcast %add3A_1274 : i32 to vector<16xi32>
      %add3A_1276 = arith.addi %iota3A, %add3A_1275 : vector<16xi32>
      %rem3A_1277 = arith.constant 26 : i32
      %rem3A_1278 = vector.broadcast %rem3A_1277 : i32 to vector<16xi32>
      %rem3A_1279 = arith.remsi %add3A_1276, %rem3A_1278 : vector<16xi32>
      %get3A_1280 = arith.constant 7 : i32
      %get3A_1281 = arith.index_cast %get3A_1280 : i32 to index
      %get3A_1282 = arith.constant 0 : index
      %get3A_1283 = tpu.vector_load %arg5[%get3A_1281, %get3A_1282] {strides = array<i32>} : memref<8x128xi32, #tpu.memory_space<vmem>>, vector<1x16xi32>,
      %get3A_1284 = vector.shape_cast %get3A_1283 : vector<1x16xi32> to vector<16xi32>
      %mul3A_1285 = arith.constant 100000 : i32
      %mul3A_1286 = vector.broadcast %mul3A_1285 : i32 to vector<16xi32>
      %mul3A_1287 = arith.muli %rem3A_1279, %mul3A_1286 : vector<16xi32>
      %add3A_1288 = arith.addi %get3A_1284, %mul3A_1287 : vector<16xi32>
      %swap3A_1289 = arith.constant 7 : i32
      %swap3A_1290 = arith.index_cast %swap3A_1289 : i32 to index
      %swap3A_1291 = arith.constant 0 : index
      %swap3A_1292 = tpu.vector_load %arg5[%swap3A_1290, %swap3A_1291] {strides = array<i32>} : memref<8x128xi32, #tpu.memory_space<vmem>>, vector<1x16xi32>,
      %swap3A_1293 = vector.shape_cast %swap3A_1292 : vector<1x16xi32> to vector<16xi32>
      %swap3A_1294 = vector.shape_cast %add3A_1288 : vector<16xi32> to vector<1x16xi32>
      tpu.vector_store %arg5[%swap3A_1290, %swap3A_1291], %swap3A_1294 {strides = array<i32>} : memref<8x128xi32, #tpu.memory_space<vmem>>, vector<1x16xi32>,
      %add3A_1295 = arith.constant 16 : i32
      %add3A_1296 = arith.addi %mul3A_1272, %add3A_1295 : i32
      %add3A_1297 = vector.broadcast %add3A_1296 : i32 to vector<16xi32>
      %add3A_1298 = arith.addi %iota3A, %add3A_1297 : vector<16xi32>
      %rem3A_1299 = arith.constant 26 : i32
      %rem3A_1300 = vector.broadcast %rem3A_1299 : i32 to vector<16xi32>
      %rem3A_1301 = arith.remsi %add3A_1298, %rem3A_1300 : vector<16xi32>
      %get3A_1302 = arith.constant 7 : i32
      %get3A_1303 = arith.index_cast %get3A_1302 : i32 to index
      %get3A_1304 = arith.constant 16 : index
      %get3A_1305 = tpu.vector_load %arg5[%get3A_1303, %get3A_1304] {strides = array<i32>} : memref<8x128xi32, #tpu.memory_space<vmem>>, vector<1x16xi32>,
      %get3A_1306 = vector.shape_cast %get3A_1305 : vector<1x16xi32> to vector<16xi32>
      %mul3A_1307 = arith.constant 100000 : i32
      %mul3A_1308 = vector.broadcast %mul3A_1307 : i32 to vector<16xi32>
      %mul3A_1309 = arith.muli %rem3A_1301, %mul3A_1308 : vector<16xi32>
      %add3A_1310 = arith.addi %get3A_1306, %mul3A_1309 : vector<16xi32>
      %swap3A_1311 = arith.constant 7 : i32
      %swap3A_1312 = arith.index_cast %swap3A_1311 : i32 to index
      %swap3A_1313 = arith.constant 16 : index
      %swap3A_1314 = tpu.vector_load %arg5[%swap3A_1312, %swap3A_1313] {strides = array<i32>} : memref<8x128xi32, #tpu.memory_space<vmem>>, vector<1x16xi32>,
      %swap3A_1315 = vector.shape_cast %swap3A_1314 : vector<1x16xi32> to vector<16xi32>
      %swap3A_1316 = vector.shape_cast %add3A_1310 : vector<16xi32> to vector<1x16xi32>
      tpu.vector_store %arg5[%swap3A_1312, %swap3A_1313], %swap3A_1316 {strides = array<i32>} : memref<8x128xi32, #tpu.memory_space<vmem>>, vector<1x16xi32>,
      %add3A_1317 = arith.constant 32 : i32
      %add3A_1318 = arith.addi %mul3A_1272, %add3A_1317 : i32
      %add3A_1319 = vector.broadcast %add3A_1318 : i32 to vector<16xi32>
      %add3A_1320 = arith.addi %iota3A, %add3A_1319 : vector<16xi32>
      %rem3A_1321 = arith.constant 26 : i32
      %rem3A_1322 = vector.broadcast %rem3A_1321 : i32 to vector<16xi32>
      %rem3A_1323 = arith.remsi %add3A_1320, %rem3A_1322 : vector<16xi32>
      %get3A_1324 = arith.constant 7 : i32
      %get3A_1325 = arith.index_cast %get3A_1324 : i32 to index
      %get3A_1326 = arith.constant 32 : index
      %get3A_1327 = tpu.vector_load %arg5[%get3A_1325, %get3A_1326] {strides = array<i32>} : memref<8x128xi32, #tpu.memory_space<vmem>>, vector<1x16xi32>,
      %get3A_1328 = vector.shape_cast %get3A_1327 : vector<1x16xi32> to vector<16xi32>
      %mul3A_1329 = arith.constant 100000 : i32
      %mul3A_1330 = vector.broadcast %mul3A_1329 : i32 to vector<16xi32>
      %mul3A_1331 = arith.muli %rem3A_1323, %mul3A_1330 : vector<16xi32>
      %add3A_1332 = arith.addi %get3A_1328, %mul3A_1331 : vector<16xi32>
      %swap3A_1333 = arith.constant 7 : i32
      %swap3A_1334 = arith.index_cast %swap3A_1333 : i32 to index
      %swap3A_1335 = arith.constant 32 : index
      %swap3A_1336 = tpu.vector_load %arg5[%swap3A_1334, %swap3A_1335] {strides = array<i32>} : memref<8x128xi32, #tpu.memory_space<vmem>>, vector<1x16xi32>,
      %swap3A_1337 = vector.shape_cast %swap3A_1336 : vector<1x16xi32> to vector<16xi32>
      %swap3A_1338 = vector.shape_cast %add3A_1332 : vector<16xi32> to vector<1x16xi32>
      tpu.vector_store %arg5[%swap3A_1334, %swap3A_1335], %swap3A_1338 {strides = array<i32>} : memref<8x128xi32, #tpu.memory_space<vmem>>, vector<1x16xi32>,
      %add3A_1339 = arith.constant 48 : i32
      %add3A_1340 = arith.addi %mul3A_1272, %add3A_1339 : i32
      %add3A_1341 = vector.broadcast %add3A_1340 : i32 to vector<16xi32>
      %add3A_1342 = arith.addi %iota3A, %add3A_1341 : vector<16xi32>
      %rem3A_1343 = arith.constant 26 : i32
      %rem3A_1344 = vector.broadcast %rem3A_1343 : i32 to vector<16xi32>
      %rem3A_1345 = arith.remsi %add3A_1342, %rem3A_1344 : vector<16xi32>
      %get3A_1346 = arith.constant 7 : i32
      %get3A_1347 = arith.index_cast %get3A_1346 : i32 to index
      %get3A_1348 = arith.constant 48 : index
      %get3A_1349 = tpu.vector_load %arg5[%get3A_1347, %get3A_1348] {strides = array<i32>} : memref<8x128xi32, #tpu.memory_space<vmem>>, vector<1x16xi32>,
      %get3A_1350 = vector.shape_cast %get3A_1349 : vector<1x16xi32> to vector<16xi32>
      %mul3A_1351 = arith.constant 100000 : i32
      %mul3A_1352 = vector.broadcast %mul3A_1351 : i32 to vector<16xi32>
      %mul3A_1353 = arith.muli %rem3A_1345, %mul3A_1352 : vector<16xi32>
      %add3A_1354 = arith.addi %get3A_1350, %mul3A_1353 : vector<16xi32>
      %swap3A_1355 = arith.constant 7 : i32
      %swap3A_1356 = arith.index_cast %swap3A_1355 : i32 to index
      %swap3A_1357 = arith.constant 48 : index
      %swap3A_1358 = tpu.vector_load %arg5[%swap3A_1356, %swap3A_1357] {strides = array<i32>} : memref<8x128xi32, #tpu.memory_space<vmem>>, vector<1x16xi32>,
      %swap3A_1359 = vector.shape_cast %swap3A_1358 : vector<1x16xi32> to vector<16xi32>
      %swap3A_1360 = vector.shape_cast %add3A_1354 : vector<16xi32> to vector<1x16xi32>
      tpu.vector_store %arg5[%swap3A_1356, %swap3A_1357], %swap3A_1360 {strides = array<i32>} : memref<8x128xi32, #tpu.memory_space<vmem>>, vector<1x16xi32>,
      %add3A_1361 = arith.constant 64 : i32
      %add3A_1362 = arith.addi %mul3A_1272, %add3A_1361 : i32
      %add3A_1363 = vector.broadcast %add3A_1362 : i32 to vector<16xi32>
      %add3A_1364 = arith.addi %iota3A, %add3A_1363 : vector<16xi32>
      %rem3A_1365 = arith.constant 26 : i32
      %rem3A_1366 = vector.broadcast %rem3A_1365 : i32 to vector<16xi32>
      %rem3A_1367 = arith.remsi %add3A_1364, %rem3A_1366 : vector<16xi32>
      %get3A_1368 = arith.constant 7 : i32
      %get3A_1369 = arith.index_cast %get3A_1368 : i32 to index
      %get3A_1370 = arith.constant 64 : index
      %get3A_1371 = tpu.vector_load %arg5[%get3A_1369, %get3A_1370] {strides = array<i32>} : memref<8x128xi32, #tpu.memory_space<vmem>>, vector<1x16xi32>,
      %get3A_1372 = vector.shape_cast %get3A_1371 : vector<1x16xi32> to vector<16xi32>
      %mul3A_1373 = arith.constant 100000 : i32
      %mul3A_1374 = vector.broadcast %mul3A_1373 : i32 to vector<16xi32>
      %mul3A_1375 = arith.muli %rem3A_1367, %mul3A_1374 : vector<16xi32>
      %add3A_1376 = arith.addi %get3A_1372, %mul3A_1375 : vector<16xi32>
      %swap3A_1377 = arith.constant 7 : i32
      %swap3A_1378 = arith.index_cast %swap3A_1377 : i32 to index
      %swap3A_1379 = arith.constant 64 : index
      %swap3A_1380 = tpu.vector_load %arg5[%swap3A_1378, %swap3A_1379] {strides = array<i32>} : memref<8x128xi32, #tpu.memory_space<vmem>>, vector<1x16xi32>,
      %swap3A_1381 = vector.shape_cast %swap3A_1380 : vector<1x16xi32> to vector<16xi32>
      %swap3A_1382 = vector.shape_cast %add3A_1376 : vector<16xi32> to vector<1x16xi32>
      tpu.vector_store %arg5[%swap3A_1378, %swap3A_1379], %swap3A_1382 {strides = array<i32>} : memref<8x128xi32, #tpu.memory_space<vmem>>, vector<1x16xi32>,
      %add3A_1383 = arith.constant 80 : i32
      %add3A_1384 = arith.addi %mul3A_1272, %add3A_1383 : i32
      %add3A_1385 = vector.broadcast %add3A_1384 : i32 to vector<16xi32>
      %add3A_1386 = arith.addi %iota3A, %add3A_1385 : vector<16xi32>
      %rem3A_1387 = arith.constant 26 : i32
      %rem3A_1388 = vector.broadcast %rem3A_1387 : i32 to vector<16xi32>
      %rem3A_1389 = arith.remsi %add3A_1386, %rem3A_1388 : vector<16xi32>
      %get3A_1390 = arith.constant 7 : i32
      %get3A_1391 = arith.index_cast %get3A_1390 : i32 to index
      %get3A_1392 = arith.constant 80 : index
      %get3A_1393 = tpu.vector_load %arg5[%get3A_1391, %get3A_1392] {strides = array<i32>} : memref<8x128xi32, #tpu.memory_space<vmem>>, vector<1x16xi32>,
      %get3A_1394 = vector.shape_cast %get3A_1393 : vector<1x16xi32> to vector<16xi32>
      %mul3A_1395 = arith.constant 100000 : i32
      %mul3A_1396 = vector.broadcast %mul3A_1395 : i32 to vector<16xi32>
      %mul3A_1397 = arith.muli %rem3A_1389, %mul3A_1396 : vector<16xi32>
      %add3A_1398 = arith.addi %get3A_1394, %mul3A_1397 : vector<16xi32>
      %swap3A_1399 = arith.constant 7 : i32
      %swap3A_1400 = arith.index_cast %swap3A_1399 : i32 to index
      %swap3A_1401 = arith.constant 80 : index
      %swap3A_1402 = tpu.vector_load %arg5[%swap3A_1400, %swap3A_1401] {strides = array<i32>} : memref<8x128xi32, #tpu.memory_space<vmem>>, vector<1x16xi32>,
      %swap3A_1403 = vector.shape_cast %swap3A_1402 : vector<1x16xi32> to vector<16xi32>
      %swap3A_1404 = vector.shape_cast %add3A_1398 : vector<16xi32> to vector<1x16xi32>
      tpu.vector_store %arg5[%swap3A_1400, %swap3A_1401], %swap3A_1404 {strides = array<i32>} : memref<8x128xi32, #tpu.memory_space<vmem>>, vector<1x16xi32>,
      %add3A_1405 = arith.constant 96 : i32
      %add3A_1406 = arith.addi %mul3A_1272, %add3A_1405 : i32
      %add3A_1407 = vector.broadcast %add3A_1406 : i32 to vector<16xi32>
      %add3A_1408 = arith.addi %iota3A, %add3A_1407 : vector<16xi32>
      %rem3A_1409 = arith.constant 26 : i32
      %rem3A_1410 = vector.broadcast %rem3A_1409 : i32 to vector<16xi32>
      %rem3A_1411 = arith.remsi %add3A_1408, %rem3A_1410 : vector<16xi32>
      %get3A_1412 = arith.constant 7 : i32
      %get3A_1413 = arith.index_cast %get3A_1412 : i32 to index
      %get3A_1414 = arith.constant 96 : index
      %get3A_1415 = tpu.vector_load %arg5[%get3A_1413, %get3A_1414] {strides = array<i32>} : memref<8x128xi32, #tpu.memory_space<vmem>>, vector<1x16xi32>,
      %get3A_1416 = vector.shape_cast %get3A_1415 : vector<1x16xi32> to vector<16xi32>
      %mul3A_1417 = arith.constant 100000 : i32
      %mul3A_1418 = vector.broadcast %mul3A_1417 : i32 to vector<16xi32>
      %mul3A_1419 = arith.muli %rem3A_1411, %mul3A_1418 : vector<16xi32>
      %add3A_1420 = arith.addi %get3A_1416, %mul3A_1419 : vector<16xi32>
      %swap3A_1421 = arith.constant 7 : i32
      %swap3A_1422 = arith.index_cast %swap3A_1421 : i32 to index
      %swap3A_1423 = arith.constant 96 : index
      %swap3A_1424 = tpu.vector_load %arg5[%swap3A_1422, %swap3A_1423] {strides = array<i32>} : memref<8x128xi32, #tpu.memory_space<vmem>>, vector<1x16xi32>,
      %swap3A_1425 = vector.shape_cast %swap3A_1424 : vector<1x16xi32> to vector<16xi32>
      %swap3A_1426 = vector.shape_cast %add3A_1420 : vector<16xi32> to vector<1x16xi32>
      tpu.vector_store %arg5[%swap3A_1422, %swap3A_1423], %swap3A_1426 {strides = array<i32>} : memref<8x128xi32, #tpu.memory_space<vmem>>, vector<1x16xi32>,
      %add3A_1427 = arith.constant 112 : i32
      %add3A_1428 = arith.addi %mul3A_1272, %add3A_1427 : i32
      %add3A_1429 = vector.broadcast %add3A_1428 : i32 to vector<16xi32>
      %add3A_1430 = arith.addi %iota3A, %add3A_1429 : vector<16xi32>
      %rem3A_1431 = arith.constant 26 : i32
      %rem3A_1432 = vector.broadcast %rem3A_1431 : i32 to vector<16xi32>
      %rem3A_1433 = arith.remsi %add3A_1430, %rem3A_1432 : vector<16xi32>
      %get3A_1434 = arith.constant 7 : i32
      %get3A_1435 = arith.index_cast %get3A_1434 : i32 to index
      %get3A_1436 = arith.constant 112 : index
      %get3A_1437 = tpu.vector_load %arg5[%get3A_1435, %get3A_1436] {strides = array<i32>} : memref<8x128xi32, #tpu.memory_space<vmem>>, vector<1x16xi32>,
      %get3A_1438 = vector.shape_cast %get3A_1437 : vector<1x16xi32> to vector<16xi32>
      %mul3A_1439 = arith.constant 100000 : i32
      %mul3A_1440 = vector.broadcast %mul3A_1439 : i32 to vector<16xi32>
      %mul3A_1441 = arith.muli %rem3A_1433, %mul3A_1440 : vector<16xi32>
      %add3A_1442 = arith.addi %get3A_1438, %mul3A_1441 : vector<16xi32>
      %swap3A_1443 = arith.constant 7 : i32
      %swap3A_1444 = arith.index_cast %swap3A_1443 : i32 to index
      %swap3A_1445 = arith.constant 112 : index
      %swap3A_1446 = tpu.vector_load %arg5[%swap3A_1444, %swap3A_1445] {strides = array<i32>} : memref<8x128xi32, #tpu.memory_space<vmem>>, vector<1x16xi32>,
      %swap3A_1447 = vector.shape_cast %swap3A_1446 : vector<1x16xi32> to vector<16xi32>
      %swap3A_1448 = vector.shape_cast %add3A_1442 : vector<16xi32> to vector<1x16xi32>
      tpu.vector_store %arg5[%swap3A_1444, %swap3A_1445], %swap3A_1448 {strides = array<i32>} : memref<8x128xi32, #tpu.memory_space<vmem>>, vector<1x16xi32>,
      %dma_start3A = arith.constant 0 : i32
      %dma_start3A_1449 = arith.constant 0 : i32
      %dma_start3A_1450 = arith.constant 0 : i32
      %dma_start3A_1451 = tpu.memref_slice %arg6[%dma_start3A_1449, %dma_start3A_1450] : memref<1024x16xf32, #tpu.memory_space<vmem>> -> memref<128x16xf32, #tpu.memory_space<vmem>>
      %dma_start3A_1452 = arith.constant 0 : i32
      %dma_start3A_1453 = tpu.memref_slice %arg5[%dma_start3A, %dma_start3A_1452] : memref<8x128xi32, #tpu.memory_space<vmem>> -> memref<1x128xi32, #tpu.memory_space<vmem>>
      %dma_start3A_1454 = tpu.memref_squeeze %dma_start3A_1453 : memref<1x128xi32, #tpu.memory_space<vmem>> -> memref<128xi32, #tpu.memory_space<vmem>>
      %dma_start3A_1455 = arith.constant 0 : i32
      %dma_start3A_1456 = arith.constant 0 : i32
      %dma_start3A_1457 = tpu.memref_slice %arg2[%dma_start3A_1455, %dma_start3A_1456] : memref<2600000x16xf32, #tpu.memory_space<hbm>> -> memref<2600000x16xf32, #tpu.memory_space<hbm>>
      tpu.enqueue_indirect_dma source(%dma_start3A_1457 : memref<2600000x16xf32, #tpu.memory_space<hbm>>) target(%dma_start3A_1451 : memref<128x16xf32, #tpu.memory_space<vmem>>) offsets(%dma_start3A_1454 : memref<128xi32, #tpu.memory_space<vmem>>) semaphore(%arg7 : memref<!tpu.dma_semaphore, #tpu.memory_space<semaphore_mem>>)
      %dma_start3A_1458 = arith.constant 1 : i32
      %dma_start3A_1459 = arith.constant 128 : i32
      %dma_start3A_1460 = arith.constant 0 : i32
      %dma_start3A_1461 = tpu.memref_slice %arg6[%dma_start3A_1459, %dma_start3A_1460] : memref<1024x16xf32, #tpu.memory_space<vmem>> -> memref<128x16xf32, #tpu.memory_space<vmem>>
      %dma_start3A_1462 = arith.constant 0 : i32
      %dma_start3A_1463 = tpu.memref_slice %arg5[%dma_start3A_1458, %dma_start3A_1462] : memref<8x128xi32, #tpu.memory_space<vmem>> -> memref<1x128xi32, #tpu.memory_space<vmem>>
      %dma_start3A_1464 = tpu.memref_squeeze %dma_start3A_1463 : memref<1x128xi32, #tpu.memory_space<vmem>> -> memref<128xi32, #tpu.memory_space<vmem>>
      %dma_start3A_1465 = arith.constant 0 : i32
      %dma_start3A_1466 = arith.constant 0 : i32
      %dma_start3A_1467 = tpu.memref_slice %arg2[%dma_start3A_1465, %dma_start3A_1466] : memref<2600000x16xf32, #tpu.memory_space<hbm>> -> memref<2600000x16xf32, #tpu.memory_space<hbm>>
      tpu.enqueue_indirect_dma source(%dma_start3A_1467 : memref<2600000x16xf32, #tpu.memory_space<hbm>>) target(%dma_start3A_1461 : memref<128x16xf32, #tpu.memory_space<vmem>>) offsets(%dma_start3A_1464 : memref<128xi32, #tpu.memory_space<vmem>>) semaphore(%arg7 : memref<!tpu.dma_semaphore, #tpu.memory_space<semaphore_mem>>)
      %dma_start3A_1468 = arith.constant 2 : i32
      %dma_start3A_1469 = arith.constant 256 : i32
      %dma_start3A_1470 = arith.constant 0 : i32
      %dma_start3A_1471 = tpu.memref_slice %arg6[%dma_start3A_1469, %dma_start3A_1470] : memref<1024x16xf32, #tpu.memory_space<vmem>> -> memref<128x16xf32, #tpu.memory_space<vmem>>
      %dma_start3A_1472 = arith.constant 0 : i32
      %dma_start3A_1473 = tpu.memref_slice %arg5[%dma_start3A_1468, %dma_start3A_1472] : memref<8x128xi32, #tpu.memory_space<vmem>> -> memref<1x128xi32, #tpu.memory_space<vmem>>
      %dma_start3A_1474 = tpu.memref_squeeze %dma_start3A_1473 : memref<1x128xi32, #tpu.memory_space<vmem>> -> memref<128xi32, #tpu.memory_space<vmem>>
      %dma_start3A_1475 = arith.constant 0 : i32
      %dma_start3A_1476 = arith.constant 0 : i32
      %dma_start3A_1477 = tpu.memref_slice %arg2[%dma_start3A_1475, %dma_start3A_1476] : memref<2600000x16xf32, #tpu.memory_space<hbm>> -> memref<2600000x16xf32, #tpu.memory_space<hbm>>
      tpu.enqueue_indirect_dma source(%dma_start3A_1477 : memref<2600000x16xf32, #tpu.memory_space<hbm>>) target(%dma_start3A_1471 : memref<128x16xf32, #tpu.memory_space<vmem>>) offsets(%dma_start3A_1474 : memref<128xi32, #tpu.memory_space<vmem>>) semaphore(%arg7 : memref<!tpu.dma_semaphore, #tpu.memory_space<semaphore_mem>>)
      %dma_start3A_1478 = arith.constant 3 : i32
      %dma_start3A_1479 = arith.constant 384 : i32
      %dma_start3A_1480 = arith.constant 0 : i32
      %dma_start3A_1481 = tpu.memref_slice %arg6[%dma_start3A_1479, %dma_start3A_1480] : memref<1024x16xf32, #tpu.memory_space<vmem>> -> memref<128x16xf32, #tpu.memory_space<vmem>>
      %dma_start3A_1482 = arith.constant 0 : i32
      %dma_start3A_1483 = tpu.memref_slice %arg5[%dma_start3A_1478, %dma_start3A_1482] : memref<8x128xi32, #tpu.memory_space<vmem>> -> memref<1x128xi32, #tpu.memory_space<vmem>>
      %dma_start3A_1484 = tpu.memref_squeeze %dma_start3A_1483 : memref<1x128xi32, #tpu.memory_space<vmem>> -> memref<128xi32, #tpu.memory_space<vmem>>
      %dma_start3A_1485 = arith.constant 0 : i32
      %dma_start3A_1486 = arith.constant 0 : i32
      %dma_start3A_1487 = tpu.memref_slice %arg2[%dma_start3A_1485, %dma_start3A_1486] : memref<2600000x16xf32, #tpu.memory_space<hbm>> -> memref<2600000x16xf32, #tpu.memory_space<hbm>>
      tpu.enqueue_indirect_dma source(%dma_start3A_1487 : memref<2600000x16xf32, #tpu.memory_space<hbm>>) target(%dma_start3A_1481 : memref<128x16xf32, #tpu.memory_space<vmem>>) offsets(%dma_start3A_1484 : memref<128xi32, #tpu.memory_space<vmem>>) semaphore(%arg7 : memref<!tpu.dma_semaphore, #tpu.memory_space<semaphore_mem>>)
      %dma_start3A_1488 = arith.constant 4 : i32
      %dma_start3A_1489 = arith.constant 512 : i32
      %dma_start3A_1490 = arith.constant 0 : i32
      %dma_start3A_1491 = tpu.memref_slice %arg6[%dma_start3A_1489, %dma_start3A_1490] : memref<1024x16xf32, #tpu.memory_space<vmem>> -> memref<128x16xf32, #tpu.memory_space<vmem>>
      %dma_start3A_1492 = arith.constant 0 : i32
      %dma_start3A_1493 = tpu.memref_slice %arg5[%dma_start3A_1488, %dma_start3A_1492] : memref<8x128xi32, #tpu.memory_space<vmem>> -> memref<1x128xi32, #tpu.memory_space<vmem>>
      %dma_start3A_1494 = tpu.memref_squeeze %dma_start3A_1493 : memref<1x128xi32, #tpu.memory_space<vmem>> -> memref<128xi32, #tpu.memory_space<vmem>>
      %dma_start3A_1495 = arith.constant 0 : i32
      %dma_start3A_1496 = arith.constant 0 : i32
      %dma_start3A_1497 = tpu.memref_slice %arg2[%dma_start3A_1495, %dma_start3A_1496] : memref<2600000x16xf32, #tpu.memory_space<hbm>> -> memref<2600000x16xf32, #tpu.memory_space<hbm>>
      tpu.enqueue_indirect_dma source(%dma_start3A_1497 : memref<2600000x16xf32, #tpu.memory_space<hbm>>) target(%dma_start3A_1491 : memref<128x16xf32, #tpu.memory_space<vmem>>) offsets(%dma_start3A_1494 : memref<128xi32, #tpu.memory_space<vmem>>) semaphore(%arg7 : memref<!tpu.dma_semaphore, #tpu.memory_space<semaphore_mem>>)
      %dma_start3A_1498 = arith.constant 5 : i32
      %dma_start3A_1499 = arith.constant 640 : i32
      %dma_start3A_1500 = arith.constant 0 : i32
      %dma_start3A_1501 = tpu.memref_slice %arg6[%dma_start3A_1499, %dma_start3A_1500] : memref<1024x16xf32, #tpu.memory_space<vmem>> -> memref<128x16xf32, #tpu.memory_space<vmem>>
      %dma_start3A_1502 = arith.constant 0 : i32
      %dma_start3A_1503 = tpu.memref_slice %arg5[%dma_start3A_1498, %dma_start3A_1502] : memref<8x128xi32, #tpu.memory_space<vmem>> -> memref<1x128xi32, #tpu.memory_space<vmem>>
      %dma_start3A_1504 = tpu.memref_squeeze %dma_start3A_1503 : memref<1x128xi32, #tpu.memory_space<vmem>> -> memref<128xi32, #tpu.memory_space<vmem>>
      %dma_start3A_1505 = arith.constant 0 : i32
      %dma_start3A_1506 = arith.constant 0 : i32
      %dma_start3A_1507 = tpu.memref_slice %arg2[%dma_start3A_1505, %dma_start3A_1506] : memref<2600000x16xf32, #tpu.memory_space<hbm>> -> memref<2600000x16xf32, #tpu.memory_space<hbm>>
      tpu.enqueue_indirect_dma source(%dma_start3A_1507 : memref<2600000x16xf32, #tpu.memory_space<hbm>>) target(%dma_start3A_1501 : memref<128x16xf32, #tpu.memory_space<vmem>>) offsets(%dma_start3A_1504 : memref<128xi32, #tpu.memory_space<vmem>>) semaphore(%arg7 : memref<!tpu.dma_semaphore, #tpu.memory_space<semaphore_mem>>)
      %dma_start3A_1508 = arith.constant 6 : i32
      %dma_start3A_1509 = arith.constant 768 : i32
      %dma_start3A_1510 = arith.constant 0 : i32
      %dma_start3A_1511 = tpu.memref_slice %arg6[%dma_start3A_1509, %dma_start3A_1510] : memref<1024x16xf32, #tpu.memory_space<vmem>> -> memref<128x16xf32, #tpu.memory_space<vmem>>
      %dma_start3A_1512 = arith.constant 0 : i32
      %dma_start3A_1513 = tpu.memref_slice %arg5[%dma_start3A_1508, %dma_start3A_1512] : memref<8x128xi32, #tpu.memory_space<vmem>> -> memref<1x128xi32, #tpu.memory_space<vmem>>
      %dma_start3A_1514 = tpu.memref_squeeze %dma_start3A_1513 : memref<1x128xi32, #tpu.memory_space<vmem>> -> memref<128xi32, #tpu.memory_space<vmem>>
      %dma_start3A_1515 = arith.constant 0 : i32
      %dma_start3A_1516 = arith.constant 0 : i32
      %dma_start3A_1517 = tpu.memref_slice %arg2[%dma_start3A_1515, %dma_start3A_1516] : memref<2600000x16xf32, #tpu.memory_space<hbm>> -> memref<2600000x16xf32, #tpu.memory_space<hbm>>
      tpu.enqueue_indirect_dma source(%dma_start3A_1517 : memref<2600000x16xf32, #tpu.memory_space<hbm>>) target(%dma_start3A_1511 : memref<128x16xf32, #tpu.memory_space<vmem>>) offsets(%dma_start3A_1514 : memref<128xi32, #tpu.memory_space<vmem>>) semaphore(%arg7 : memref<!tpu.dma_semaphore, #tpu.memory_space<semaphore_mem>>)
      %dma_start3A_1518 = arith.constant 7 : i32
      %dma_start3A_1519 = arith.constant 896 : i32
      %dma_start3A_1520 = arith.constant 0 : i32
      %dma_start3A_1521 = tpu.memref_slice %arg6[%dma_start3A_1519, %dma_start3A_1520] : memref<1024x16xf32, #tpu.memory_space<vmem>> -> memref<128x16xf32, #tpu.memory_space<vmem>>
      %dma_start3A_1522 = arith.constant 0 : i32
      %dma_start3A_1523 = tpu.memref_slice %arg5[%dma_start3A_1518, %dma_start3A_1522] : memref<8x128xi32, #tpu.memory_space<vmem>> -> memref<1x128xi32, #tpu.memory_space<vmem>>
      %dma_start3A_1524 = tpu.memref_squeeze %dma_start3A_1523 : memref<1x128xi32, #tpu.memory_space<vmem>> -> memref<128xi32, #tpu.memory_space<vmem>>
      %dma_start3A_1525 = arith.constant 0 : i32
      %dma_start3A_1526 = arith.constant 0 : i32
      %dma_start3A_1527 = tpu.memref_slice %arg2[%dma_start3A_1525, %dma_start3A_1526] : memref<2600000x16xf32, #tpu.memory_space<hbm>> -> memref<2600000x16xf32, #tpu.memory_space<hbm>>
      tpu.enqueue_indirect_dma source(%dma_start3A_1527 : memref<2600000x16xf32, #tpu.memory_space<hbm>>) target(%dma_start3A_1521 : memref<128x16xf32, #tpu.memory_space<vmem>>) offsets(%dma_start3A_1524 : memref<128xi32, #tpu.memory_space<vmem>>) semaphore(%arg7 : memref<!tpu.dma_semaphore, #tpu.memory_space<semaphore_mem>>)
      %dma_wait3A = arith.constant 0 : i32
      %dma_wait3A_1528 = arith.constant 0 : i32
      %dma_wait3A_1529 = arith.constant 0 : i32
      %dma_wait3A_1530 = tpu.memref_slice %arg6[%dma_wait3A_1528, %dma_wait3A_1529] : memref<1024x16xf32, #tpu.memory_space<vmem>> -> memref<128x16xf32, #tpu.memory_space<vmem>>
      %dma_wait3A_1531 = arith.constant 0 : i32
      %dma_wait3A_1532 = tpu.memref_slice %arg5[%dma_wait3A, %dma_wait3A_1531] : memref<8x128xi32, #tpu.memory_space<vmem>> -> memref<1x128xi32, #tpu.memory_space<vmem>>
      %dma_wait3A_1533 = tpu.memref_squeeze %dma_wait3A_1532 : memref<1x128xi32, #tpu.memory_space<vmem>> -> memref<128xi32, #tpu.memory_space<vmem>>
      %dma_wait3A_1534 = arith.constant 0 : i32
      %dma_wait3A_1535 = arith.constant 0 : i32
      %dma_wait3A_1536 = tpu.memref_slice %arg2[%dma_wait3A_1534, %dma_wait3A_1535] : memref<2600000x16xf32, #tpu.memory_space<hbm>> -> memref<2600000x16xf32, #tpu.memory_space<hbm>>
      tpu.wait_indirect_dma semaphore(%arg7 : memref<!tpu.dma_semaphore, #tpu.memory_space<semaphore_mem>>) src(%dma_wait3A_1536 : memref<2600000x16xf32, #tpu.memory_space<hbm>>) dst(%dma_wait3A_1530 : memref<128x16xf32, #tpu.memory_space<vmem>>)
      %dma_wait3A_1537 = arith.constant 1 : i32
      %dma_wait3A_1538 = arith.constant 128 : i32
      %dma_wait3A_1539 = arith.constant 0 : i32
      %dma_wait3A_1540 = tpu.memref_slice %arg6[%dma_wait3A_1538, %dma_wait3A_1539] : memref<1024x16xf32, #tpu.memory_space<vmem>> -> memref<128x16xf32, #tpu.memory_space<vmem>>
      %dma_wait3A_1541 = arith.constant 0 : i32
      %dma_wait3A_1542 = tpu.memref_slice %arg5[%dma_wait3A_1537, %dma_wait3A_1541] : memref<8x128xi32, #tpu.memory_space<vmem>> -> memref<1x128xi32, #tpu.memory_space<vmem>>
      %dma_wait3A_1543 = tpu.memref_squeeze %dma_wait3A_1542 : memref<1x128xi32, #tpu.memory_space<vmem>> -> memref<128xi32, #tpu.memory_space<vmem>>
      %dma_wait3A_1544 = arith.constant 0 : i32
      %dma_wait3A_1545 = arith.constant 0 : i32
      %dma_wait3A_1546 = tpu.memref_slice %arg2[%dma_wait3A_1544, %dma_wait3A_1545] : memref<2600000x16xf32, #tpu.memory_space<hbm>> -> memref<2600000x16xf32, #tpu.memory_space<hbm>>
      tpu.wait_indirect_dma semaphore(%arg7 : memref<!tpu.dma_semaphore, #tpu.memory_space<semaphore_mem>>) src(%dma_wait3A_1546 : memref<2600000x16xf32, #tpu.memory_space<hbm>>) dst(%dma_wait3A_1540 : memref<128x16xf32, #tpu.memory_space<vmem>>)
      %dma_wait3A_1547 = arith.constant 2 : i32
      %dma_wait3A_1548 = arith.constant 256 : i32
      %dma_wait3A_1549 = arith.constant 0 : i32
      %dma_wait3A_1550 = tpu.memref_slice %arg6[%dma_wait3A_1548, %dma_wait3A_1549] : memref<1024x16xf32, #tpu.memory_space<vmem>> -> memref<128x16xf32, #tpu.memory_space<vmem>>
      %dma_wait3A_1551 = arith.constant 0 : i32
      %dma_wait3A_1552 = tpu.memref_slice %arg5[%dma_wait3A_1547, %dma_wait3A_1551] : memref<8x128xi32, #tpu.memory_space<vmem>> -> memref<1x128xi32, #tpu.memory_space<vmem>>
      %dma_wait3A_1553 = tpu.memref_squeeze %dma_wait3A_1552 : memref<1x128xi32, #tpu.memory_space<vmem>> -> memref<128xi32, #tpu.memory_space<vmem>>
      %dma_wait3A_1554 = arith.constant 0 : i32
      %dma_wait3A_1555 = arith.constant 0 : i32
      %dma_wait3A_1556 = tpu.memref_slice %arg2[%dma_wait3A_1554, %dma_wait3A_1555] : memref<2600000x16xf32, #tpu.memory_space<hbm>> -> memref<2600000x16xf32, #tpu.memory_space<hbm>>
      tpu.wait_indirect_dma semaphore(%arg7 : memref<!tpu.dma_semaphore, #tpu.memory_space<semaphore_mem>>) src(%dma_wait3A_1556 : memref<2600000x16xf32, #tpu.memory_space<hbm>>) dst(%dma_wait3A_1550 : memref<128x16xf32, #tpu.memory_space<vmem>>)
      %dma_wait3A_1557 = arith.constant 3 : i32
      %dma_wait3A_1558 = arith.constant 384 : i32
      %dma_wait3A_1559 = arith.constant 0 : i32
      %dma_wait3A_1560 = tpu.memref_slice %arg6[%dma_wait3A_1558, %dma_wait3A_1559] : memref<1024x16xf32, #tpu.memory_space<vmem>> -> memref<128x16xf32, #tpu.memory_space<vmem>>
      %dma_wait3A_1561 = arith.constant 0 : i32
      %dma_wait3A_1562 = tpu.memref_slice %arg5[%dma_wait3A_1557, %dma_wait3A_1561] : memref<8x128xi32, #tpu.memory_space<vmem>> -> memref<1x128xi32, #tpu.memory_space<vmem>>
      %dma_wait3A_1563 = tpu.memref_squeeze %dma_wait3A_1562 : memref<1x128xi32, #tpu.memory_space<vmem>> -> memref<128xi32, #tpu.memory_space<vmem>>
      %dma_wait3A_1564 = arith.constant 0 : i32
      %dma_wait3A_1565 = arith.constant 0 : i32
      %dma_wait3A_1566 = tpu.memref_slice %arg2[%dma_wait3A_1564, %dma_wait3A_1565] : memref<2600000x16xf32, #tpu.memory_space<hbm>> -> memref<2600000x16xf32, #tpu.memory_space<hbm>>
      tpu.wait_indirect_dma semaphore(%arg7 : memref<!tpu.dma_semaphore, #tpu.memory_space<semaphore_mem>>) src(%dma_wait3A_1566 : memref<2600000x16xf32, #tpu.memory_space<hbm>>) dst(%dma_wait3A_1560 : memref<128x16xf32, #tpu.memory_space<vmem>>)
      %dma_wait3A_1567 = arith.constant 4 : i32
      %dma_wait3A_1568 = arith.constant 512 : i32
      %dma_wait3A_1569 = arith.constant 0 : i32
      %dma_wait3A_1570 = tpu.memref_slice %arg6[%dma_wait3A_1568, %dma_wait3A_1569] : memref<1024x16xf32, #tpu.memory_space<vmem>> -> memref<128x16xf32, #tpu.memory_space<vmem>>
      %dma_wait3A_1571 = arith.constant 0 : i32
      %dma_wait3A_1572 = tpu.memref_slice %arg5[%dma_wait3A_1567, %dma_wait3A_1571] : memref<8x128xi32, #tpu.memory_space<vmem>> -> memref<1x128xi32, #tpu.memory_space<vmem>>
      %dma_wait3A_1573 = tpu.memref_squeeze %dma_wait3A_1572 : memref<1x128xi32, #tpu.memory_space<vmem>> -> memref<128xi32, #tpu.memory_space<vmem>>
      %dma_wait3A_1574 = arith.constant 0 : i32
      %dma_wait3A_1575 = arith.constant 0 : i32
      %dma_wait3A_1576 = tpu.memref_slice %arg2[%dma_wait3A_1574, %dma_wait3A_1575] : memref<2600000x16xf32, #tpu.memory_space<hbm>> -> memref<2600000x16xf32, #tpu.memory_space<hbm>>
      tpu.wait_indirect_dma semaphore(%arg7 : memref<!tpu.dma_semaphore, #tpu.memory_space<semaphore_mem>>) src(%dma_wait3A_1576 : memref<2600000x16xf32, #tpu.memory_space<hbm>>) dst(%dma_wait3A_1570 : memref<128x16xf32, #tpu.memory_space<vmem>>)
      %dma_wait3A_1577 = arith.constant 5 : i32
      %dma_wait3A_1578 = arith.constant 640 : i32
      %dma_wait3A_1579 = arith.constant 0 : i32
      %dma_wait3A_1580 = tpu.memref_slice %arg6[%dma_wait3A_1578, %dma_wait3A_1579] : memref<1024x16xf32, #tpu.memory_space<vmem>> -> memref<128x16xf32, #tpu.memory_space<vmem>>
      %dma_wait3A_1581 = arith.constant 0 : i32
      %dma_wait3A_1582 = tpu.memref_slice %arg5[%dma_wait3A_1577, %dma_wait3A_1581] : memref<8x128xi32, #tpu.memory_space<vmem>> -> memref<1x128xi32, #tpu.memory_space<vmem>>
      %dma_wait3A_1583 = tpu.memref_squeeze %dma_wait3A_1582 : memref<1x128xi32, #tpu.memory_space<vmem>> -> memref<128xi32, #tpu.memory_space<vmem>>
      %dma_wait3A_1584 = arith.constant 0 : i32
      %dma_wait3A_1585 = arith.constant 0 : i32
      %dma_wait3A_1586 = tpu.memref_slice %arg2[%dma_wait3A_1584, %dma_wait3A_1585] : memref<2600000x16xf32, #tpu.memory_space<hbm>> -> memref<2600000x16xf32, #tpu.memory_space<hbm>>
      tpu.wait_indirect_dma semaphore(%arg7 : memref<!tpu.dma_semaphore, #tpu.memory_space<semaphore_mem>>) src(%dma_wait3A_1586 : memref<2600000x16xf32, #tpu.memory_space<hbm>>) dst(%dma_wait3A_1580 : memref<128x16xf32, #tpu.memory_space<vmem>>)
      %dma_wait3A_1587 = arith.constant 6 : i32
      %dma_wait3A_1588 = arith.constant 768 : i32
      %dma_wait3A_1589 = arith.constant 0 : i32
      %dma_wait3A_1590 = tpu.memref_slice %arg6[%dma_wait3A_1588, %dma_wait3A_1589] : memref<1024x16xf32, #tpu.memory_space<vmem>> -> memref<128x16xf32, #tpu.memory_space<vmem>>
      %dma_wait3A_1591 = arith.constant 0 : i32
      %dma_wait3A_1592 = tpu.memref_slice %arg5[%dma_wait3A_1587, %dma_wait3A_1591] : memref<8x128xi32, #tpu.memory_space<vmem>> -> memref<1x128xi32, #tpu.memory_space<vmem>>
      %dma_wait3A_1593 = tpu.memref_squeeze %dma_wait3A_1592 : memref<1x128xi32, #tpu.memory_space<vmem>> -> memref<128xi32, #tpu.memory_space<vmem>>
      %dma_wait3A_1594 = arith.constant 0 : i32
      %dma_wait3A_1595 = arith.constant 0 : i32
      %dma_wait3A_1596 = tpu.memref_slice %arg2[%dma_wait3A_1594, %dma_wait3A_1595] : memref<2600000x16xf32, #tpu.memory_space<hbm>> -> memref<2600000x16xf32, #tpu.memory_space<hbm>>
      tpu.wait_indirect_dma semaphore(%arg7 : memref<!tpu.dma_semaphore, #tpu.memory_space<semaphore_mem>>) src(%dma_wait3A_1596 : memref<2600000x16xf32, #tpu.memory_space<hbm>>) dst(%dma_wait3A_1590 : memref<128x16xf32, #tpu.memory_space<vmem>>)
      %dma_wait3A_1597 = arith.constant 7 : i32
      %dma_wait3A_1598 = arith.constant 896 : i32
      %dma_wait3A_1599 = arith.constant 0 : i32
      %dma_wait3A_1600 = tpu.memref_slice %arg6[%dma_wait3A_1598, %dma_wait3A_1599] : memref<1024x16xf32, #tpu.memory_space<vmem>> -> memref<128x16xf32, #tpu.memory_space<vmem>>
      %dma_wait3A_1601 = arith.constant 0 : i32
      %dma_wait3A_1602 = tpu.memref_slice %arg5[%dma_wait3A_1597, %dma_wait3A_1601] : memref<8x128xi32, #tpu.memory_space<vmem>> -> memref<1x128xi32, #tpu.memory_space<vmem>>
      %dma_wait3A_1603 = tpu.memref_squeeze %dma_wait3A_1602 : memref<1x128xi32, #tpu.memory_space<vmem>> -> memref<128xi32, #tpu.memory_space<vmem>>
      %dma_wait3A_1604 = arith.constant 0 : i32
      %dma_wait3A_1605 = arith.constant 0 : i32
      %dma_wait3A_1606 = tpu.memref_slice %arg2[%dma_wait3A_1604, %dma_wait3A_1605] : memref<2600000x16xf32, #tpu.memory_space<hbm>> -> memref<2600000x16xf32, #tpu.memory_space<hbm>>
      tpu.wait_indirect_dma semaphore(%arg7 : memref<!tpu.dma_semaphore, #tpu.memory_space<semaphore_mem>>) src(%dma_wait3A_1606 : memref<2600000x16xf32, #tpu.memory_space<hbm>>) dst(%dma_wait3A_1600 : memref<128x16xf32, #tpu.memory_space<vmem>>)
      %mul3A_1607 = arith.constant 128 : i32
      %mul3A_1608 = arith.muli %add3A_11, %mul3A_1607 : i32
      "tpu.region"() ({
        %run_scoped3A = tpu.sem_alloc : memref<!tpu.dma_semaphore, #tpu.memory_space<semaphore_mem>>
        %dma_start3A_1609 = arith.constant 0 : i32
        %dma_start3A_1610 = tpu.memref_slice %arg4[%mul3A_1608, %dma_start3A_1609] : memref<2129920x16xf32, #tpu.memory_space<hbm>> -> memref<1024x16xf32, #tpu.memory_space<hbm>>
        %dma_start3A_1611 = arith.constant 0 : i32
        %dma_start3A_1612 = tpu.memref_slice %arg4[%mul3A_1608, %dma_start3A_1611] : memref<2129920x16xf32, #tpu.memory_space<hbm>> -> memref<1024x16xf32, #tpu.memory_space<hbm>>
        tpu.enqueue_dma source(%arg6 : memref<1024x16xf32, #tpu.memory_space<vmem>>) target(%dma_start3A_1612 : memref<1024x16xf32, #tpu.memory_space<hbm>>) target_semaphore(%run_scoped3A : memref<!tpu.dma_semaphore, #tpu.memory_space<semaphore_mem>>)
        %dma_wait3A_1613 = arith.constant 0 : i32
        %dma_wait3A_1614 = tpu.memref_slice %arg4[%mul3A_1608, %dma_wait3A_1613] : memref<2129920x16xf32, #tpu.memory_space<hbm>> -> memref<1024x16xf32, #tpu.memory_space<hbm>>
        %dma_wait3A_1615 = arith.constant 0 : i32
        %dma_wait3A_1616 = tpu.memref_slice %arg4[%mul3A_1608, %dma_wait3A_1615] : memref<2129920x16xf32, #tpu.memory_space<hbm>> -> memref<1024x16xf32, #tpu.memory_space<hbm>>
        tpu.wait_dma2 semaphore(%run_scoped3A : memref<!tpu.dma_semaphore, #tpu.memory_space<semaphore_mem>>) src(%arg6 : memref<1024x16xf32, #tpu.memory_space<vmem>>) dst(%dma_wait3A_1616 : memref<1024x16xf32, #tpu.memory_space<hbm>>)
        tpu.yield
      }) : () -> ()
    }
    %scan3A_7 = arith.constant 65 : i32
    return
  }
}

module attributes {stable_mosaic.version = 14 : i64} {
  func.func @_tc_body(%arg0: i32, %arg1: memref<8320x128xf32, #tpu.memory_space<vmem>>, %arg2: memref<8320x128xf32, #tpu.memory_space<vmem>>) attributes {dimension_semantics = [#tpu.dimension_semantics<arbitrary>], iteration_bounds = array<i64: 32>, scalar_prefetch = 0 : i64, scratch_operands = 0 : i64, tpu.core_type = #tpu.core_type<tc>, window_params = [{transform_indices = @transform_0, window_bounds = array<i64: 8320, 128>}, {transform_indices = @transform_1, window_bounds = array<i64: 8320, 128>}]} {
    %get3A = arith.constant 0 : index
    %get3A_0 = arith.constant 0 : index
    %get3A_1 = vector.load %arg1[%get3A, %get3A_0] : memref<8320x128xf32, #tpu.memory_space<vmem>>, vector<8320x128xf32>
    %mul3A = arith.mulf %get3A_1, %get3A_1 : vector<8320x128xf32>
    %iota3A = tpu.iota {dimensions = array<i32: 0>} : vector<128x128xi32>
    %jit3A = arith.constant 16 : i32
    %div3A = vector.broadcast %jit3A : i32 to vector<128x128xi32>
    %div3A_2 = arith.divsi %iota3A, %div3A : vector<128x128xi32>
    %sign3A = arith.constant 0 : i32
    %sign3A_3 = vector.broadcast %sign3A : i32 to vector<128x128xi32>
    %sign3A_4 = arith.cmpi sgt, %iota3A, %sign3A_3 : vector<128x128xi32>
    %sign3A_5 = arith.extui %sign3A_4 : vector<128x128xi1> to vector<128x128xi32>
    %sign3A_6 = arith.constant 0 : i32
    %sign3A_7 = vector.broadcast %sign3A_6 : i32 to vector<128x128xi32>
    %sign3A_8 = arith.cmpi slt, %iota3A, %sign3A_7 : vector<128x128xi32>
    %sign3A_9 = arith.extui %sign3A_8 : vector<128x128xi1> to vector<128x128xi32>
    %sign3A_10 = arith.subi %sign3A_5, %sign3A_9 : vector<128x128xi32>
    %sign3A_11 = arith.constant 0 : i32
    %sign3A_12 = arith.cmpi sgt, %jit3A, %sign3A_11 : i32
    %sign3A_13 = arith.extui %sign3A_12 : i1 to i32
    %sign3A_14 = arith.constant 0 : i32
    %sign3A_15 = arith.cmpi slt, %jit3A, %sign3A_14 : i32
    %sign3A_16 = arith.extui %sign3A_15 : i1 to i32
    %sign3A_17 = arith.subi %sign3A_13, %sign3A_16 : i32
    %ne3A = vector.broadcast %sign3A_17 : i32 to vector<128x128xi32>
    %ne3A_18 = arith.cmpi ne, %sign3A_10, %ne3A : vector<128x128xi32>
    %rem3A = vector.broadcast %jit3A : i32 to vector<128x128xi32>
    %rem3A_19 = arith.remsi %iota3A, %rem3A : vector<128x128xi32>
    %ne3A_20 = arith.constant 0 : i32
    %ne3A_21 = vector.broadcast %ne3A_20 : i32 to vector<128x128xi32>
    %ne3A_22 = arith.cmpi ne, %rem3A_19, %ne3A_21 : vector<128x128xi32>
    %and3A = arith.andi %ne3A_18, %ne3A_22 : vector<128x128xi1>
    %sub3A = arith.constant 1 : i32
    %sub3A_23 = vector.broadcast %sub3A : i32 to vector<128x128xi32>
    %sub3A_24 = arith.subi %div3A_2, %sub3A_23 : vector<128x128xi32>
    %select_n3A = arith.select %and3A, %sub3A_24, %div3A_2 : vector<128x128xi1>, vector<128x128xi32>
    %iota3A_25 = tpu.iota {dimensions = array<i32: 1>} : vector<128x128xi32>
    %jit3A_26 = arith.constant 16 : i32
    %div3A_27 = vector.broadcast %jit3A_26 : i32 to vector<128x128xi32>
    %div3A_28 = arith.divsi %iota3A_25, %div3A_27 : vector<128x128xi32>
    %sign3A_29 = arith.constant 0 : i32
    %sign3A_30 = vector.broadcast %sign3A_29 : i32 to vector<128x128xi32>
    %sign3A_31 = arith.cmpi sgt, %iota3A_25, %sign3A_30 : vector<128x128xi32>
    %sign3A_32 = arith.extui %sign3A_31 : vector<128x128xi1> to vector<128x128xi32>
    %sign3A_33 = arith.constant 0 : i32
    %sign3A_34 = vector.broadcast %sign3A_33 : i32 to vector<128x128xi32>
    %sign3A_35 = arith.cmpi slt, %iota3A_25, %sign3A_34 : vector<128x128xi32>
    %sign3A_36 = arith.extui %sign3A_35 : vector<128x128xi1> to vector<128x128xi32>
    %sign3A_37 = arith.subi %sign3A_32, %sign3A_36 : vector<128x128xi32>
    %sign3A_38 = arith.constant 0 : i32
    %sign3A_39 = arith.cmpi sgt, %jit3A_26, %sign3A_38 : i32
    %sign3A_40 = arith.extui %sign3A_39 : i1 to i32
    %sign3A_41 = arith.constant 0 : i32
    %sign3A_42 = arith.cmpi slt, %jit3A_26, %sign3A_41 : i32
    %sign3A_43 = arith.extui %sign3A_42 : i1 to i32
    %sign3A_44 = arith.subi %sign3A_40, %sign3A_43 : i32
    %ne3A_45 = vector.broadcast %sign3A_44 : i32 to vector<128x128xi32>
    %ne3A_46 = arith.cmpi ne, %sign3A_37, %ne3A_45 : vector<128x128xi32>
    %rem3A_47 = vector.broadcast %jit3A_26 : i32 to vector<128x128xi32>
    %rem3A_48 = arith.remsi %iota3A_25, %rem3A_47 : vector<128x128xi32>
    %ne3A_49 = arith.constant 0 : i32
    %ne3A_50 = vector.broadcast %ne3A_49 : i32 to vector<128x128xi32>
    %ne3A_51 = arith.cmpi ne, %rem3A_48, %ne3A_50 : vector<128x128xi32>
    %and3A_52 = arith.andi %ne3A_46, %ne3A_51 : vector<128x128xi1>
    %sub3A_53 = arith.constant 1 : i32
    %sub3A_54 = vector.broadcast %sub3A_53 : i32 to vector<128x128xi32>
    %sub3A_55 = arith.subi %div3A_28, %sub3A_54 : vector<128x128xi32>
    %select_n3A_56 = arith.select %and3A_52, %sub3A_55, %div3A_28 : vector<128x128xi1>, vector<128x128xi32>
    %eq3A = arith.cmpi eq, %select_n3A, %select_n3A_56 : vector<128x128xi32>
    %convert_element_type3A = arith.extui %eq3A : vector<128x128xi1> to vector<128x128xi32>
    %convert_element_type3A_57 = arith.sitofp %convert_element_type3A : vector<128x128xi32> to vector<128x128xf32>
    %dot_general3A = arith.constant dense<0.000000e+00> : vector<8320x128xf32>
    %dot_general3A_58 = tpu.matmul %mul3A, %convert_element_type3A_57, %dot_general3A {dimension_numbers = #tpu.dot_dimension_numbers<[1], [0], [0], [1], [0, 0, 1, 1], [], []>, transpose_lhs_hint = false} : vector<8320x128xf32>, vector<128x128xf32>, vector<8320x128xf32> -> vector<8320x128xf32>
    %gt3A = arith.constant 1.600000e+01 : f32
    %gt3A_59 = vector.broadcast %gt3A : f32 to vector<8320x128xf32>
    %gt3A_60 = arith.cmpf ogt, %dot_general3A_58, %gt3A_59 : vector<8320x128xf32>
    %rsqrt3A = math.rsqrt %dot_general3A_58 : vector<8320x128xf32>
    %mul3A_61 = arith.constant 4.000000e+00 : f32
    %mul3A_62 = vector.broadcast %mul3A_61 : f32 to vector<8320x128xf32>
    %mul3A_63 = arith.mulf %mul3A_62, %rsqrt3A : vector<8320x128xf32>
    %jit3A_64 = arith.constant 1.000000e+00 : f32
    %broadcast_in_dim3A = vector.broadcast %jit3A_64 : f32 to vector<8320x128xf32>
    %select_n3A_65 = arith.select %gt3A_60, %mul3A_63, %broadcast_in_dim3A : vector<8320x128xi1>, vector<8320x128xf32>
    %mul3A_66 = arith.mulf %get3A_1, %select_n3A_65 : vector<8320x128xf32>
    %exp3A = math.exp %mul3A_66 : vector<8320x128xf32>
    %add3A = arith.constant 1.000000e+00 : f32
    %add3A_67 = vector.broadcast %add3A : f32 to vector<8320x128xf32>
    %add3A_68 = arith.addf %add3A_67, %exp3A : vector<8320x128xf32>
    %mul3A_69 = arith.mulf %add3A_68, %add3A_68 : vector<8320x128xf32>
    %add3A_70 = arith.constant 1.000000e+00 : f32
    %add3A_71 = vector.broadcast %add3A_70 : f32 to vector<8320x128xf32>
    %add3A_72 = arith.addf %mul3A_69, %add3A_71 : vector<8320x128xf32>
    %div3A_73 = arith.constant 2.000000e+00 : f32
    %div3A_74 = vector.broadcast %div3A_73 : f32 to vector<8320x128xf32>
    %div3A_75 = arith.divf %div3A_74, %add3A_72 : vector<8320x128xf32>
    %sub3A_76 = arith.constant 1.000000e+00 : f32
    %sub3A_77 = vector.broadcast %sub3A_76 : f32 to vector<8320x128xf32>
    %sub3A_78 = arith.subf %sub3A_77, %div3A_75 : vector<8320x128xf32>
    %mul3A_79 = arith.mulf %mul3A_66, %sub3A_78 : vector<8320x128xf32>
    %reshape3A = vector.shape_cast %mul3A_79 : vector<8320x128xf32> to vector<128x65x128xf32>
    %slice3A = vector.extract_strided_slice %reshape3A {offsets = [0, 0, 0], sizes = [128, 1, 128], strides = [1, 1, 1]} : vector<128x65x128xf32> to vector<128x1x128xf32>
    %squeeze3A = vector.shape_cast %slice3A : vector<128x1x128xf32> to vector<128x128xf32>
    %transpose3A = tpu.transpose %squeeze3A, [1, 0] : vector<128x128xf32> -> vector<128x128xf32>
    %swap3A = arith.constant 0 : index
    %swap3A_80 = arith.constant 0 : index
    %swap3A_81 = vector.load %arg2[%swap3A, %swap3A_80] : memref<8320x128xf32, #tpu.memory_space<vmem>>, vector<128x128xf32>
    tpu.vector_store %arg2[%swap3A, %swap3A_80], %transpose3A {strides = array<i32>} : memref<8320x128xf32, #tpu.memory_space<vmem>>, vector<128x128xf32>,
    %slice3A_82 = vector.extract_strided_slice %reshape3A {offsets = [0, 1, 0], sizes = [128, 1, 128], strides = [1, 1, 1]} : vector<128x65x128xf32> to vector<128x1x128xf32>
    %squeeze3A_83 = vector.shape_cast %slice3A_82 : vector<128x1x128xf32> to vector<128x128xf32>
    %transpose3A_84 = tpu.transpose %squeeze3A_83, [1, 0] : vector<128x128xf32> -> vector<128x128xf32>
    %swap3A_85 = arith.constant 128 : index
    %swap3A_86 = arith.constant 0 : index
    %swap3A_87 = vector.load %arg2[%swap3A_85, %swap3A_86] : memref<8320x128xf32, #tpu.memory_space<vmem>>, vector<128x128xf32>
    tpu.vector_store %arg2[%swap3A_85, %swap3A_86], %transpose3A_84 {strides = array<i32>} : memref<8320x128xf32, #tpu.memory_space<vmem>>, vector<128x128xf32>,
    %slice3A_88 = vector.extract_strided_slice %reshape3A {offsets = [0, 2, 0], sizes = [128, 1, 128], strides = [1, 1, 1]} : vector<128x65x128xf32> to vector<128x1x128xf32>
    %squeeze3A_89 = vector.shape_cast %slice3A_88 : vector<128x1x128xf32> to vector<128x128xf32>
    %transpose3A_90 = tpu.transpose %squeeze3A_89, [1, 0] : vector<128x128xf32> -> vector<128x128xf32>
    %swap3A_91 = arith.constant 256 : index
    %swap3A_92 = arith.constant 0 : index
    %swap3A_93 = vector.load %arg2[%swap3A_91, %swap3A_92] : memref<8320x128xf32, #tpu.memory_space<vmem>>, vector<128x128xf32>
    tpu.vector_store %arg2[%swap3A_91, %swap3A_92], %transpose3A_90 {strides = array<i32>} : memref<8320x128xf32, #tpu.memory_space<vmem>>, vector<128x128xf32>,
    %slice3A_94 = vector.extract_strided_slice %reshape3A {offsets = [0, 3, 0], sizes = [128, 1, 128], strides = [1, 1, 1]} : vector<128x65x128xf32> to vector<128x1x128xf32>
    %squeeze3A_95 = vector.shape_cast %slice3A_94 : vector<128x1x128xf32> to vector<128x128xf32>
    %transpose3A_96 = tpu.transpose %squeeze3A_95, [1, 0] : vector<128x128xf32> -> vector<128x128xf32>
    %swap3A_97 = arith.constant 384 : index
    %swap3A_98 = arith.constant 0 : index
    %swap3A_99 = vector.load %arg2[%swap3A_97, %swap3A_98] : memref<8320x128xf32, #tpu.memory_space<vmem>>, vector<128x128xf32>
    tpu.vector_store %arg2[%swap3A_97, %swap3A_98], %transpose3A_96 {strides = array<i32>} : memref<8320x128xf32, #tpu.memory_space<vmem>>, vector<128x128xf32>,
    %slice3A_100 = vector.extract_strided_slice %reshape3A {offsets = [0, 4, 0], sizes = [128, 1, 128], strides = [1, 1, 1]} : vector<128x65x128xf32> to vector<128x1x128xf32>
    %squeeze3A_101 = vector.shape_cast %slice3A_100 : vector<128x1x128xf32> to vector<128x128xf32>
    %transpose3A_102 = tpu.transpose %squeeze3A_101, [1, 0] : vector<128x128xf32> -> vector<128x128xf32>
    %swap3A_103 = arith.constant 512 : index
    %swap3A_104 = arith.constant 0 : index
    %swap3A_105 = vector.load %arg2[%swap3A_103, %swap3A_104] : memref<8320x128xf32, #tpu.memory_space<vmem>>, vector<128x128xf32>
    tpu.vector_store %arg2[%swap3A_103, %swap3A_104], %transpose3A_102 {strides = array<i32>} : memref<8320x128xf32, #tpu.memory_space<vmem>>, vector<128x128xf32>,
    %slice3A_106 = vector.extract_strided_slice %reshape3A {offsets = [0, 5, 0], sizes = [128, 1, 128], strides = [1, 1, 1]} : vector<128x65x128xf32> to vector<128x1x128xf32>
    %squeeze3A_107 = vector.shape_cast %slice3A_106 : vector<128x1x128xf32> to vector<128x128xf32>
    %transpose3A_108 = tpu.transpose %squeeze3A_107, [1, 0] : vector<128x128xf32> -> vector<128x128xf32>
    %swap3A_109 = arith.constant 640 : index
    %swap3A_110 = arith.constant 0 : index
    %swap3A_111 = vector.load %arg2[%swap3A_109, %swap3A_110] : memref<8320x128xf32, #tpu.memory_space<vmem>>, vector<128x128xf32>
    tpu.vector_store %arg2[%swap3A_109, %swap3A_110], %transpose3A_108 {strides = array<i32>} : memref<8320x128xf32, #tpu.memory_space<vmem>>, vector<128x128xf32>,
    %slice3A_112 = vector.extract_strided_slice %reshape3A {offsets = [0, 6, 0], sizes = [128, 1, 128], strides = [1, 1, 1]} : vector<128x65x128xf32> to vector<128x1x128xf32>
    %squeeze3A_113 = vector.shape_cast %slice3A_112 : vector<128x1x128xf32> to vector<128x128xf32>
    %transpose3A_114 = tpu.transpose %squeeze3A_113, [1, 0] : vector<128x128xf32> -> vector<128x128xf32>
    %swap3A_115 = arith.constant 768 : index
    %swap3A_116 = arith.constant 0 : index
    %swap3A_117 = vector.load %arg2[%swap3A_115, %swap3A_116] : memref<8320x128xf32, #tpu.memory_space<vmem>>, vector<128x128xf32>
    tpu.vector_store %arg2[%swap3A_115, %swap3A_116], %transpose3A_114 {strides = array<i32>} : memref<8320x128xf32, #tpu.memory_space<vmem>>, vector<128x128xf32>,
    %slice3A_118 = vector.extract_strided_slice %reshape3A {offsets = [0, 7, 0], sizes = [128, 1, 128], strides = [1, 1, 1]} : vector<128x65x128xf32> to vector<128x1x128xf32>
    %squeeze3A_119 = vector.shape_cast %slice3A_118 : vector<128x1x128xf32> to vector<128x128xf32>
    %transpose3A_120 = tpu.transpose %squeeze3A_119, [1, 0] : vector<128x128xf32> -> vector<128x128xf32>
    %swap3A_121 = arith.constant 896 : index
    %swap3A_122 = arith.constant 0 : index
    %swap3A_123 = vector.load %arg2[%swap3A_121, %swap3A_122] : memref<8320x128xf32, #tpu.memory_space<vmem>>, vector<128x128xf32>
    tpu.vector_store %arg2[%swap3A_121, %swap3A_122], %transpose3A_120 {strides = array<i32>} : memref<8320x128xf32, #tpu.memory_space<vmem>>, vector<128x128xf32>,
    %slice3A_124 = vector.extract_strided_slice %reshape3A {offsets = [0, 8, 0], sizes = [128, 1, 128], strides = [1, 1, 1]} : vector<128x65x128xf32> to vector<128x1x128xf32>
    %squeeze3A_125 = vector.shape_cast %slice3A_124 : vector<128x1x128xf32> to vector<128x128xf32>
    %transpose3A_126 = tpu.transpose %squeeze3A_125, [1, 0] : vector<128x128xf32> -> vector<128x128xf32>
    %swap3A_127 = arith.constant 1024 : index
    %swap3A_128 = arith.constant 0 : index
    %swap3A_129 = vector.load %arg2[%swap3A_127, %swap3A_128] : memref<8320x128xf32, #tpu.memory_space<vmem>>, vector<128x128xf32>
    tpu.vector_store %arg2[%swap3A_127, %swap3A_128], %transpose3A_126 {strides = array<i32>} : memref<8320x128xf32, #tpu.memory_space<vmem>>, vector<128x128xf32>,
    %slice3A_130 = vector.extract_strided_slice %reshape3A {offsets = [0, 9, 0], sizes = [128, 1, 128], strides = [1, 1, 1]} : vector<128x65x128xf32> to vector<128x1x128xf32>
    %squeeze3A_131 = vector.shape_cast %slice3A_130 : vector<128x1x128xf32> to vector<128x128xf32>
    %transpose3A_132 = tpu.transpose %squeeze3A_131, [1, 0] : vector<128x128xf32> -> vector<128x128xf32>
    %swap3A_133 = arith.constant 1152 : index
    %swap3A_134 = arith.constant 0 : index
    %swap3A_135 = vector.load %arg2[%swap3A_133, %swap3A_134] : memref<8320x128xf32, #tpu.memory_space<vmem>>, vector<128x128xf32>
    tpu.vector_store %arg2[%swap3A_133, %swap3A_134], %transpose3A_132 {strides = array<i32>} : memref<8320x128xf32, #tpu.memory_space<vmem>>, vector<128x128xf32>,
    %slice3A_136 = vector.extract_strided_slice %reshape3A {offsets = [0, 10, 0], sizes = [128, 1, 128], strides = [1, 1, 1]} : vector<128x65x128xf32> to vector<128x1x128xf32>
    %squeeze3A_137 = vector.shape_cast %slice3A_136 : vector<128x1x128xf32> to vector<128x128xf32>
    %transpose3A_138 = tpu.transpose %squeeze3A_137, [1, 0] : vector<128x128xf32> -> vector<128x128xf32>
    %swap3A_139 = arith.constant 1280 : index
    %swap3A_140 = arith.constant 0 : index
    %swap3A_141 = vector.load %arg2[%swap3A_139, %swap3A_140] : memref<8320x128xf32, #tpu.memory_space<vmem>>, vector<128x128xf32>
    tpu.vector_store %arg2[%swap3A_139, %swap3A_140], %transpose3A_138 {strides = array<i32>} : memref<8320x128xf32, #tpu.memory_space<vmem>>, vector<128x128xf32>,
    %slice3A_142 = vector.extract_strided_slice %reshape3A {offsets = [0, 11, 0], sizes = [128, 1, 128], strides = [1, 1, 1]} : vector<128x65x128xf32> to vector<128x1x128xf32>
    %squeeze3A_143 = vector.shape_cast %slice3A_142 : vector<128x1x128xf32> to vector<128x128xf32>
    %transpose3A_144 = tpu.transpose %squeeze3A_143, [1, 0] : vector<128x128xf32> -> vector<128x128xf32>
    %swap3A_145 = arith.constant 1408 : index
    %swap3A_146 = arith.constant 0 : index
    %swap3A_147 = vector.load %arg2[%swap3A_145, %swap3A_146] : memref<8320x128xf32, #tpu.memory_space<vmem>>, vector<128x128xf32>
    tpu.vector_store %arg2[%swap3A_145, %swap3A_146], %transpose3A_144 {strides = array<i32>} : memref<8320x128xf32, #tpu.memory_space<vmem>>, vector<128x128xf32>,
    %slice3A_148 = vector.extract_strided_slice %reshape3A {offsets = [0, 12, 0], sizes = [128, 1, 128], strides = [1, 1, 1]} : vector<128x65x128xf32> to vector<128x1x128xf32>
    %squeeze3A_149 = vector.shape_cast %slice3A_148 : vector<128x1x128xf32> to vector<128x128xf32>
    %transpose3A_150 = tpu.transpose %squeeze3A_149, [1, 0] : vector<128x128xf32> -> vector<128x128xf32>
    %swap3A_151 = arith.constant 1536 : index
    %swap3A_152 = arith.constant 0 : index
    %swap3A_153 = vector.load %arg2[%swap3A_151, %swap3A_152] : memref<8320x128xf32, #tpu.memory_space<vmem>>, vector<128x128xf32>
    tpu.vector_store %arg2[%swap3A_151, %swap3A_152], %transpose3A_150 {strides = array<i32>} : memref<8320x128xf32, #tpu.memory_space<vmem>>, vector<128x128xf32>,
    %slice3A_154 = vector.extract_strided_slice %reshape3A {offsets = [0, 13, 0], sizes = [128, 1, 128], strides = [1, 1, 1]} : vector<128x65x128xf32> to vector<128x1x128xf32>
    %squeeze3A_155 = vector.shape_cast %slice3A_154 : vector<128x1x128xf32> to vector<128x128xf32>
    %transpose3A_156 = tpu.transpose %squeeze3A_155, [1, 0] : vector<128x128xf32> -> vector<128x128xf32>
    %swap3A_157 = arith.constant 1664 : index
    %swap3A_158 = arith.constant 0 : index
    %swap3A_159 = vector.load %arg2[%swap3A_157, %swap3A_158] : memref<8320x128xf32, #tpu.memory_space<vmem>>, vector<128x128xf32>
    tpu.vector_store %arg2[%swap3A_157, %swap3A_158], %transpose3A_156 {strides = array<i32>} : memref<8320x128xf32, #tpu.memory_space<vmem>>, vector<128x128xf32>,
    %slice3A_160 = vector.extract_strided_slice %reshape3A {offsets = [0, 14, 0], sizes = [128, 1, 128], strides = [1, 1, 1]} : vector<128x65x128xf32> to vector<128x1x128xf32>
    %squeeze3A_161 = vector.shape_cast %slice3A_160 : vector<128x1x128xf32> to vector<128x128xf32>
    %transpose3A_162 = tpu.transpose %squeeze3A_161, [1, 0] : vector<128x128xf32> -> vector<128x128xf32>
    %swap3A_163 = arith.constant 1792 : index
    %swap3A_164 = arith.constant 0 : index
    %swap3A_165 = vector.load %arg2[%swap3A_163, %swap3A_164] : memref<8320x128xf32, #tpu.memory_space<vmem>>, vector<128x128xf32>
    tpu.vector_store %arg2[%swap3A_163, %swap3A_164], %transpose3A_162 {strides = array<i32>} : memref<8320x128xf32, #tpu.memory_space<vmem>>, vector<128x128xf32>,
    %slice3A_166 = vector.extract_strided_slice %reshape3A {offsets = [0, 15, 0], sizes = [128, 1, 128], strides = [1, 1, 1]} : vector<128x65x128xf32> to vector<128x1x128xf32>
    %squeeze3A_167 = vector.shape_cast %slice3A_166 : vector<128x1x128xf32> to vector<128x128xf32>
    %transpose3A_168 = tpu.transpose %squeeze3A_167, [1, 0] : vector<128x128xf32> -> vector<128x128xf32>
    %swap3A_169 = arith.constant 1920 : index
    %swap3A_170 = arith.constant 0 : index
    %swap3A_171 = vector.load %arg2[%swap3A_169, %swap3A_170] : memref<8320x128xf32, #tpu.memory_space<vmem>>, vector<128x128xf32>
    tpu.vector_store %arg2[%swap3A_169, %swap3A_170], %transpose3A_168 {strides = array<i32>} : memref<8320x128xf32, #tpu.memory_space<vmem>>, vector<128x128xf32>,
    %slice3A_172 = vector.extract_strided_slice %reshape3A {offsets = [0, 16, 0], sizes = [128, 1, 128], strides = [1, 1, 1]} : vector<128x65x128xf32> to vector<128x1x128xf32>
    %squeeze3A_173 = vector.shape_cast %slice3A_172 : vector<128x1x128xf32> to vector<128x128xf32>
    %transpose3A_174 = tpu.transpose %squeeze3A_173, [1, 0] : vector<128x128xf32> -> vector<128x128xf32>
    %swap3A_175 = arith.constant 2048 : index
    %swap3A_176 = arith.constant 0 : index
    %swap3A_177 = vector.load %arg2[%swap3A_175, %swap3A_176] : memref<8320x128xf32, #tpu.memory_space<vmem>>, vector<128x128xf32>
    tpu.vector_store %arg2[%swap3A_175, %swap3A_176], %transpose3A_174 {strides = array<i32>} : memref<8320x128xf32, #tpu.memory_space<vmem>>, vector<128x128xf32>,
    %slice3A_178 = vector.extract_strided_slice %reshape3A {offsets = [0, 17, 0], sizes = [128, 1, 128], strides = [1, 1, 1]} : vector<128x65x128xf32> to vector<128x1x128xf32>
    %squeeze3A_179 = vector.shape_cast %slice3A_178 : vector<128x1x128xf32> to vector<128x128xf32>
    %transpose3A_180 = tpu.transpose %squeeze3A_179, [1, 0] : vector<128x128xf32> -> vector<128x128xf32>
    %swap3A_181 = arith.constant 2176 : index
    %swap3A_182 = arith.constant 0 : index
    %swap3A_183 = vector.load %arg2[%swap3A_181, %swap3A_182] : memref<8320x128xf32, #tpu.memory_space<vmem>>, vector<128x128xf32>
    tpu.vector_store %arg2[%swap3A_181, %swap3A_182], %transpose3A_180 {strides = array<i32>} : memref<8320x128xf32, #tpu.memory_space<vmem>>, vector<128x128xf32>,
    %slice3A_184 = vector.extract_strided_slice %reshape3A {offsets = [0, 18, 0], sizes = [128, 1, 128], strides = [1, 1, 1]} : vector<128x65x128xf32> to vector<128x1x128xf32>
    %squeeze3A_185 = vector.shape_cast %slice3A_184 : vector<128x1x128xf32> to vector<128x128xf32>
    %transpose3A_186 = tpu.transpose %squeeze3A_185, [1, 0] : vector<128x128xf32> -> vector<128x128xf32>
    %swap3A_187 = arith.constant 2304 : index
    %swap3A_188 = arith.constant 0 : index
    %swap3A_189 = vector.load %arg2[%swap3A_187, %swap3A_188] : memref<8320x128xf32, #tpu.memory_space<vmem>>, vector<128x128xf32>
    tpu.vector_store %arg2[%swap3A_187, %swap3A_188], %transpose3A_186 {strides = array<i32>} : memref<8320x128xf32, #tpu.memory_space<vmem>>, vector<128x128xf32>,
    %slice3A_190 = vector.extract_strided_slice %reshape3A {offsets = [0, 19, 0], sizes = [128, 1, 128], strides = [1, 1, 1]} : vector<128x65x128xf32> to vector<128x1x128xf32>
    %squeeze3A_191 = vector.shape_cast %slice3A_190 : vector<128x1x128xf32> to vector<128x128xf32>
    %transpose3A_192 = tpu.transpose %squeeze3A_191, [1, 0] : vector<128x128xf32> -> vector<128x128xf32>
    %swap3A_193 = arith.constant 2432 : index
    %swap3A_194 = arith.constant 0 : index
    %swap3A_195 = vector.load %arg2[%swap3A_193, %swap3A_194] : memref<8320x128xf32, #tpu.memory_space<vmem>>, vector<128x128xf32>
    tpu.vector_store %arg2[%swap3A_193, %swap3A_194], %transpose3A_192 {strides = array<i32>} : memref<8320x128xf32, #tpu.memory_space<vmem>>, vector<128x128xf32>,
    %slice3A_196 = vector.extract_strided_slice %reshape3A {offsets = [0, 20, 0], sizes = [128, 1, 128], strides = [1, 1, 1]} : vector<128x65x128xf32> to vector<128x1x128xf32>
    %squeeze3A_197 = vector.shape_cast %slice3A_196 : vector<128x1x128xf32> to vector<128x128xf32>
    %transpose3A_198 = tpu.transpose %squeeze3A_197, [1, 0] : vector<128x128xf32> -> vector<128x128xf32>
    %swap3A_199 = arith.constant 2560 : index
    %swap3A_200 = arith.constant 0 : index
    %swap3A_201 = vector.load %arg2[%swap3A_199, %swap3A_200] : memref<8320x128xf32, #tpu.memory_space<vmem>>, vector<128x128xf32>
    tpu.vector_store %arg2[%swap3A_199, %swap3A_200], %transpose3A_198 {strides = array<i32>} : memref<8320x128xf32, #tpu.memory_space<vmem>>, vector<128x128xf32>,
    %slice3A_202 = vector.extract_strided_slice %reshape3A {offsets = [0, 21, 0], sizes = [128, 1, 128], strides = [1, 1, 1]} : vector<128x65x128xf32> to vector<128x1x128xf32>
    %squeeze3A_203 = vector.shape_cast %slice3A_202 : vector<128x1x128xf32> to vector<128x128xf32>
    %transpose3A_204 = tpu.transpose %squeeze3A_203, [1, 0] : vector<128x128xf32> -> vector<128x128xf32>
    %swap3A_205 = arith.constant 2688 : index
    %swap3A_206 = arith.constant 0 : index
    %swap3A_207 = vector.load %arg2[%swap3A_205, %swap3A_206] : memref<8320x128xf32, #tpu.memory_space<vmem>>, vector<128x128xf32>
    tpu.vector_store %arg2[%swap3A_205, %swap3A_206], %transpose3A_204 {strides = array<i32>} : memref<8320x128xf32, #tpu.memory_space<vmem>>, vector<128x128xf32>,
    %slice3A_208 = vector.extract_strided_slice %reshape3A {offsets = [0, 22, 0], sizes = [128, 1, 128], strides = [1, 1, 1]} : vector<128x65x128xf32> to vector<128x1x128xf32>
    %squeeze3A_209 = vector.shape_cast %slice3A_208 : vector<128x1x128xf32> to vector<128x128xf32>
    %transpose3A_210 = tpu.transpose %squeeze3A_209, [1, 0] : vector<128x128xf32> -> vector<128x128xf32>
    %swap3A_211 = arith.constant 2816 : index
    %swap3A_212 = arith.constant 0 : index
    %swap3A_213 = vector.load %arg2[%swap3A_211, %swap3A_212] : memref<8320x128xf32, #tpu.memory_space<vmem>>, vector<128x128xf32>
    tpu.vector_store %arg2[%swap3A_211, %swap3A_212], %transpose3A_210 {strides = array<i32>} : memref<8320x128xf32, #tpu.memory_space<vmem>>, vector<128x128xf32>,
    %slice3A_214 = vector.extract_strided_slice %reshape3A {offsets = [0, 23, 0], sizes = [128, 1, 128], strides = [1, 1, 1]} : vector<128x65x128xf32> to vector<128x1x128xf32>
    %squeeze3A_215 = vector.shape_cast %slice3A_214 : vector<128x1x128xf32> to vector<128x128xf32>
    %transpose3A_216 = tpu.transpose %squeeze3A_215, [1, 0] : vector<128x128xf32> -> vector<128x128xf32>
    %swap3A_217 = arith.constant 2944 : index
    %swap3A_218 = arith.constant 0 : index
    %swap3A_219 = vector.load %arg2[%swap3A_217, %swap3A_218] : memref<8320x128xf32, #tpu.memory_space<vmem>>, vector<128x128xf32>
    tpu.vector_store %arg2[%swap3A_217, %swap3A_218], %transpose3A_216 {strides = array<i32>} : memref<8320x128xf32, #tpu.memory_space<vmem>>, vector<128x128xf32>,
    %slice3A_220 = vector.extract_strided_slice %reshape3A {offsets = [0, 24, 0], sizes = [128, 1, 128], strides = [1, 1, 1]} : vector<128x65x128xf32> to vector<128x1x128xf32>
    %squeeze3A_221 = vector.shape_cast %slice3A_220 : vector<128x1x128xf32> to vector<128x128xf32>
    %transpose3A_222 = tpu.transpose %squeeze3A_221, [1, 0] : vector<128x128xf32> -> vector<128x128xf32>
    %swap3A_223 = arith.constant 3072 : index
    %swap3A_224 = arith.constant 0 : index
    %swap3A_225 = vector.load %arg2[%swap3A_223, %swap3A_224] : memref<8320x128xf32, #tpu.memory_space<vmem>>, vector<128x128xf32>
    tpu.vector_store %arg2[%swap3A_223, %swap3A_224], %transpose3A_222 {strides = array<i32>} : memref<8320x128xf32, #tpu.memory_space<vmem>>, vector<128x128xf32>,
    %slice3A_226 = vector.extract_strided_slice %reshape3A {offsets = [0, 25, 0], sizes = [128, 1, 128], strides = [1, 1, 1]} : vector<128x65x128xf32> to vector<128x1x128xf32>
    %squeeze3A_227 = vector.shape_cast %slice3A_226 : vector<128x1x128xf32> to vector<128x128xf32>
    %transpose3A_228 = tpu.transpose %squeeze3A_227, [1, 0] : vector<128x128xf32> -> vector<128x128xf32>
    %swap3A_229 = arith.constant 3200 : index
    %swap3A_230 = arith.constant 0 : index
    %swap3A_231 = vector.load %arg2[%swap3A_229, %swap3A_230] : memref<8320x128xf32, #tpu.memory_space<vmem>>, vector<128x128xf32>
    tpu.vector_store %arg2[%swap3A_229, %swap3A_230], %transpose3A_228 {strides = array<i32>} : memref<8320x128xf32, #tpu.memory_space<vmem>>, vector<128x128xf32>,
    %slice3A_232 = vector.extract_strided_slice %reshape3A {offsets = [0, 26, 0], sizes = [128, 1, 128], strides = [1, 1, 1]} : vector<128x65x128xf32> to vector<128x1x128xf32>
    %squeeze3A_233 = vector.shape_cast %slice3A_232 : vector<128x1x128xf32> to vector<128x128xf32>
    %transpose3A_234 = tpu.transpose %squeeze3A_233, [1, 0] : vector<128x128xf32> -> vector<128x128xf32>
    %swap3A_235 = arith.constant 3328 : index
    %swap3A_236 = arith.constant 0 : index
    %swap3A_237 = vector.load %arg2[%swap3A_235, %swap3A_236] : memref<8320x128xf32, #tpu.memory_space<vmem>>, vector<128x128xf32>
    tpu.vector_store %arg2[%swap3A_235, %swap3A_236], %transpose3A_234 {strides = array<i32>} : memref<8320x128xf32, #tpu.memory_space<vmem>>, vector<128x128xf32>,
    %slice3A_238 = vector.extract_strided_slice %reshape3A {offsets = [0, 27, 0], sizes = [128, 1, 128], strides = [1, 1, 1]} : vector<128x65x128xf32> to vector<128x1x128xf32>
    %squeeze3A_239 = vector.shape_cast %slice3A_238 : vector<128x1x128xf32> to vector<128x128xf32>
    %transpose3A_240 = tpu.transpose %squeeze3A_239, [1, 0] : vector<128x128xf32> -> vector<128x128xf32>
    %swap3A_241 = arith.constant 3456 : index
    %swap3A_242 = arith.constant 0 : index
    %swap3A_243 = vector.load %arg2[%swap3A_241, %swap3A_242] : memref<8320x128xf32, #tpu.memory_space<vmem>>, vector<128x128xf32>
    tpu.vector_store %arg2[%swap3A_241, %swap3A_242], %transpose3A_240 {strides = array<i32>} : memref<8320x128xf32, #tpu.memory_space<vmem>>, vector<128x128xf32>,
    %slice3A_244 = vector.extract_strided_slice %reshape3A {offsets = [0, 28, 0], sizes = [128, 1, 128], strides = [1, 1, 1]} : vector<128x65x128xf32> to vector<128x1x128xf32>
    %squeeze3A_245 = vector.shape_cast %slice3A_244 : vector<128x1x128xf32> to vector<128x128xf32>
    %transpose3A_246 = tpu.transpose %squeeze3A_245, [1, 0] : vector<128x128xf32> -> vector<128x128xf32>
    %swap3A_247 = arith.constant 3584 : index
    %swap3A_248 = arith.constant 0 : index
    %swap3A_249 = vector.load %arg2[%swap3A_247, %swap3A_248] : memref<8320x128xf32, #tpu.memory_space<vmem>>, vector<128x128xf32>
    tpu.vector_store %arg2[%swap3A_247, %swap3A_248], %transpose3A_246 {strides = array<i32>} : memref<8320x128xf32, #tpu.memory_space<vmem>>, vector<128x128xf32>,
    %slice3A_250 = vector.extract_strided_slice %reshape3A {offsets = [0, 29, 0], sizes = [128, 1, 128], strides = [1, 1, 1]} : vector<128x65x128xf32> to vector<128x1x128xf32>
    %squeeze3A_251 = vector.shape_cast %slice3A_250 : vector<128x1x128xf32> to vector<128x128xf32>
    %transpose3A_252 = tpu.transpose %squeeze3A_251, [1, 0] : vector<128x128xf32> -> vector<128x128xf32>
    %swap3A_253 = arith.constant 3712 : index
    %swap3A_254 = arith.constant 0 : index
    %swap3A_255 = vector.load %arg2[%swap3A_253, %swap3A_254] : memref<8320x128xf32, #tpu.memory_space<vmem>>, vector<128x128xf32>
    tpu.vector_store %arg2[%swap3A_253, %swap3A_254], %transpose3A_252 {strides = array<i32>} : memref<8320x128xf32, #tpu.memory_space<vmem>>, vector<128x128xf32>,
    %slice3A_256 = vector.extract_strided_slice %reshape3A {offsets = [0, 30, 0], sizes = [128, 1, 128], strides = [1, 1, 1]} : vector<128x65x128xf32> to vector<128x1x128xf32>
    %squeeze3A_257 = vector.shape_cast %slice3A_256 : vector<128x1x128xf32> to vector<128x128xf32>
    %transpose3A_258 = tpu.transpose %squeeze3A_257, [1, 0] : vector<128x128xf32> -> vector<128x128xf32>
    %swap3A_259 = arith.constant 3840 : index
    %swap3A_260 = arith.constant 0 : index
    %swap3A_261 = vector.load %arg2[%swap3A_259, %swap3A_260] : memref<8320x128xf32, #tpu.memory_space<vmem>>, vector<128x128xf32>
    tpu.vector_store %arg2[%swap3A_259, %swap3A_260], %transpose3A_258 {strides = array<i32>} : memref<8320x128xf32, #tpu.memory_space<vmem>>, vector<128x128xf32>,
    %slice3A_262 = vector.extract_strided_slice %reshape3A {offsets = [0, 31, 0], sizes = [128, 1, 128], strides = [1, 1, 1]} : vector<128x65x128xf32> to vector<128x1x128xf32>
    %squeeze3A_263 = vector.shape_cast %slice3A_262 : vector<128x1x128xf32> to vector<128x128xf32>
    %transpose3A_264 = tpu.transpose %squeeze3A_263, [1, 0] : vector<128x128xf32> -> vector<128x128xf32>
    %swap3A_265 = arith.constant 3968 : index
    %swap3A_266 = arith.constant 0 : index
    %swap3A_267 = vector.load %arg2[%swap3A_265, %swap3A_266] : memref<8320x128xf32, #tpu.memory_space<vmem>>, vector<128x128xf32>
    tpu.vector_store %arg2[%swap3A_265, %swap3A_266], %transpose3A_264 {strides = array<i32>} : memref<8320x128xf32, #tpu.memory_space<vmem>>, vector<128x128xf32>,
    %slice3A_268 = vector.extract_strided_slice %reshape3A {offsets = [0, 32, 0], sizes = [128, 1, 128], strides = [1, 1, 1]} : vector<128x65x128xf32> to vector<128x1x128xf32>
    %squeeze3A_269 = vector.shape_cast %slice3A_268 : vector<128x1x128xf32> to vector<128x128xf32>
    %transpose3A_270 = tpu.transpose %squeeze3A_269, [1, 0] : vector<128x128xf32> -> vector<128x128xf32>
    %swap3A_271 = arith.constant 4096 : index
    %swap3A_272 = arith.constant 0 : index
    %swap3A_273 = vector.load %arg2[%swap3A_271, %swap3A_272] : memref<8320x128xf32, #tpu.memory_space<vmem>>, vector<128x128xf32>
    tpu.vector_store %arg2[%swap3A_271, %swap3A_272], %transpose3A_270 {strides = array<i32>} : memref<8320x128xf32, #tpu.memory_space<vmem>>, vector<128x128xf32>,
    %slice3A_274 = vector.extract_strided_slice %reshape3A {offsets = [0, 33, 0], sizes = [128, 1, 128], strides = [1, 1, 1]} : vector<128x65x128xf32> to vector<128x1x128xf32>
    %squeeze3A_275 = vector.shape_cast %slice3A_274 : vector<128x1x128xf32> to vector<128x128xf32>
    %transpose3A_276 = tpu.transpose %squeeze3A_275, [1, 0] : vector<128x128xf32> -> vector<128x128xf32>
    %swap3A_277 = arith.constant 4224 : index
    %swap3A_278 = arith.constant 0 : index
    %swap3A_279 = vector.load %arg2[%swap3A_277, %swap3A_278] : memref<8320x128xf32, #tpu.memory_space<vmem>>, vector<128x128xf32>
    tpu.vector_store %arg2[%swap3A_277, %swap3A_278], %transpose3A_276 {strides = array<i32>} : memref<8320x128xf32, #tpu.memory_space<vmem>>, vector<128x128xf32>,
    %slice3A_280 = vector.extract_strided_slice %reshape3A {offsets = [0, 34, 0], sizes = [128, 1, 128], strides = [1, 1, 1]} : vector<128x65x128xf32> to vector<128x1x128xf32>
    %squeeze3A_281 = vector.shape_cast %slice3A_280 : vector<128x1x128xf32> to vector<128x128xf32>
    %transpose3A_282 = tpu.transpose %squeeze3A_281, [1, 0] : vector<128x128xf32> -> vector<128x128xf32>
    %swap3A_283 = arith.constant 4352 : index
    %swap3A_284 = arith.constant 0 : index
    %swap3A_285 = vector.load %arg2[%swap3A_283, %swap3A_284] : memref<8320x128xf32, #tpu.memory_space<vmem>>, vector<128x128xf32>
    tpu.vector_store %arg2[%swap3A_283, %swap3A_284], %transpose3A_282 {strides = array<i32>} : memref<8320x128xf32, #tpu.memory_space<vmem>>, vector<128x128xf32>,
    %slice3A_286 = vector.extract_strided_slice %reshape3A {offsets = [0, 35, 0], sizes = [128, 1, 128], strides = [1, 1, 1]} : vector<128x65x128xf32> to vector<128x1x128xf32>
    %squeeze3A_287 = vector.shape_cast %slice3A_286 : vector<128x1x128xf32> to vector<128x128xf32>
    %transpose3A_288 = tpu.transpose %squeeze3A_287, [1, 0] : vector<128x128xf32> -> vector<128x128xf32>
    %swap3A_289 = arith.constant 4480 : index
    %swap3A_290 = arith.constant 0 : index
    %swap3A_291 = vector.load %arg2[%swap3A_289, %swap3A_290] : memref<8320x128xf32, #tpu.memory_space<vmem>>, vector<128x128xf32>
    tpu.vector_store %arg2[%swap3A_289, %swap3A_290], %transpose3A_288 {strides = array<i32>} : memref<8320x128xf32, #tpu.memory_space<vmem>>, vector<128x128xf32>,
    %slice3A_292 = vector.extract_strided_slice %reshape3A {offsets = [0, 36, 0], sizes = [128, 1, 128], strides = [1, 1, 1]} : vector<128x65x128xf32> to vector<128x1x128xf32>
    %squeeze3A_293 = vector.shape_cast %slice3A_292 : vector<128x1x128xf32> to vector<128x128xf32>
    %transpose3A_294 = tpu.transpose %squeeze3A_293, [1, 0] : vector<128x128xf32> -> vector<128x128xf32>
    %swap3A_295 = arith.constant 4608 : index
    %swap3A_296 = arith.constant 0 : index
    %swap3A_297 = vector.load %arg2[%swap3A_295, %swap3A_296] : memref<8320x128xf32, #tpu.memory_space<vmem>>, vector<128x128xf32>
    tpu.vector_store %arg2[%swap3A_295, %swap3A_296], %transpose3A_294 {strides = array<i32>} : memref<8320x128xf32, #tpu.memory_space<vmem>>, vector<128x128xf32>,
    %slice3A_298 = vector.extract_strided_slice %reshape3A {offsets = [0, 37, 0], sizes = [128, 1, 128], strides = [1, 1, 1]} : vector<128x65x128xf32> to vector<128x1x128xf32>
    %squeeze3A_299 = vector.shape_cast %slice3A_298 : vector<128x1x128xf32> to vector<128x128xf32>
    %transpose3A_300 = tpu.transpose %squeeze3A_299, [1, 0] : vector<128x128xf32> -> vector<128x128xf32>
    %swap3A_301 = arith.constant 4736 : index
    %swap3A_302 = arith.constant 0 : index
    %swap3A_303 = vector.load %arg2[%swap3A_301, %swap3A_302] : memref<8320x128xf32, #tpu.memory_space<vmem>>, vector<128x128xf32>
    tpu.vector_store %arg2[%swap3A_301, %swap3A_302], %transpose3A_300 {strides = array<i32>} : memref<8320x128xf32, #tpu.memory_space<vmem>>, vector<128x128xf32>,
    %slice3A_304 = vector.extract_strided_slice %reshape3A {offsets = [0, 38, 0], sizes = [128, 1, 128], strides = [1, 1, 1]} : vector<128x65x128xf32> to vector<128x1x128xf32>
    %squeeze3A_305 = vector.shape_cast %slice3A_304 : vector<128x1x128xf32> to vector<128x128xf32>
    %transpose3A_306 = tpu.transpose %squeeze3A_305, [1, 0] : vector<128x128xf32> -> vector<128x128xf32>
    %swap3A_307 = arith.constant 4864 : index
    %swap3A_308 = arith.constant 0 : index
    %swap3A_309 = vector.load %arg2[%swap3A_307, %swap3A_308] : memref<8320x128xf32, #tpu.memory_space<vmem>>, vector<128x128xf32>
    tpu.vector_store %arg2[%swap3A_307, %swap3A_308], %transpose3A_306 {strides = array<i32>} : memref<8320x128xf32, #tpu.memory_space<vmem>>, vector<128x128xf32>,
    %slice3A_310 = vector.extract_strided_slice %reshape3A {offsets = [0, 39, 0], sizes = [128, 1, 128], strides = [1, 1, 1]} : vector<128x65x128xf32> to vector<128x1x128xf32>
    %squeeze3A_311 = vector.shape_cast %slice3A_310 : vector<128x1x128xf32> to vector<128x128xf32>
    %transpose3A_312 = tpu.transpose %squeeze3A_311, [1, 0] : vector<128x128xf32> -> vector<128x128xf32>
    %swap3A_313 = arith.constant 4992 : index
    %swap3A_314 = arith.constant 0 : index
    %swap3A_315 = vector.load %arg2[%swap3A_313, %swap3A_314] : memref<8320x128xf32, #tpu.memory_space<vmem>>, vector<128x128xf32>
    tpu.vector_store %arg2[%swap3A_313, %swap3A_314], %transpose3A_312 {strides = array<i32>} : memref<8320x128xf32, #tpu.memory_space<vmem>>, vector<128x128xf32>,
    %slice3A_316 = vector.extract_strided_slice %reshape3A {offsets = [0, 40, 0], sizes = [128, 1, 128], strides = [1, 1, 1]} : vector<128x65x128xf32> to vector<128x1x128xf32>
    %squeeze3A_317 = vector.shape_cast %slice3A_316 : vector<128x1x128xf32> to vector<128x128xf32>
    %transpose3A_318 = tpu.transpose %squeeze3A_317, [1, 0] : vector<128x128xf32> -> vector<128x128xf32>
    %swap3A_319 = arith.constant 5120 : index
    %swap3A_320 = arith.constant 0 : index
    %swap3A_321 = vector.load %arg2[%swap3A_319, %swap3A_320] : memref<8320x128xf32, #tpu.memory_space<vmem>>, vector<128x128xf32>
    tpu.vector_store %arg2[%swap3A_319, %swap3A_320], %transpose3A_318 {strides = array<i32>} : memref<8320x128xf32, #tpu.memory_space<vmem>>, vector<128x128xf32>,
    %slice3A_322 = vector.extract_strided_slice %reshape3A {offsets = [0, 41, 0], sizes = [128, 1, 128], strides = [1, 1, 1]} : vector<128x65x128xf32> to vector<128x1x128xf32>
    %squeeze3A_323 = vector.shape_cast %slice3A_322 : vector<128x1x128xf32> to vector<128x128xf32>
    %transpose3A_324 = tpu.transpose %squeeze3A_323, [1, 0] : vector<128x128xf32> -> vector<128x128xf32>
    %swap3A_325 = arith.constant 5248 : index
    %swap3A_326 = arith.constant 0 : index
    %swap3A_327 = vector.load %arg2[%swap3A_325, %swap3A_326] : memref<8320x128xf32, #tpu.memory_space<vmem>>, vector<128x128xf32>
    tpu.vector_store %arg2[%swap3A_325, %swap3A_326], %transpose3A_324 {strides = array<i32>} : memref<8320x128xf32, #tpu.memory_space<vmem>>, vector<128x128xf32>,
    %slice3A_328 = vector.extract_strided_slice %reshape3A {offsets = [0, 42, 0], sizes = [128, 1, 128], strides = [1, 1, 1]} : vector<128x65x128xf32> to vector<128x1x128xf32>
    %squeeze3A_329 = vector.shape_cast %slice3A_328 : vector<128x1x128xf32> to vector<128x128xf32>
    %transpose3A_330 = tpu.transpose %squeeze3A_329, [1, 0] : vector<128x128xf32> -> vector<128x128xf32>
    %swap3A_331 = arith.constant 5376 : index
    %swap3A_332 = arith.constant 0 : index
    %swap3A_333 = vector.load %arg2[%swap3A_331, %swap3A_332] : memref<8320x128xf32, #tpu.memory_space<vmem>>, vector<128x128xf32>
    tpu.vector_store %arg2[%swap3A_331, %swap3A_332], %transpose3A_330 {strides = array<i32>} : memref<8320x128xf32, #tpu.memory_space<vmem>>, vector<128x128xf32>,
    %slice3A_334 = vector.extract_strided_slice %reshape3A {offsets = [0, 43, 0], sizes = [128, 1, 128], strides = [1, 1, 1]} : vector<128x65x128xf32> to vector<128x1x128xf32>
    %squeeze3A_335 = vector.shape_cast %slice3A_334 : vector<128x1x128xf32> to vector<128x128xf32>
    %transpose3A_336 = tpu.transpose %squeeze3A_335, [1, 0] : vector<128x128xf32> -> vector<128x128xf32>
    %swap3A_337 = arith.constant 5504 : index
    %swap3A_338 = arith.constant 0 : index
    %swap3A_339 = vector.load %arg2[%swap3A_337, %swap3A_338] : memref<8320x128xf32, #tpu.memory_space<vmem>>, vector<128x128xf32>
    tpu.vector_store %arg2[%swap3A_337, %swap3A_338], %transpose3A_336 {strides = array<i32>} : memref<8320x128xf32, #tpu.memory_space<vmem>>, vector<128x128xf32>,
    %slice3A_340 = vector.extract_strided_slice %reshape3A {offsets = [0, 44, 0], sizes = [128, 1, 128], strides = [1, 1, 1]} : vector<128x65x128xf32> to vector<128x1x128xf32>
    %squeeze3A_341 = vector.shape_cast %slice3A_340 : vector<128x1x128xf32> to vector<128x128xf32>
    %transpose3A_342 = tpu.transpose %squeeze3A_341, [1, 0] : vector<128x128xf32> -> vector<128x128xf32>
    %swap3A_343 = arith.constant 5632 : index
    %swap3A_344 = arith.constant 0 : index
    %swap3A_345 = vector.load %arg2[%swap3A_343, %swap3A_344] : memref<8320x128xf32, #tpu.memory_space<vmem>>, vector<128x128xf32>
    tpu.vector_store %arg2[%swap3A_343, %swap3A_344], %transpose3A_342 {strides = array<i32>} : memref<8320x128xf32, #tpu.memory_space<vmem>>, vector<128x128xf32>,
    %slice3A_346 = vector.extract_strided_slice %reshape3A {offsets = [0, 45, 0], sizes = [128, 1, 128], strides = [1, 1, 1]} : vector<128x65x128xf32> to vector<128x1x128xf32>
    %squeeze3A_347 = vector.shape_cast %slice3A_346 : vector<128x1x128xf32> to vector<128x128xf32>
    %transpose3A_348 = tpu.transpose %squeeze3A_347, [1, 0] : vector<128x128xf32> -> vector<128x128xf32>
    %swap3A_349 = arith.constant 5760 : index
    %swap3A_350 = arith.constant 0 : index
    %swap3A_351 = vector.load %arg2[%swap3A_349, %swap3A_350] : memref<8320x128xf32, #tpu.memory_space<vmem>>, vector<128x128xf32>
    tpu.vector_store %arg2[%swap3A_349, %swap3A_350], %transpose3A_348 {strides = array<i32>} : memref<8320x128xf32, #tpu.memory_space<vmem>>, vector<128x128xf32>,
    %slice3A_352 = vector.extract_strided_slice %reshape3A {offsets = [0, 46, 0], sizes = [128, 1, 128], strides = [1, 1, 1]} : vector<128x65x128xf32> to vector<128x1x128xf32>
    %squeeze3A_353 = vector.shape_cast %slice3A_352 : vector<128x1x128xf32> to vector<128x128xf32>
    %transpose3A_354 = tpu.transpose %squeeze3A_353, [1, 0] : vector<128x128xf32> -> vector<128x128xf32>
    %swap3A_355 = arith.constant 5888 : index
    %swap3A_356 = arith.constant 0 : index
    %swap3A_357 = vector.load %arg2[%swap3A_355, %swap3A_356] : memref<8320x128xf32, #tpu.memory_space<vmem>>, vector<128x128xf32>
    tpu.vector_store %arg2[%swap3A_355, %swap3A_356], %transpose3A_354 {strides = array<i32>} : memref<8320x128xf32, #tpu.memory_space<vmem>>, vector<128x128xf32>,
    %slice3A_358 = vector.extract_strided_slice %reshape3A {offsets = [0, 47, 0], sizes = [128, 1, 128], strides = [1, 1, 1]} : vector<128x65x128xf32> to vector<128x1x128xf32>
    %squeeze3A_359 = vector.shape_cast %slice3A_358 : vector<128x1x128xf32> to vector<128x128xf32>
    %transpose3A_360 = tpu.transpose %squeeze3A_359, [1, 0] : vector<128x128xf32> -> vector<128x128xf32>
    %swap3A_361 = arith.constant 6016 : index
    %swap3A_362 = arith.constant 0 : index
    %swap3A_363 = vector.load %arg2[%swap3A_361, %swap3A_362] : memref<8320x128xf32, #tpu.memory_space<vmem>>, vector<128x128xf32>
    tpu.vector_store %arg2[%swap3A_361, %swap3A_362], %transpose3A_360 {strides = array<i32>} : memref<8320x128xf32, #tpu.memory_space<vmem>>, vector<128x128xf32>,
    %slice3A_364 = vector.extract_strided_slice %reshape3A {offsets = [0, 48, 0], sizes = [128, 1, 128], strides = [1, 1, 1]} : vector<128x65x128xf32> to vector<128x1x128xf32>
    %squeeze3A_365 = vector.shape_cast %slice3A_364 : vector<128x1x128xf32> to vector<128x128xf32>
    %transpose3A_366 = tpu.transpose %squeeze3A_365, [1, 0] : vector<128x128xf32> -> vector<128x128xf32>
    %swap3A_367 = arith.constant 6144 : index
    %swap3A_368 = arith.constant 0 : index
    %swap3A_369 = vector.load %arg2[%swap3A_367, %swap3A_368] : memref<8320x128xf32, #tpu.memory_space<vmem>>, vector<128x128xf32>
    tpu.vector_store %arg2[%swap3A_367, %swap3A_368], %transpose3A_366 {strides = array<i32>} : memref<8320x128xf32, #tpu.memory_space<vmem>>, vector<128x128xf32>,
    %slice3A_370 = vector.extract_strided_slice %reshape3A {offsets = [0, 49, 0], sizes = [128, 1, 128], strides = [1, 1, 1]} : vector<128x65x128xf32> to vector<128x1x128xf32>
    %squeeze3A_371 = vector.shape_cast %slice3A_370 : vector<128x1x128xf32> to vector<128x128xf32>
    %transpose3A_372 = tpu.transpose %squeeze3A_371, [1, 0] : vector<128x128xf32> -> vector<128x128xf32>
    %swap3A_373 = arith.constant 6272 : index
    %swap3A_374 = arith.constant 0 : index
    %swap3A_375 = vector.load %arg2[%swap3A_373, %swap3A_374] : memref<8320x128xf32, #tpu.memory_space<vmem>>, vector<128x128xf32>
    tpu.vector_store %arg2[%swap3A_373, %swap3A_374], %transpose3A_372 {strides = array<i32>} : memref<8320x128xf32, #tpu.memory_space<vmem>>, vector<128x128xf32>,
    %slice3A_376 = vector.extract_strided_slice %reshape3A {offsets = [0, 50, 0], sizes = [128, 1, 128], strides = [1, 1, 1]} : vector<128x65x128xf32> to vector<128x1x128xf32>
    %squeeze3A_377 = vector.shape_cast %slice3A_376 : vector<128x1x128xf32> to vector<128x128xf32>
    %transpose3A_378 = tpu.transpose %squeeze3A_377, [1, 0] : vector<128x128xf32> -> vector<128x128xf32>
    %swap3A_379 = arith.constant 6400 : index
    %swap3A_380 = arith.constant 0 : index
    %swap3A_381 = vector.load %arg2[%swap3A_379, %swap3A_380] : memref<8320x128xf32, #tpu.memory_space<vmem>>, vector<128x128xf32>
    tpu.vector_store %arg2[%swap3A_379, %swap3A_380], %transpose3A_378 {strides = array<i32>} : memref<8320x128xf32, #tpu.memory_space<vmem>>, vector<128x128xf32>,
    %slice3A_382 = vector.extract_strided_slice %reshape3A {offsets = [0, 51, 0], sizes = [128, 1, 128], strides = [1, 1, 1]} : vector<128x65x128xf32> to vector<128x1x128xf32>
    %squeeze3A_383 = vector.shape_cast %slice3A_382 : vector<128x1x128xf32> to vector<128x128xf32>
    %transpose3A_384 = tpu.transpose %squeeze3A_383, [1, 0] : vector<128x128xf32> -> vector<128x128xf32>
    %swap3A_385 = arith.constant 6528 : index
    %swap3A_386 = arith.constant 0 : index
    %swap3A_387 = vector.load %arg2[%swap3A_385, %swap3A_386] : memref<8320x128xf32, #tpu.memory_space<vmem>>, vector<128x128xf32>
    tpu.vector_store %arg2[%swap3A_385, %swap3A_386], %transpose3A_384 {strides = array<i32>} : memref<8320x128xf32, #tpu.memory_space<vmem>>, vector<128x128xf32>,
    %slice3A_388 = vector.extract_strided_slice %reshape3A {offsets = [0, 52, 0], sizes = [128, 1, 128], strides = [1, 1, 1]} : vector<128x65x128xf32> to vector<128x1x128xf32>
    %squeeze3A_389 = vector.shape_cast %slice3A_388 : vector<128x1x128xf32> to vector<128x128xf32>
    %transpose3A_390 = tpu.transpose %squeeze3A_389, [1, 0] : vector<128x128xf32> -> vector<128x128xf32>
    %swap3A_391 = arith.constant 6656 : index
    %swap3A_392 = arith.constant 0 : index
    %swap3A_393 = vector.load %arg2[%swap3A_391, %swap3A_392] : memref<8320x128xf32, #tpu.memory_space<vmem>>, vector<128x128xf32>
    tpu.vector_store %arg2[%swap3A_391, %swap3A_392], %transpose3A_390 {strides = array<i32>} : memref<8320x128xf32, #tpu.memory_space<vmem>>, vector<128x128xf32>,
    %slice3A_394 = vector.extract_strided_slice %reshape3A {offsets = [0, 53, 0], sizes = [128, 1, 128], strides = [1, 1, 1]} : vector<128x65x128xf32> to vector<128x1x128xf32>
    %squeeze3A_395 = vector.shape_cast %slice3A_394 : vector<128x1x128xf32> to vector<128x128xf32>
    %transpose3A_396 = tpu.transpose %squeeze3A_395, [1, 0] : vector<128x128xf32> -> vector<128x128xf32>
    %swap3A_397 = arith.constant 6784 : index
    %swap3A_398 = arith.constant 0 : index
    %swap3A_399 = vector.load %arg2[%swap3A_397, %swap3A_398] : memref<8320x128xf32, #tpu.memory_space<vmem>>, vector<128x128xf32>
    tpu.vector_store %arg2[%swap3A_397, %swap3A_398], %transpose3A_396 {strides = array<i32>} : memref<8320x128xf32, #tpu.memory_space<vmem>>, vector<128x128xf32>,
    %slice3A_400 = vector.extract_strided_slice %reshape3A {offsets = [0, 54, 0], sizes = [128, 1, 128], strides = [1, 1, 1]} : vector<128x65x128xf32> to vector<128x1x128xf32>
    %squeeze3A_401 = vector.shape_cast %slice3A_400 : vector<128x1x128xf32> to vector<128x128xf32>
    %transpose3A_402 = tpu.transpose %squeeze3A_401, [1, 0] : vector<128x128xf32> -> vector<128x128xf32>
    %swap3A_403 = arith.constant 6912 : index
    %swap3A_404 = arith.constant 0 : index
    %swap3A_405 = vector.load %arg2[%swap3A_403, %swap3A_404] : memref<8320x128xf32, #tpu.memory_space<vmem>>, vector<128x128xf32>
    tpu.vector_store %arg2[%swap3A_403, %swap3A_404], %transpose3A_402 {strides = array<i32>} : memref<8320x128xf32, #tpu.memory_space<vmem>>, vector<128x128xf32>,
    %slice3A_406 = vector.extract_strided_slice %reshape3A {offsets = [0, 55, 0], sizes = [128, 1, 128], strides = [1, 1, 1]} : vector<128x65x128xf32> to vector<128x1x128xf32>
    %squeeze3A_407 = vector.shape_cast %slice3A_406 : vector<128x1x128xf32> to vector<128x128xf32>
    %transpose3A_408 = tpu.transpose %squeeze3A_407, [1, 0] : vector<128x128xf32> -> vector<128x128xf32>
    %swap3A_409 = arith.constant 7040 : index
    %swap3A_410 = arith.constant 0 : index
    %swap3A_411 = vector.load %arg2[%swap3A_409, %swap3A_410] : memref<8320x128xf32, #tpu.memory_space<vmem>>, vector<128x128xf32>
    tpu.vector_store %arg2[%swap3A_409, %swap3A_410], %transpose3A_408 {strides = array<i32>} : memref<8320x128xf32, #tpu.memory_space<vmem>>, vector<128x128xf32>,
    %slice3A_412 = vector.extract_strided_slice %reshape3A {offsets = [0, 56, 0], sizes = [128, 1, 128], strides = [1, 1, 1]} : vector<128x65x128xf32> to vector<128x1x128xf32>
    %squeeze3A_413 = vector.shape_cast %slice3A_412 : vector<128x1x128xf32> to vector<128x128xf32>
    %transpose3A_414 = tpu.transpose %squeeze3A_413, [1, 0] : vector<128x128xf32> -> vector<128x128xf32>
    %swap3A_415 = arith.constant 7168 : index
    %swap3A_416 = arith.constant 0 : index
    %swap3A_417 = vector.load %arg2[%swap3A_415, %swap3A_416] : memref<8320x128xf32, #tpu.memory_space<vmem>>, vector<128x128xf32>
    tpu.vector_store %arg2[%swap3A_415, %swap3A_416], %transpose3A_414 {strides = array<i32>} : memref<8320x128xf32, #tpu.memory_space<vmem>>, vector<128x128xf32>,
    %slice3A_418 = vector.extract_strided_slice %reshape3A {offsets = [0, 57, 0], sizes = [128, 1, 128], strides = [1, 1, 1]} : vector<128x65x128xf32> to vector<128x1x128xf32>
    %squeeze3A_419 = vector.shape_cast %slice3A_418 : vector<128x1x128xf32> to vector<128x128xf32>
    %transpose3A_420 = tpu.transpose %squeeze3A_419, [1, 0] : vector<128x128xf32> -> vector<128x128xf32>
    %swap3A_421 = arith.constant 7296 : index
    %swap3A_422 = arith.constant 0 : index
    %swap3A_423 = vector.load %arg2[%swap3A_421, %swap3A_422] : memref<8320x128xf32, #tpu.memory_space<vmem>>, vector<128x128xf32>
    tpu.vector_store %arg2[%swap3A_421, %swap3A_422], %transpose3A_420 {strides = array<i32>} : memref<8320x128xf32, #tpu.memory_space<vmem>>, vector<128x128xf32>,
    %slice3A_424 = vector.extract_strided_slice %reshape3A {offsets = [0, 58, 0], sizes = [128, 1, 128], strides = [1, 1, 1]} : vector<128x65x128xf32> to vector<128x1x128xf32>
    %squeeze3A_425 = vector.shape_cast %slice3A_424 : vector<128x1x128xf32> to vector<128x128xf32>
    %transpose3A_426 = tpu.transpose %squeeze3A_425, [1, 0] : vector<128x128xf32> -> vector<128x128xf32>
    %swap3A_427 = arith.constant 7424 : index
    %swap3A_428 = arith.constant 0 : index
    %swap3A_429 = vector.load %arg2[%swap3A_427, %swap3A_428] : memref<8320x128xf32, #tpu.memory_space<vmem>>, vector<128x128xf32>
    tpu.vector_store %arg2[%swap3A_427, %swap3A_428], %transpose3A_426 {strides = array<i32>} : memref<8320x128xf32, #tpu.memory_space<vmem>>, vector<128x128xf32>,
    %slice3A_430 = vector.extract_strided_slice %reshape3A {offsets = [0, 59, 0], sizes = [128, 1, 128], strides = [1, 1, 1]} : vector<128x65x128xf32> to vector<128x1x128xf32>
    %squeeze3A_431 = vector.shape_cast %slice3A_430 : vector<128x1x128xf32> to vector<128x128xf32>
    %transpose3A_432 = tpu.transpose %squeeze3A_431, [1, 0] : vector<128x128xf32> -> vector<128x128xf32>
    %swap3A_433 = arith.constant 7552 : index
    %swap3A_434 = arith.constant 0 : index
    %swap3A_435 = vector.load %arg2[%swap3A_433, %swap3A_434] : memref<8320x128xf32, #tpu.memory_space<vmem>>, vector<128x128xf32>
    tpu.vector_store %arg2[%swap3A_433, %swap3A_434], %transpose3A_432 {strides = array<i32>} : memref<8320x128xf32, #tpu.memory_space<vmem>>, vector<128x128xf32>,
    %slice3A_436 = vector.extract_strided_slice %reshape3A {offsets = [0, 60, 0], sizes = [128, 1, 128], strides = [1, 1, 1]} : vector<128x65x128xf32> to vector<128x1x128xf32>
    %squeeze3A_437 = vector.shape_cast %slice3A_436 : vector<128x1x128xf32> to vector<128x128xf32>
    %transpose3A_438 = tpu.transpose %squeeze3A_437, [1, 0] : vector<128x128xf32> -> vector<128x128xf32>
    %swap3A_439 = arith.constant 7680 : index
    %swap3A_440 = arith.constant 0 : index
    %swap3A_441 = vector.load %arg2[%swap3A_439, %swap3A_440] : memref<8320x128xf32, #tpu.memory_space<vmem>>, vector<128x128xf32>
    tpu.vector_store %arg2[%swap3A_439, %swap3A_440], %transpose3A_438 {strides = array<i32>} : memref<8320x128xf32, #tpu.memory_space<vmem>>, vector<128x128xf32>,
    %slice3A_442 = vector.extract_strided_slice %reshape3A {offsets = [0, 61, 0], sizes = [128, 1, 128], strides = [1, 1, 1]} : vector<128x65x128xf32> to vector<128x1x128xf32>
    %squeeze3A_443 = vector.shape_cast %slice3A_442 : vector<128x1x128xf32> to vector<128x128xf32>
    %transpose3A_444 = tpu.transpose %squeeze3A_443, [1, 0] : vector<128x128xf32> -> vector<128x128xf32>
    %swap3A_445 = arith.constant 7808 : index
    %swap3A_446 = arith.constant 0 : index
    %swap3A_447 = vector.load %arg2[%swap3A_445, %swap3A_446] : memref<8320x128xf32, #tpu.memory_space<vmem>>, vector<128x128xf32>
    tpu.vector_store %arg2[%swap3A_445, %swap3A_446], %transpose3A_444 {strides = array<i32>} : memref<8320x128xf32, #tpu.memory_space<vmem>>, vector<128x128xf32>,
    %slice3A_448 = vector.extract_strided_slice %reshape3A {offsets = [0, 62, 0], sizes = [128, 1, 128], strides = [1, 1, 1]} : vector<128x65x128xf32> to vector<128x1x128xf32>
    %squeeze3A_449 = vector.shape_cast %slice3A_448 : vector<128x1x128xf32> to vector<128x128xf32>
    %transpose3A_450 = tpu.transpose %squeeze3A_449, [1, 0] : vector<128x128xf32> -> vector<128x128xf32>
    %swap3A_451 = arith.constant 7936 : index
    %swap3A_452 = arith.constant 0 : index
    %swap3A_453 = vector.load %arg2[%swap3A_451, %swap3A_452] : memref<8320x128xf32, #tpu.memory_space<vmem>>, vector<128x128xf32>
    tpu.vector_store %arg2[%swap3A_451, %swap3A_452], %transpose3A_450 {strides = array<i32>} : memref<8320x128xf32, #tpu.memory_space<vmem>>, vector<128x128xf32>,
    %slice3A_454 = vector.extract_strided_slice %reshape3A {offsets = [0, 63, 0], sizes = [128, 1, 128], strides = [1, 1, 1]} : vector<128x65x128xf32> to vector<128x1x128xf32>
    %squeeze3A_455 = vector.shape_cast %slice3A_454 : vector<128x1x128xf32> to vector<128x128xf32>
    %transpose3A_456 = tpu.transpose %squeeze3A_455, [1, 0] : vector<128x128xf32> -> vector<128x128xf32>
    %swap3A_457 = arith.constant 8064 : index
    %swap3A_458 = arith.constant 0 : index
    %swap3A_459 = vector.load %arg2[%swap3A_457, %swap3A_458] : memref<8320x128xf32, #tpu.memory_space<vmem>>, vector<128x128xf32>
    tpu.vector_store %arg2[%swap3A_457, %swap3A_458], %transpose3A_456 {strides = array<i32>} : memref<8320x128xf32, #tpu.memory_space<vmem>>, vector<128x128xf32>,
    %slice3A_460 = vector.extract_strided_slice %reshape3A {offsets = [0, 64, 0], sizes = [128, 1, 128], strides = [1, 1, 1]} : vector<128x65x128xf32> to vector<128x1x128xf32>
    %squeeze3A_461 = vector.shape_cast %slice3A_460 : vector<128x1x128xf32> to vector<128x128xf32>
    %transpose3A_462 = tpu.transpose %squeeze3A_461, [1, 0] : vector<128x128xf32> -> vector<128x128xf32>
    %swap3A_463 = arith.constant 8192 : index
    %swap3A_464 = arith.constant 0 : index
    %swap3A_465 = vector.load %arg2[%swap3A_463, %swap3A_464] : memref<8320x128xf32, #tpu.memory_space<vmem>>, vector<128x128xf32>
    tpu.vector_store %arg2[%swap3A_463, %swap3A_464], %transpose3A_462 {strides = array<i32>} : memref<8320x128xf32, #tpu.memory_space<vmem>>, vector<128x128xf32>,
    return
  }
  func.func @transform_0(%arg0: i32) -> (i32, i32) {
    %c0_i32 = arith.constant 0 : i32
    %c0_i32_0 = arith.constant 0 : i32
    return %arg0, %c0_i32 : i32, i32
  }
  func.func @transform_1(%arg0: i32) -> (i32, i32) {
    %c0_i32 = arith.constant 0 : i32
    %c0_i32_0 = arith.constant 0 : i32
    return %c0_i32, %arg0 : i32, i32
  }
}

</mosaic_0001>

<sc_bundles>
// kernel: kernel.4.cloned.1.call-start
scs
__scs_entry_jumppad:
0x0: {  	(pc) =	sbr.rel $0x88, $3  }
0x1: {  	(tag) =	ssettag $0x0;
	lr =	simm.s32 $0x1  }
0x2: {  	[smem:$0x3F9F] =	sst lr;
	_ =	strace $0xD0000000  }
0x3: {  	_ = 	snop  }
0x4: {  	_ = 	snop  }
0x5: {  	_ = 	snop  }
0x6: {  	_ = 	snop  }
0x7: {  	_ = 	snop  }
__scs_overlays_trampoline_lowered:
0x8: {  	[smem:$0x3FAE] =	sst s0  }
0x9: {  	[smem:$0x3FAF] =	sst s1  }
0xa: {  	[smem:$0x3FB0] =	sst s2  }
0xb: {  	[smem:$0x3FB1] =	sst s3  }
0xc: {  	[smem:$0x3FB2] =	sst s4  }
0xd: {  	[smem:$0x3FB3] =	sst s5  }
0xe: {  	[smem:$0x3FB4] =	sst s6  }
0xf: {  	[smem:$0x3FB5] =	sst s7  }
0x10: {  	[smem:$0x3FB6] =	sst s8  }
0x11: {  	[smem:$0x3FB7] =	sst s9;
	s0 =	simm.s32 @!p0 $0x0  }
0x12: {  	s1 =	sld [smem:$0x3F9D];
	s0 =	simm.s32 @p0 $0x1  }
0x13: {  	[smem:$0x3FB8] =	sst s0;
	s0 =	simm.s32 @!p1 $0x0  }
0x14: {  	s2 =	sld [smem:$0x3F9C];
	s0 =	simm.s32 @p1 $0x1  }
0x15: {  	[smem:$0x3FB9] =	sst s0;
	s0 =	simm.s32 @!p2 $0x0  }
0x16: {  	s3 =	sld [smem:$0x3FDB];
	s0 =	simm.s32 @p2 $0x1  }
0x17: {  	s4 =	simm.s32 $0x1BF5;
	[smem:$0x3FBB] =	sst s0  }
0x18: {  	s0 =	sld [smem:$0x3F9E];
	_ =	swait.ge [sflag:s4], $0x0  }
0x19: {  	s7 =	sld [smem:$0x3F9F]  }
0x1a: {  	s8 =	sadd.s32 $0xFFFFE003, lr  }
0x1b: {  	s9 =	sadd.s32 $0xFFFFFEF7, lr;
	s5 =	simm.s32 $0xFFFFFFFF;
	p2 =	slt.u32 s8, $0xFFFFF086  }
0x1c: {  	p1 =	slt.u32 s9, $0xF7A;
	s5 =	simm.s32 @!p2 $0x0  }
0x1d: {  	s5 =	simm.s32 @p1 $0x1;
	p0 =	seq.s32 s7, s2  }
0x1e: {  	s7 =	smul.u32 @!p0 $0xF7A, s2;
	p2 =	seq.s32 @!p0 s5, $0x0  }
0x1f: {  	s9 =	smul.u32 $0xF7A, s1;
	s8 =	simm.s32 @!p0 $0x1BF5;
	p2 =	por !p2, p0  }
0x20: {  	[sflag:s8] =	ssyncset.s32 @!p0 $0xFFFFF086;
	s6 =	sadd.s32 @!p0 s3, s7;
	s7 =	simm.s32 @!p0 $0x108  }
0x21: {  	s3 =	sadd.s32 s3, s9;
	s6 =	sadd.s32 @!p0 $0x88, s6;
	s7 =	simm.s32 @p2 $0x1082  }
0x22: {  	[simem:s7], [sflag:s8] =	dma.local @!p0 [hbm:s6], $0xF7A  }
0x23: {  	s9 =	sor.u32 $0xD0000000, s2;
	s6 =	simm.s32 $0x108;
	_ =	swait.ge @!p0 [sflag:s8], $0x0  }
0x24: {  	s3 =	sadd.s32 $0x88, s3;
	s6 =	simm.s32 @!p1 $0x1082;
	[sflag:s4] =	ssyncset.s32 $0xFFFFF086  }
0x25: {  	[simem:s6], [sflag:s4] =	dma.local [hbm:s3], $0xF7A  }
0x26: {  	[smem:$0x3F9F] =	sst s1;
	(tag) =	ssettag s2;
	_ =	strace s9  }
0x27: {  	s1 =	sld [smem:$0x3FAF]  }
0x28: {  	s2 =	sld [smem:$0x3FB0]  }
0x29: {  	s4 =	sld [smem:$0x3FB2]  }
0x2a: {  	p0 =	seq.s32 s5, $0x0;
	s5 =	sld [smem:$0x3FB3]  }
0x2b: {  	s6 =	sld [smem:$0x3FB4]  }
0x2c: {  	s7 =	sld [smem:$0x3FB5]  }
0x2d: {  	s3 =	simm.s32 $0x108;
	s8 =	sld [smem:$0x3FB6]  }
0x2e: {  	s3 =	simm.s32 @!p0 $0x1082;
	s9 =	sld [smem:$0x3FB7]  }
0x2f: {  	lr =	sadd.s32 s0, s3;
	s0 =	sld [smem:$0x3FAE]  }
0x30: {  	s3 =	sld [smem:$0x3FB1]  }
0x31: {  	[smem:$0x3FBA] =	sst s10  }
0x32: {  	s10 =	sld [smem:$0x3FB8];
	_ =	sdelay $0x3  }
0x33: {  	p0 =	seq.s32 s10, $0x1;
	s10 =	sld [smem:$0x3FBA];
	_ =	sdelay $0x3  }
0x34: {  	[smem:$0x3FBA] =	sst s10  }
0x35: {  	s10 =	sld [smem:$0x3FB9];
	_ =	sdelay $0x3  }
0x36: {  	p1 =	seq.s32 s10, $0x1;
	s10 =	sld [smem:$0x3FBA];
	_ =	sdelay $0x3  }
0x37: {  	[smem:$0x3FBA] =	sst s10  }
0x38: {  	s10 =	sld [smem:$0x3FBB]  }
0x39: {  	_ = 	snop;
	(pc) =	sbr.ind lr, $3  }
0x3a: {  	_ = 	snop  }
0x3b: {  	_ = 	snop  }
0x3c: {  	p2 =	seq.s32 s10, $0x1;
	s10 =	sld [smem:$0x3FBA]  }
0x3d: {  	_ =	shalt  }
0x3e: {  	_ =	shalt  }
0x3f: {  	_ =	shalt  }
0x40: {  	_ =	shalt  }
0x41: {  	_ =	shalt  }
0x42: {  	_ =	shalt  }
0x43: {  	_ =	shalt  }
0x44: {  	_ =	shalt  }
0x45: {  	_ =	shalt  }
0x46: {  	_ =	shalt  }
0x47: {  	_ =	shalt  }
0x48: {  	_ =	shalt  }
0x49: {  	_ =	shalt  }
0x4a: {  	_ =	shalt  }
0x4b: {  	_ =	shalt  }
0x4c: {  	_ =	shalt  }
0x4d: {  	_ =	shalt  }
0x4e: {  	_ =	shalt  }
0x4f: {  	_ =	shalt  }
0x50: {  	_ =	shalt  }
0x51: {  	_ =	shalt  }
0x52: {  	_ =	shalt  }
0x53: {  	_ =	shalt  }
0x54: {  	_ =	shalt  }
0x55: {  	_ =	shalt  }
0x56: {  	_ =	shalt  }
0x57: {  	_ =	shalt  }
0x58: {  	_ =	shalt  }
0x59: {  	_ =	shalt  }
0x5a: {  	_ =	shalt  }
0x5b: {  	_ =	shalt  }
0x5c: {  	_ =	shalt  }
0x5d: {  	_ =	shalt  }
0x5e: {  	_ =	shalt  }
0x5f: {  	_ =	shalt  }
0x60: {  	_ =	shalt  }
0x61: {  	_ =	shalt  }
0x62: {  	_ =	shalt  }
0x63: {  	_ =	shalt  }
0x64: {  	_ =	shalt  }
0x65: {  	_ =	shalt  }
0x66: {  	_ =	shalt  }
0x67: {  	_ =	shalt  }
0x68: {  	_ =	shalt  }
0x69: {  	_ =	shalt  }
0x6a: {  	_ =	shalt  }
0x6b: {  	_ =	shalt  }
0x6c: {  	_ =	shalt  }
0x6d: {  	_ =	shalt  }
0x6e: {  	_ =	shalt  }
0x6f: {  	_ =	shalt  }
0x70: {  	_ =	shalt  }
0x71: {  	_ =	shalt  }
0x72: {  	_ =	shalt  }
0x73: {  	_ =	shalt  }
0x74: {  	_ =	shalt  }
0x75: {  	_ =	shalt  }
0x76: {  	_ =	shalt  }
0x77: {  	_ =	shalt  }
0x78: {  	_ =	shalt  }
0x79: {  	_ =	shalt  }
0x7a: {  	_ =	shalt  }
0x7b: {  	_ =	shalt  }
0x7c: {  	_ =	shalt  }
0x7d: {  	_ =	shalt  }
0x7e: {  	_ =	shalt  }
0x7f: {  	_ =	shalt  }
0x80: {  	_ =	shalt  }
0x81: {  	_ =	shalt  }
0x82: {  	_ =	shalt  }
0x83: {  	_ =	shalt  }
0x84: {  	_ =	shalt  }
0x85: {  	_ =	shalt  }
0x86: {  	_ =	shalt  }
0x87: {  	_ =	shalt  }
.Lfunc_end0:
.L_simem_size_0:
called_computation_lowered:
.L_overlay_start_0:
0x88: {  	s2 =	sld [smem:$0x3FD9]  }
0x89: {  	s3 =	sld [smem:$0x3FFE];
	_ =	sdelay $0x1  }
0x8a: {  	s1 =	srdreg.scid  }
0x8b: {  	s0 =	sand.u32 $0x1, s1  }
0x8c: {  	s16 =	sshll.u32 s0, $0xA;
	s2 =	sadd.s32 s3, s2  }
0x8d: {  	s2 =	sadd.s32 s2, s16  }
0x8e: {  	[smem:$0x3FC6] =	sst s2  }
0x8f: {  	_ = 	snop  }
0x90: {  	(tm) =	ssettm $0x1  }
0x91: {  	s17 =	sld [smem:$0x3FFB];
	_ =	sdelay $0x3  }
0x92: {  	_ =	strace s17  }
0x93: {  	s2 =	sld [smem:$0x3FFC];
	_ =	sdelay $0x3  }
0x94: {  	_ =	strace s2  }
0x95: {  	s2 =	sld [smem:$0x3FFD];
	_ =	sdelay $0x3  }
0x96: {  	_ =	strace s2  }
0x97: {  	_ =	strace $0x8FFFFFFF  }
0x98: {  	s18 =	sld [smem:$0x3FDB];
	_ =	sdelay $0x1  }
0x99: {  	s19 =	simm.s32 $_scs_section_size  }
0x9a: {  	s4 =	simm.s32 $_size__tile_overlayer_lowered;
	s5 =	simm.s32 $_tile_overlayer_lowered  }
0x9b: {  	s22 =	simm.s32 $0x1BFF;
	s21 =	sshll.u32 s5, $0x1;
	s2 =	sadd.s32 s19, s18  }
0x9c: {  	s6 =	simm.s32 $0x0;
	s20 =	sshll.u32 s4, $0x1;
	s4 =	sadd.s32 s21, s2  }
0x9d: {  	[timem:s6], [sflag:s22] =	dma.local [hbm:s4], s20  }
0x9e: {  	_ =	swait.ge [sflag:s22], s20  }
0x9f: {  	s3 =	ssub.s32 $0x0, s20;
	[sflag:s22] =	ssyncset.done $0x0  }
0xa0: {  	[sflag:s22] =	ssyncadd.s32 s3;
	_ =	sdelay $0x1  }
0xa1: {  	s23 =	simm.s32 $0x1B8B  }
0xa2: {  	_ =	swait.ge [sflag:s23], $0x1  }
0xa3: {  	[sflag:s23] =	ssyncset.done $0x0  }
0xa4: {  	s25 =	simm.s32 $0x1B8E;
	s24 =	sld [smem:$0x3FFE];
	[sflag:s23] =	ssyncadd.s32 $0xFFFFFFFF  }
0xa5: {  	s26 =	simm.s32 $execute0_lowered;
	[smem:$0x3FD2] =	sst s25  }
0xa6: {  	s4 =	sshll.u32 s26, $0x1;
	_ =	strace $0x80000046;
	[dreg:$0x1] =	wrdreg $0xFFFFFFFF  }
0xa7: {  	s28 =	simm.s32 $_size_execute0_lowered;
	s2 =	sadd.s32 s2, s4;
	[dreg:$0x0] =	wrdreg $0x0  }
0xa8: {  	s4 =	sshll.u32 s28, $0x1;
	[dreg:$0x2] =	wrdreg s2  }
0xa9: {  	[dreg:$0x3] =	wrdreg s4  }
0xaa: {  	[dreg:$0x4] =	wrdreg $0xC0  }
0xab: {  	_ =	task [dreg:s6], $0x5FFFF  }
0xac: {  	[dreg:$0x1] =	wrdreg $0xFFFFFFFF  }
0xad: {  	[dreg:$0x0] =	wrdreg $0x60  }
0xae: {  	[dreg:$0x2] =	wrdreg s24  }
0xaf: {  	[dreg:$0x3] =	wrdreg $0x9  }
0xb0: {  	_ =	task.clear_ibuf [dreg:s6], $0x4FFFF;
	_ =	strace $0x90000046  }
0xb1: {  	s29 =	simm.s32 $0x9;
	_ =	strace $0x80000048  }
0xb2: {  	_ =	swait.ge [sflag:s29], $0x1  }
0xb3: {  	[sflag:s29] =	ssyncadd.s32 $0xFFFFFFFF  }
0xb4: {  	_ =	strace $0x90000048  }
0xb5: {  	_ =	sfence  }
0xb6: {  	s30 =	sld [smem:$0x0];
	_ =	sdelay $0x2  }
0xb7: {  	s31 =	sshll.u32 s1, $0xD;
	s1 =	sshrl.u32 s1, $0x2  }
0xb8: {  	s3 =	sand.u32 $0x4000, s31;
	s1 =	sadd.s32 s1, s30  }
0xb9: {  	s0 =	sor.u32 s3, s0;
	s1 =	sshll.u32 s1, $0x11  }
0xba: {  	s0 =	sor.u32 s1, s0  }
0xbb: {  	s0 =	sadd.s32 $0x8F2B, s0  }
0xbc: {  	[sflag:s0] =	ssyncadd.remote.s32 $0x1  }
0xbd: {  	_ =	sfence.sel $0xFFFF  }
0xbe: {  	[dreg:$0x0] =	wrdreg $0xFFFFFFFF;
	(pc) =	sbr.abs _section_cstart, $3  }
0xbf: {  	[dreg:$0x1] =	wrdreg $0xFFFFFFFF  }
0xc0: {  	_ =	task.clear_ibuf [dreg:s6], $0x2FFFF;
	_ =	strace $0x9FFFFFFF  }
0xc1: {  	(tm) =	ssettm $0x7FFFFFFF  }
tec
execute0_lowered:
.L_overlay_start_1:
0x0: {  	(tag) =	ssettag $0x1  }
0x1: {  	s4 =	rddreg [dreg:$0x0]  }
0x2: {  	s0 =	rddreg [dreg:$0x1];
	s2 =	simm.s32 $0x0  }
0x3: {  	s17 =	simm.s32 $0xC00;
	[smem:$0x7FF] =	sst s2  }
0x4: {  	s19 =	simm.s32 $0x100;
	_ =	strace $0x80000047;
	[dreg:$0x3] =	wrdreg s17  }
0x5: {  	s20 =	simm.s32 $0x1400;
	[dreg:$0x4] =	wrdreg s19  }
0x6: {  	s1 =	stileid.u32;
	s10 =	simm.s32 $0x180;
	[dreg:$0x5] =	wrdreg s20  }
0x7: {  	s3 =	srdreg.scid;
	s22 =	simm.s32 $0x1C00;
	[dreg:$0x6] =	wrdreg s10  }
0x8: {  	s23 =	simm.s32 $0x200;
	s24 =	simm.s32 $0x2400;
	[dreg:$0x7] =	wrdreg s22  }
0x9: {  	s25 =	simm.s32 $0x280;
	s26 =	simm.s32 $0x2C00;
	[dreg:$0x8] =	wrdreg s23  }
0xa: {  	s28 =	simm.s32 $0x300;
	s29 =	simm.s32 $0x3400;
	[dreg:$0x9] =	wrdreg s24  }
0xb: {  	s30 =	simm.s32 $0x380;
	s5 =	smul.u32 $0x4100, s1;
	[dreg:$0xa] =	wrdreg s25  }
0xc: {  	s31 =	simm.s32 $0x3C00;
	s6 =	smul.u32 $0x41000, s1;
	[dreg:$0xb] =	wrdreg s26  }
0xd: {  	s7 =	sand.u32 $0x1, s3;
	s8 =	smul.u32 $0x20800, s1;
	[dreg:$0xc] =	wrdreg s28  }
0xe: {  	s11 =	simm.s32 $0x0;
	s9 =	smul.u32 $0x10400, s7;
	[dreg:$0xd] =	wrdreg s29  }
0xf: {  	s3 =	sadd.s32 $0x27ACA00, s4;
	s21 =	smul.u32 $0x2080, s7;
	[dreg:$0xe] =	wrdreg s30  }
0x10: {  	s16 =	ssub.s32 $0x2, s7;
	s7 =	smul.u32 $0x20800, s7;
	[dreg:$0xf] =	wrdreg s31  }
0x11: {  	s10 =	simm.s32 $0x1;
	s5 =	sadd.s32 s5, s4;
	s18 =	sshrl.u32 s16, $0x1  }
0x12: {  	s6 =	sadd.s32 s6, s4;
	s15 =	sadd.s32 s9, s8;
	s8 =	ssub.s32 s16, s18  }
0x13: {  	s5 =	sadd.s32 s21, s5;
	s6 =	sadd.s32 s7, s6;
	s7 =	simm.s32 $0x2  }
0x14: {  	s9 =	simm.s32 $0x400;
	[dreg:$0x2] =	wrdreg s15;
	s4 =	smax.u32 s8, $0x1  }
0x15: {  	v0 =	vlaneseq.u32;
	s5 =	sadd.s32 $0x600, s5;
	s6 =	sadd.s32 $0x41600, s6;
	s8 =	simm.s32 $0x80  }
.LBB2_1:
0x16: {  	s12 =	smov.u32 s6;
	s13 =	smov.u32 s5;
	s14 =	simm.s32 $0x0  }
.LBB2_2:
0x17: {  	s15 =	rddreg [dreg:$0x2]  }
0x18: {  	[tilespmem:s2], [sflag:$0x2] =	stream.linear.gather [hbm4b:s13+s2], $0x400, $0x38;
	[tilespmem:$0x4400] =	vst v63  }
0x19: {  	s15 =	sadd.s32 s14, s15  }
0x1a: {  	v1 =	vor.u32 s15, v0;
	s30 =	sadd.s32 $0x20, s15  }
0x1b: {  	s31 =	sadd.s32 $0x30, s15;
	v2 =	vmulhi.u32 $0x4EC4EC4F, v1;
	v5 =	vor.u32 s30, v0  }
0x1c: {  	s17 =	sadd.s32 $0x40, s15;
	v7 =	vor.u32 s31, v0;
	v6 =	vmulhi.u32 $0x4EC4EC4F, v5  }
0x1d: {  	s18 =	sadd.s32 $0x50, s15;
	v9 =	vor.u32 s17, v0;
	v8 =	vmulhi.u32 $0x4EC4EC4F, v7  }
0x1e: {  	s19 =	sadd.s32 $0x60, s15;
	v13 =	vor.u32 s18, v0;
	v10 =	vmulhi.u32 $0x4EC4EC4F, v9  }
0x1f: {  	s20 =	sadd.s32 $0x70, s15;
	v46 =	vor.u32 s19, v0;
	v43 =	vmulhi.u32 $0x4EC4EC4F, v13  }
0x20: {  	s21 =	sadd.s32 $0x80, s15;
	v49 =	vor.u32 s20, v0;
	v48 =	vmulhi.u32 $0x4EC4EC4F, v46  }
0x21: {  	s22 =	sadd.s32 $0x90, s15;
	v51 =	vor.u32 s21, v0;
	v50 =	vmulhi.u32 $0x4EC4EC4F, v49  }
0x22: {  	s23 =	sadd.s32 $0xA0, s15;
	v15 =	vor.u32 s22, v0;
	v52 =	vmulhi.u32 $0x4EC4EC4F, v51  }
0x23: {  	s24 =	sadd.s32 $0xB0, s15;
	v61 =	vor.u32 s23, v0;
	v17 =	vmulhi.u32 $0x4EC4EC4F, v15  }
0x24: {  	s25 =	sadd.s32 $0xC0, s15;
	v63 =	vor.u32 s24, v0;
	v62 =	vmulhi.u32 $0x4EC4EC4F, v61  }
0x25: {  	s26 =	sadd.s32 $0xD0, s15;
	v24 =	vor.u32 s25, v0;
	v23 =	vmulhi.u32 $0x4EC4EC4F, v63  }
0x26: {  	s28 =	sadd.s32 $0xE0, s15;
	v18 =	vor.u32 s26, v0;
	v25 =	vmulhi.u32 $0x4EC4EC4F, v24  }
0x27: {  	s29 =	sadd.s32 $0xF0, s15;
	v22 =	vor.u32 s28, v0;
	v19 =	vmulhi.u32 $0x4EC4EC4F, v18  }
0x28: {  	v34 =	vor.u32 s29, v0;
	s30 =	sadd.s32 $0x100, s15;
	v29 =	vmulhi.u32 $0x4EC4EC4F, v22  }
0x29: {  	_ =	swait.ge [sflag:s7], $0x400;
	s31 =	sadd.s32 $0x110, s15;
	v36 =	vmulhi.u32 $0x4EC4EC4F, v34;
	v37 =	vor.u32 s30, v0  }
0x2a: {  	[sflag:s7] =	ssyncset.done $0x0;
	s16 =	sadd.s32 $0x10, s15;
	v39 =	vor.u32 s31, v0;
	v38 =	vmulhi.u32 $0x4EC4EC4F, v37  }
0x2b: {  	[sflag:s7] =	ssyncadd.s32 $0xFFFFFC00;
	v4 =	vor.u32 s16, v0;
	v2 =	vshrl.u32 v2, $0x3;
	v40 =	vmulhi.u32 $0x4EC4EC4F, v39  }
0x2c: {  	v3 =	vld [tilespmem:$0x0];
	v2 =	vmul.u32 $0x1A, v2;
	v6 =	vshrl.u32 v6, $0x3;
	v8 =	vshrl.u32 v8, $0x3  }
0x2d: {  	v10 =	vshrl.u32 v10, $0x3;
	v45 =	vshrl.u32 v43, $0x3;
	v57 =	vshrl.u32 v17, $0x3  }
0x2e: {  	v17 =	vshrl.u32 v25, $0x3;
	v1 =	vsub.s32 v1, v2;
	v2 =	vmulhi.u32 $0x4EC4EC4F, v4  }
0x2f: {  	v19 =	vshrl.u32 v19, $0x3;
	v33 =	vshrl.u32 v29, $0x3;
	v1 =	vmul.u32 $0x186A0, v1  }
0x30: {  	v41 =	vmul.u32 $0x1A, v6;
	v8 =	vmul.u32 $0x1A, v8;
	v2 =	vshrl.u32 v2, $0x3  }
0x31: {  	v19 =	vmul.u32 $0x1A, v19;
	v2 =	vmul.u32 $0x1A, v2;
	v1 =	vadd.s32 v1, v3;
	v3 =	vld [tilespmem:$0x10]  }
0x32: {  	v42 =	vld [tilespmem:$0x20];
	v10 =	vmul.u32 $0x1A, v10;
	v17 =	vmul.u32 $0x1A, v17;
	v7 =	vsub.s32 v7, v8  }
0x33: {  	v31 =	vsub.s32 v18, v19;
	v18 =	vshrl.u32 v36, $0x3;
	v2 =	vsub.s32 v4, v2  }
0x34: {  	s24 =	sadd.s32 $0x190, s15;
	v11 =	vld [tilespmem:$0x30];
	v18 =	vmul.u32 $0x1A, v18;
	v4 =	vsub.s32 v5, v41;
	v2 =	vmul.u32 $0x186A0, v2  }
0x35: {  	s22 =	sadd.s32 $0x170, s15;
	v36 =	vor.u32 s24, v0;
	v32 =	vmul.u32 $0x186A0, v31;
	v4 =	vmul.u32 $0x186A0, v4  }
0x36: {  	v12 =	vld [tilespmem:$0x40];
	v31 =	vor.u32 s22, v0;
	v41 =	vsub.s32 v34, v18;
	v5 =	vadd.s32 v2, v3  }
0x37: {  	v2 =	vmul.u32 $0x186A0, v7;
	v3 =	vsub.s32 v9, v10;
	v4 =	vadd.s32 v4, v42  }
0x38: {  	v7 =	vmul.u32 $0x1A, v45;
	v9 =	vshrl.u32 v48, $0x3;
	v10 =	vmul.u32 $0x1A, v57  }
0x39: {  	v47 =	vld [tilespmem:$0x50];
	v44 =	vmul.u32 $0x186A0, v3;
	v9 =	vmul.u32 $0x1A, v9;
	v3 =	vadd.s32 v2, v11  }
0x3a: {  	v60 =	vld [tilespmem:$0x90];
	v7 =	vsub.s32 v13, v7;
	v11 =	vshrl.u32 v50, $0x3;
	v13 =	vshrl.u32 v52, $0x3  }
0x3b: {  	v10 =	vsub.s32 v15, v10;
	v15 =	vshrl.u32 v23, $0x3;
	v2 =	vadd.s32 v44, v12  }
0x3c: {  	v21 =	vld [tilespmem:$0xD0];
	v7 =	vmul.u32 $0x186A0, v7;
	v11 =	vmul.u32 $0x1A, v11;
	v53 =	vsub.s32 v46, v9  }
0x3d: {  	v54 =	vmul.u32 $0x1A, v13;
	v10 =	vmul.u32 $0x186A0, v10;
	v27 =	vmul.u32 $0x1A, v15  }
0x3e: {  	s18 =	sadd.s32 $0x130, s15;
	v14 =	vld [tilespmem:$0x60];
	v6 =	vadd.s32 v7, v47;
	v7 =	vmul.u32 $0x186A0, v53;
	v56 =	vsub.s32 v49, v11  }
0x3f: {  	s19 =	sadd.s32 $0x140, s15;
	v16 =	vld [tilespmem:$0x70];
	v58 =	vsub.s32 v51, v54;
	v10 =	vadd.s32 v10, v60;
	v49 =	vor.u32 s18, v0  }
0x40: {  	s20 =	sadd.s32 $0x150, s15;
	v55 =	vld [tilespmem:$0x80];
	v13 =	vsub.s32 v63, v27;
	v51 =	vor.u32 s19, v0;
	v50 =	vmulhi.u32 $0x4EC4EC4F, v49  }
0x41: {  	s21 =	sadd.s32 $0x160, s15;
	v28 =	vld [tilespmem:$0xB0];
	v11 =	vadd.s32 v32, v21;
	v53 =	vor.u32 s20, v0;
	v52 =	vmulhi.u32 $0x4EC4EC4F, v51  }
0x42: {  	v27 =	vor.u32 s21, v0;
	v9 =	vmul.u32 $0x186A0, v56;
	v54 =	vmulhi.u32 $0x4EC4EC4F, v53  }
0x43: {  	s23 =	sadd.s32 $0x180, s15;
	v59 =	vmul.u32 $0x186A0, v58;
	v13 =	vmul.u32 $0x186A0, v13;
	v58 =	vmulhi.u32 $0x4EC4EC4F, v31  }
0x44: {  	v8 =	vadd.s32 v7, v14;
	v14 =	vshrl.u32 v62, $0x3;
	v62 =	vor.u32 s23, v0  }
0x45: {  	v26 =	vld [tilespmem:$0xA0];
	v9 =	vadd.s32 v9, v16;
	v7 =	vadd.s32 v59, v55;
	v14 =	vmul.u32 $0x1A, v14  }
0x46: {  	s17 =	sadd.s32 $0x120, s15;
	v20 =	vld [tilespmem:$0xC0];
	v16 =	vsub.s32 v24, v17;
	v13 =	vadd.s32 v13, v28;
	v28 =	vmulhi.u32 $0x4EC4EC4F, v27  }
0x47: {  	s26 =	sadd.s32 $0x1B0, s15;
	v24 =	vor.u32 s17, v0;
	v30 =	vmul.u32 $0x186A0, v16;
	v16 =	vmul.u32 $0x1A, v33  }
0x48: {  	v35 =	vld [tilespmem:$0xE0];
	v33 =	vor.u32 s26, v0;
	v12 =	vsub.s32 v61, v14;
	v28 =	vshrl.u32 v28, $0x3  }
0x49: {  	v61 =	vshrl.u32 v58, $0x3;
	v12 =	vmul.u32 $0x186A0, v12;
	v16 =	vsub.s32 v22, v16  }
0x4a: {  	v22 =	vshrl.u32 v40, $0x3;
	v28 =	vmul.u32 $0x1A, v28;
	v16 =	vmul.u32 $0x186A0, v16  }
0x4b: {  	v42 =	vmul.u32 $0x1A, v22;
	v14 =	vadd.s32 v12, v26;
	v12 =	vadd.s32 v30, v20  }
0x4c: {  	s25 =	sadd.s32 $0x1A0, s15;
	v23 =	vld [tilespmem:$0xF0];
	v20 =	vshrl.u32 v38, $0x3;
	v26 =	vmulhi.u32 $0x4EC4EC4F, v24;
	v60 =	vsub.s32 v27, v28  }
0x4d: {  	v38 =	vor.u32 s25, v0;
	v20 =	vmul.u32 $0x1A, v20;
	v15 =	vadd.s32 v16, v35  }
0x4e: {  	v16 =	vmul.u32 $0x186A0, v41;
	v46 =	vsub.s32 v39, v42;
	v35 =	vmulhi.u32 $0x4EC4EC4F, v62  }
0x4f: {  	s28 =	sadd.s32 $0x1C0, s15;
	v43 =	vld [tilespmem:$0x110];
	v39 =	vmulhi.u32 $0x4EC4EC4F, v38;
	v45 =	vshrl.u32 v26, $0x3;
	v47 =	vmul.u32 $0x186A0, v46  }
0x50: {  	v26 =	vshrl.u32 v54, $0x3;
	v46 =	vor.u32 s28, v0;
	v44 =	vsub.s32 v37, v20  }
0x51: {  	v25 =	vld [tilespmem:$0x100];
	v19 =	vmul.u32 $0x1A, v45;
	v17 =	vadd.s32 v16, v23;
	v23 =	vshrl.u32 v50, $0x3  }
0x52: {  	s30 =	sadd.s32 $0x1E0, s15;
	v26 =	vmul.u32 $0x1A, v26;
	v37 =	vmulhi.u32 $0x4EC4EC4F, v36;
	v27 =	vshrl.u32 v35, $0x3  }
0x53: {  	v35 =	vmulhi.u32 $0x4EC4EC4F, v33;
	v50 =	vor.u32 s30, v0;
	v18 =	vmul.u32 $0x186A0, v44  }
0x54: {  	v48 =	vld [tilespmem:$0x120];
	v16 =	vadd.s32 v47, v43;
	v23 =	vmul.u32 $0x1A, v23;
	v27 =	vmul.u32 $0x1A, v27  }
0x55: {  	v47 =	vmulhi.u32 $0x4EC4EC4F, v46;
	v19 =	vsub.s32 v24, v19;
	v24 =	vshrl.u32 v52, $0x3  }
0x56: {  	v43 =	vshrl.u32 v35, $0x3;
	v18 =	vadd.s32 v18, v25;
	v19 =	vmul.u32 $0x186A0, v19  }
0x57: {  	v55 =	vld [tilespmem:$0x130];
	v21 =	vsub.s32 v49, v23;
	v56 =	vmul.u32 $0x1A, v24;
	v25 =	vsub.s32 v53, v26  }
0x58: {  	v29 =	vld [tilespmem:$0x150];
	v24 =	vmul.u32 $0x1A, v61;
	v28 =	vmul.u32 $0x1A, v43;
	v21 =	vmul.u32 $0x186A0, v21  }
0x59: {  	v57 =	vld [tilespmem:$0x140];
	v59 =	vmul.u32 $0x186A0, v25;
	v25 =	vsub.s32 v62, v27;
	v19 =	vadd.s32 v19, v48  }
0x5a: {  	s29 =	sadd.s32 $0x1D0, s15;
	v63 =	vld [tilespmem:$0x170];
	v22 =	vsub.s32 v51, v56;
	v24 =	vsub.s32 v31, v24;
	v31 =	vshrl.u32 v39, $0x3  }
0x5b: {  	v32 =	vld [tilespmem:$0x180];
	v25 =	vmul.u32 $0x186A0, v25;
	v28 =	vsub.s32 v33, v28;
	v48 =	vor.u32 s29, v0  }
0x5c: {  	v30 =	vld [tilespmem:$0x160];
	v51 =	vmulhi.u32 $0x4EC4EC4F, v50;
	v22 =	vmul.u32 $0x186A0, v22;
	v23 =	vadd.s32 v21, v55  }
0x5d: {  	v45 =	vld [tilespmem:$0x1B0];
	v21 =	vmul.u32 $0x186A0, v60;
	v20 =	vadd.s32 v59, v29;
	v24 =	vmul.u32 $0x186A0, v24  }
0x5e: {  	s18 =	sadd.s32 $0x210, s15;
	v29 =	vshrl.u32 v37, $0x3;
	v40 =	vmul.u32 $0x1A, v31;
	v28 =	vmul.u32 $0x186A0, v28  }
0x5f: {  	v49 =	vmulhi.u32 $0x4EC4EC4F, v48;
	v60 =	vor.u32 s18, v0;
	v29 =	vmul.u32 $0x1A, v29  }
0x60: {  	v27 =	vadd.s32 v25, v32;
	v35 =	vshrl.u32 v51, $0x3;
	v62 =	vmulhi.u32 $0x4EC4EC4F, v60  }
0x61: {  	v22 =	vadd.s32 v22, v57;
	v21 =	vadd.s32 v21, v30;
	v24 =	vadd.s32 v24, v63  }
0x62: {  	s19 =	sadd.s32 $0x220, s15;
	s17 =	sadd.s32 $0x200, s15;
	v26 =	vsub.s32 v38, v40;
	v28 =	vadd.s32 v28, v45;
	v33 =	vshrl.u32 v49, $0x3  }
0x63: {  	s20 =	sadd.s32 $0x230, s15;
	s25 =	sadd.s32 $0x280, s15;
	v41 =	vld [tilespmem:$0x1A0];
	v35 =	vmul.u32 $0x1A, v35;
	v40 =	vor.u32 s17, v0;
	v63 =	vor.u32 s19, v0  }
0x64: {  	s31 =	sadd.s32 $0x1F0, s15;
	v34 =	vld [tilespmem:$0x190];
	v49 =	vor.u32 s20, v0;
	v45 =	vor.u32 s25, v0;
	v42 =	vsub.s32 v36, v29  }
0x65: {  	v36 =	vor.u32 s31, v0;
	v53 =	vmul.u32 $0x1A, v33;
	v55 =	vmulhi.u32 $0x4EC4EC4F, v40  }
0x66: {  	s21 =	sadd.s32 $0x240, s15;
	v44 =	vmul.u32 $0x186A0, v26;
	v29 =	vmul.u32 $0x186A0, v42;
	v37 =	vmulhi.u32 $0x4EC4EC4F, v36  }
0x67: {  	v54 =	vld [tilespmem:$0x1D0];
	v42 =	vor.u32 s21, v0;
	v31 =	vsub.s32 v48, v53;
	v48 =	vmulhi.u32 $0x4EC4EC4F, v63  }
0x68: {  	v38 =	vld [tilespmem:$0x1E0];
	v25 =	vadd.s32 v44, v41;
	v59 =	vshrl.u32 v55, $0x3;
	v44 =	vmulhi.u32 $0x4EC4EC4F, v42  }
0x69: {  	v26 =	vadd.s32 v29, v34;
	v29 =	vshrl.u32 v47, $0x3;
	v37 =	vshrl.u32 v37, $0x3  }
0x6a: {  	v31 =	vmul.u32 $0x186A0, v31;
	v34 =	vsub.s32 v50, v35;
	v50 =	vmulhi.u32 $0x4EC4EC4F, v49  }
0x6b: {  	v29 =	vmul.u32 $0x1A, v29;
	v37 =	vmul.u32 $0x1A, v37;
	v56 =	vmul.u32 $0x186A0, v34  }
0x6c: {  	v52 =	vld [tilespmem:$0x1C0];
	v34 =	vmul.u32 $0x1A, v59;
	v55 =	vshrl.u32 v44, $0x3;
	v31 =	vadd.s32 v31, v54  }
0x6d: {  	v39 =	vld [tilespmem:$0x1F0];
	v29 =	vsub.s32 v46, v29;
	v57 =	vsub.s32 v36, v37;
	v30 =	vadd.s32 v56, v38  }
0x6e: {  	s24 =	sadd.s32 $0x270, s15;
	v61 =	vld [tilespmem:$0x200];
	v34 =	vsub.s32 v40, v34;
	v36 =	vshrl.u32 v62, $0x3;
	v38 =	vshrl.u32 v48, $0x3  }
0x6f: {  	s31 =	sadd.s32 $0x2D0, s15;
	v40 =	vshrl.u32 v50, $0x3;
	v37 =	vmul.u32 $0x1A, v55;
	v62 =	vor.u32 s24, v0  }
0x70: {  	v46 =	vor.u32 s31, v0;
	v29 =	vmul.u32 $0x186A0, v29;
	v58 =	vmul.u32 $0x186A0, v57  }
0x71: {  	v34 =	vmul.u32 $0x186A0, v34;
	v36 =	vmul.u32 $0x1A, v36;
	v38 =	vmul.u32 $0x1A, v38  }
0x72: {  	v43 =	vld [tilespmem:$0x220];
	v37 =	vsub.s32 v42, v37;
	v32 =	vadd.s32 v29, v52;
	v29 =	vadd.s32 v58, v39  }
0x73: {  	s22 =	sadd.s32 $0x250, s15;
	v41 =	vld [tilespmem:$0x210];
	v33 =	vadd.s32 v34, v61;
	v51 =	vsub.s32 v60, v36;
	v52 =	vmul.u32 $0x1A, v40  }
0x74: {  	s23 =	sadd.s32 $0x260, s15;
	v57 =	vld [tilespmem:$0x240];
	v54 =	vsub.s32 v63, v38;
	v58 =	vor.u32 s22, v0;
	v63 =	vmulhi.u32 $0x4EC4EC4F, v62  }
0x75: {  	v37 =	vmul.u32 $0x186A0, v37;
	v60 =	vor.u32 s23, v0;
	v59 =	vmulhi.u32 $0x4EC4EC4F, v58  }
0x76: {  	v34 =	vmul.u32 $0x186A0, v51;
	v38 =	vmul.u32 $0x186A0, v54;
	v61 =	vmulhi.u32 $0x4EC4EC4F, v60  }
0x77: {  	s29 =	sadd.s32 $0x2B0, s15;
	v35 =	vsub.s32 v49, v52;
	v49 =	vmulhi.u32 $0x4EC4EC4F, v45;
	v52 =	vshrl.u32 v63, $0x3  }
0x78: {  	[tilespmem:$0x0] =	vst v1;
	v63 =	vor.u32 s29, v0;
	v36 =	vadd.s32 v34, v41;
	v56 =	vmul.u32 $0x186A0, v35  }
0x79: {  	[tilespmem:$0x20] =	vst v4;
	s30 =	sadd.s32 $0x2C0, s15;
	v53 =	vld [tilespmem:$0x230];
	v35 =	vadd.s32 v38, v43;
	v38 =	vshrl.u32 v59, $0x3;
	v1 =	vadd.s32 v37, v57  }
0x7a: {  	[tilespmem:$0x30] =	vst v3;
	s26 =	sadd.s32 $0x290, s15;
	s21 =	sadd.s32 $0x320, s15;
	v48 =	vshrl.u32 v61, $0x3;
	v42 =	vmulhi.u32 $0x4EC4EC4F, v63;
	v43 =	vor.u32 s30, v0  }
0x7b: {  	[tilespmem:$0x40] =	vst v2;
	s29 =	sadd.s32 $0x390, s15;
	v57 =	vor.u32 s26, v0;
	v41 =	vor.u32 s21, v0;
	v44 =	vmulhi.u32 $0x4EC4EC4F, v43  }
0x7c: {  	[tilespmem:$0x1D0] =	vst v31;
	v31 =	vor.u32 s29, v0;
	v39 =	vshrl.u32 v49, $0x3;
	v49 =	vmulhi.u32 $0x4EC4EC4F, v46  }
0x7d: {  	[tilespmem:$0x1C0] =	vst v32;
	s30 =	sadd.s32 $0x3A0, s15;
	v38 =	vmul.u32 $0x1A, v38;
	v37 =	vmul.u32 $0x1A, v48;
	v32 =	vmulhi.u32 $0x4EC4EC4F, v31  }
0x7e: {  	[tilespmem:$0x200] =	vst v33;
	v33 =	vor.u32 s30, v0;
	v34 =	vadd.s32 v56, v53;
	v53 =	vmul.u32 $0x1A, v52  }
0x7f: {  	[tilespmem:$0xA0] =	vst v14;
	v55 =	vmul.u32 $0x1A, v39;
	v14 =	vshrl.u32 v42, $0x3;
	v42 =	vmulhi.u32 $0x4EC4EC4F, v41  }
0x80: {  	s28 =	sadd.s32 $0x2A0, s15;
	v47 =	vld [tilespmem:$0x250];
	[tilespmem:$0x210] =	vst v36;
	v36 =	vmulhi.u32 $0x4EC4EC4F, v33;
	v50 =	vsub.s32 v58, v38;
	v2 =	vsub.s32 v60, v37  }
0x81: {  	[tilespmem:$0xB0] =	vst v13;
	s23 =	sadd.s32 $0x340, s15;
	v51 =	vld [tilespmem:$0x260];
	v58 =	vmulhi.u32 $0x4EC4EC4F, v57;
	v60 =	vor.u32 s28, v0;
	v13 =	vshrl.u32 v44, $0x3  }
0x82: {  	[tilespmem:$0x50] =	vst v6;
	v52 =	vshrl.u32 v49, $0x3;
	v49 =	vor.u32 s23, v0;
	v3 =	vmul.u32 $0x186A0, v50  }
0x83: {  	[tilespmem:$0xD0] =	vst v11;
	s28 =	sadd.s32 $0x380, s15;
	v2 =	vmul.u32 $0x186A0, v2;
	v4 =	vsub.s32 v62, v53;
	v62 =	vmulhi.u32 $0x4EC4EC4F, v60  }
0x84: {  	[tilespmem:$0x1B0] =	vst v28;
	v54 =	vld [tilespmem:$0x270];
	v50 =	vmul.u32 $0x1A, v13;
	v11 =	vmul.u32 $0x1A, v52;
	v28 =	vor.u32 s28, v0  }
0x85: {  	[tilespmem:$0x1E0] =	vst v30;
	v4 =	vmul.u32 $0x186A0, v4;
	v6 =	vshrl.u32 v58, $0x3;
	v30 =	vmulhi.u32 $0x4EC4EC4F, v28  }
0x86: {  	[tilespmem:$0x10] =	vst v5;
	v5 =	vadd.s32 v3, v47;
	v3 =	vsub.s32 v45, v55;
	v2 =	vadd.s32 v2, v51  }
0x87: {  	[tilespmem:$0x70] =	vst v9;
	s22 =	sadd.s32 $0x330, s15;
	v6 =	vmul.u32 $0x1A, v6;
	v9 =	vshrl.u32 v62, $0x3;
	v47 =	vmul.u32 $0x1A, v14  }
0x88: {  	[tilespmem:$0x60] =	vst v8;
	v56 =	vld [tilespmem:$0x280];
	v8 =	vsub.s32 v43, v50;
	v11 =	vsub.s32 v46, v11;
	v46 =	vor.u32 s22, v0  }
0x89: {  	[tilespmem:$0x90] =	vst v10;
	s17 =	sadd.s32 $0x2E0, s15;
	v50 =	vmulhi.u32 $0x4EC4EC4F, v49;
	v59 =	vmul.u32 $0x186A0, v3;
	v3 =	vadd.s32 v4, v54  }
0x8a: {  	[tilespmem:$0x80] =	vst v7;
	v61 =	vld [tilespmem:$0x290];
	v9 =	vmul.u32 $0x1A, v9;
	v8 =	vmul.u32 $0x186A0, v8;
	v54 =	vor.u32 s17, v0  }
0x8b: {  	s18 =	sadd.s32 $0x2F0, s15;
	v48 =	vld [tilespmem:$0x2B0];
	[tilespmem:$0x220] =	vst v35;
	v35 =	vshrl.u32 v30, $0x3;
	v6 =	vsub.s32 v57, v6;
	v10 =	vsub.s32 v63, v47  }
0x8c: {  	[tilespmem:$0x150] =	vst v20;
	v51 =	vld [tilespmem:$0x2C0];
	v55 =	vmulhi.u32 $0x4EC4EC4F, v54;
	v57 =	vor.u32 s18, v0;
	v20 =	vshrl.u32 v50, $0x3  }
0x8d: {  	[tilespmem:$0xC0] =	vst v12;
	v53 =	vld [tilespmem:$0x2D0];
	v4 =	vadd.s32 v59, v56;
	v6 =	vmul.u32 $0x186A0, v6;
	v7 =	vsub.s32 v60, v9  }
0x8e: {  	[tilespmem:$0xE0] =	vst v15;
	s19 =	sadd.s32 $0x300, s15;
	v10 =	vmul.u32 $0x186A0, v10;
	v56 =	vmul.u32 $0x186A0, v11;
	v58 =	vmulhi.u32 $0x4EC4EC4F, v57  }
0x8f: {  	[tilespmem:$0xF0] =	vst v17;
	v45 =	vld [tilespmem:$0x2A0];
	v59 =	vor.u32 s19, v0;
	v20 =	vmul.u32 $0x1A, v20;
	s19 =	sadd.s32 $0x3E0, s15;
	v7 =	vmul.u32 $0x186A0, v7  }
0x90: {  	[tilespmem:$0x110] =	vst v16;
	v14 =	vshrl.u32 v55, $0x3;
	v60 =	vmulhi.u32 $0x4EC4EC4F, v59;
	v50 =	vor.u32 s19, v0  }
0x91: {  	[tilespmem:$0x100] =	vst v18;
	s20 =	sadd.s32 $0x310, s15;
	v6 =	vadd.s32 v6, v61;
	v10 =	vadd.s32 v10, v48;
	v8 =	vadd.s32 v8, v51  }
0x92: {  	[tilespmem:$0x120] =	vst v19;
	s24 =	sadd.s32 $0x350, s15;
	v14 =	vmul.u32 $0x1A, v14;
	v61 =	vor.u32 s20, v0;
	v9 =	vadd.s32 v56, v53  }
0x93: {  	[tilespmem:$0x130] =	vst v23;
	v15 =	vshrl.u32 v58, $0x3;
	v48 =	vmulhi.u32 $0x4EC4EC4F, v46;
	v51 =	vor.u32 s24, v0  }
0x94: {  	[tilespmem:$0x240] =	vst v1;
	v1 =	vsub.s32 v49, v20;
	v7 =	vadd.s32 v7, v45;
	v63 =	vmulhi.u32 $0x4EC4EC4F, v61  }
0x95: {  	[tilespmem:$0x170] =	vst v24;
	s31 =	sadd.s32 $0x3B0, s15;
	v24 =	vmul.u32 $0x1A, v15;
	v17 =	vshrl.u32 v60, $0x3;
	v45 =	vshrl.u32 v42, $0x3  }
0x96: {  	[tilespmem:$0x180] =	vst v27;
	v52 =	vmulhi.u32 $0x4EC4EC4F, v51;
	v1 =	vmul.u32 $0x186A0, v1;
	v42 =	vor.u32 s31, v0  }
0x97: {  	s25 =	sadd.s32 $0x360, s15;
	[tilespmem:$0x140] =	vst v22;
	v13 =	vsub.s32 v54, v14;
	v17 =	vmul.u32 $0x1A, v17;
	v15 =	vmul.u32 $0x1A, v45  }
0x98: {  	s18 =	sadd.s32 $0x3D0, s15;
	v18 =	vshrl.u32 v48, $0x3;
	v54 =	vor.u32 s25, v0;
	[tilespmem:$0x2A0] =	vst v7;
	v7 =	vshrl.u32 v32, $0x3  }
0x99: {  	[tilespmem:$0x160] =	vst v21;
	v55 =	vld [tilespmem:$0x340];
	v48 =	vor.u32 s18, v0;
	v13 =	vmul.u32 $0x186A0, v13;
	v19 =	vshrl.u32 v63, $0x3  }
0x9a: {  	[tilespmem:$0x1A0] =	vst v25;
	s26 =	sadd.s32 $0x370, s15;
	v62 =	vld [tilespmem:$0x2E0];
	v11 =	vsub.s32 v57, v24;
	v18 =	vmul.u32 $0x1A, v18;
	v56 =	vmulhi.u32 $0x4EC4EC4F, v54  }
0x9b: {  	[tilespmem:$0x190] =	vst v26;
	v22 =	vshrl.u32 v52, $0x3;
	v63 =	vor.u32 s26, v0;
	v49 =	vmulhi.u32 $0x4EC4EC4F, v48  }
0x9c: {  	[tilespmem:$0x1F0] =	vst v29;
	v7 =	vmul.u32 $0x1A, v7;
	v52 =	vmulhi.u32 $0x4EC4EC4F, v50;
	v39 =	vmul.u32 $0x1A, v19  }
0x9d: {  	v37 =	vld [tilespmem:$0x2F0];
	[tilespmem:$0x230] =	vst v34;
	v11 =	vmul.u32 $0x186A0, v11;
	v16 =	vsub.s32 v59, v17;
	v15 =	vsub.s32 v41, v15  }
0x9e: {  	[tilespmem:$0x250] =	vst v5;
	v57 =	vmul.u32 $0x1A, v22;
	v1 =	vadd.s32 v1, v55;
	v26 =	vmulhi.u32 $0x4EC4EC4F, v63  }
0x9f: {  	v38 =	vld [tilespmem:$0x300];
	[tilespmem:$0x260] =	vst v2;
	v17 =	vshrl.u32 v36, $0x3;
	v12 =	vadd.s32 v13, v62;
	v44 =	vmul.u32 $0x186A0, v16  }
0xa0: {  	s17 =	sadd.s32 $0x3C0, s15;
	v47 =	vld [tilespmem:$0x320];
	[tilespmem:$0x270] =	vst v3;
	v15 =	vmul.u32 $0x186A0, v15;
	v16 =	vsub.s32 v46, v18;
	v59 =	vshrl.u32 v56, $0x3  }
0xa1: {  	[tilespmem:$0x2D0] =	vst v9;
	v7 =	vsub.s32 v31, v7;
	v46 =	vor.u32 s17, v0;
	v9 =	vshrl.u32 v49, $0x3  }
0xa2: {  	[tilespmem:$0x280] =	vst v4;
	v53 =	vld [tilespmem:$0x330];
	v43 =	vsub.s32 v61, v39;
	v11 =	vadd.s32 v11, v37;
	v16 =	vmul.u32 $0x186A0, v16  }
0xa3: {  	v40 =	vld [tilespmem:$0x310];
	[tilespmem:$0x290] =	vst v6;
	v60 =	vsub.s32 v51, v57;
	v61 =	vmul.u32 $0x1A, v59;
	v29 =	vshrl.u32 v26, $0x3  }
0xa4: {  	v58 =	vld [tilespmem:$0x350];
	[tilespmem:$0x2B0] =	vst v10;
	v37 =	vmul.u32 $0x1A, v35;
	v7 =	vmul.u32 $0x186A0, v7;
	v56 =	vmul.u32 $0x1A, v9  }
0xa5: {  	[tilespmem:$0x2C0] =	vst v8;
	v13 =	vmul.u32 $0x186A0, v43;
	v14 =	vadd.s32 v44, v38;
	v15 =	vadd.s32 v15, v47  }
0xa6: {  	[tilespmem:$0x340] =	vst v1;
	v5 =	vmul.u32 $0x186A0, v60;
	v6 =	vmul.u32 $0x1A, v29;
	v43 =	vmulhi.u32 $0x4EC4EC4F, v42  }
0xa7: {  	s15 =	sadd.s32 $0x3F0, s15;
	v41 =	vld [tilespmem:$0x3A0];
	[tilespmem:$0x2E0] =	vst v12;
	v47 =	vmulhi.u32 $0x4EC4EC4F, v46;
	v2 =	vadd.s32 v16, v53;
	v3 =	vsub.s32 v54, v61  }
0xa8: {  	v62 =	vld [tilespmem:$0x360];
	[tilespmem:$0x2F0] =	vst v11;
	v53 =	vor.u32 s15, v0;
	v13 =	vadd.s32 v13, v40;
	v40 =	vmul.u32 $0x1A, v17  }
0xa9: {  	v39 =	vld [tilespmem:$0x390];
	[tilespmem:$0x300] =	vst v14;
	v27 =	vadd.s32 v5, v58;
	v3 =	vmul.u32 $0x186A0, v3;
	v6 =	vsub.s32 v63, v6  }
0xaa: {  	v34 =	vld [tilespmem:$0x370];
	[tilespmem:$0x320] =	vst v15;
	v5 =	vsub.s32 v28, v37;
	v44 =	vshrl.u32 v43, $0x3;
	v8 =	vsub.s32 v33, v40  }
0xab: {  	v38 =	vld [tilespmem:$0x380];
	[tilespmem:$0x330] =	vst v2;
	v55 =	vmulhi.u32 $0x4EC4EC4F, v53;
	v6 =	vmul.u32 $0x186A0, v6;
	v8 =	vmul.u32 $0x186A0, v8  }
0xac: {  	v5 =	vmul.u32 $0x186A0, v5;
	[tilespmem:$0x310] =	vst v13;
	v45 =	vmul.u32 $0x1A, v44;
	v13 =	vshrl.u32 v52, $0x3  }
0xad: {  	v51 =	vld [tilespmem:$0x3B0];
	[tilespmem:$0x350] =	vst v27;
	v3 =	vadd.s32 v3, v62;
	v2 =	vadd.s32 v8, v41;
	v8 =	vshrl.u32 v47, $0x3  }
0xae: {  	v54 =	vld [tilespmem:$0x3C0];
	v7 =	vadd.s32 v7, v39;
	v58 =	vmul.u32 $0x1A, v13;
	[tilespmem:$0x360] =	vst v3;
	v3 =	vmul.u32 $0x1A, v8  }
0xaf: {  	v57 =	vld [tilespmem:$0x3D0];
	v60 =	vshrl.u32 v55, $0x3;
	v6 =	vadd.s32 v6, v34;
	v1 =	vsub.s32 v42, v45;
	[tilespmem:$0x390] =	vst v7  }
0xb0: {  	v59 =	vld [tilespmem:$0x3E0];
	v5 =	vadd.s32 v5, v38;
	[tilespmem:$0x370] =	vst v6;
	v1 =	vmul.u32 $0x186A0, v1;
	v3 =	vsub.s32 v46, v3  }
0xb1: {  	v62 =	vld [tilespmem:$0x3F0];
	v61 =	vmul.u32 $0x1A, v60;
	[tilespmem:$0x380] =	vst v5;
	v6 =	vsub.s32 v48, v56;
	v3 =	vmul.u32 $0x186A0, v3  }
0xb2: {  	s21 =	rddreg [dreg:$0x4];
	v63 =	vmul.u32 $0x186A0, v6;
	[tilespmem:$0x3A0] =	vst v2;
	v1 =	vadd.s32 v1, v51;
	v2 =	vsub.s32 v50, v58  }
0xb3: {  	s29 =	rddreg [dreg:$0xd];
	[tilespmem:$0x3B0] =	vst v1;
	v2 =	vmul.u32 $0x186A0, v2;
	v1 =	vadd.s32 v3, v54;
	v3 =	vsub.s32 v53, v61  }
0xb4: {  	s30 =	rddreg [dreg:$0xe];
	[tilespmem:$0x3C0] =	vst v1;
	v1 =	vadd.s32 v63, v57;
	v3 =	vmul.u32 $0x186A0, v3  }
0xb5: {  	s23 =	rddreg [dreg:$0x8];
	[tilespmem:$0x3D0] =	vst v1;
	v1 =	vadd.s32 v2, v59  }
0xb6: {  	s22 =	rddreg [dreg:$0x5];
	[tilespmem:$0x3E0] =	vst v1;
	v1 =	vadd.s32 v3, v62  }
0xb7: {  	s20 =	rddreg [dreg:$0x3];
	[tilespmem:$0x3F0] =	vst v1  }
0xb8: {  	[tilespmem:s9], [sflag:$0x1] =	stream.indirect.gather [hbm4b:s3+s8], $0x10, s2, s8, $0xb8;
	[tilespmem:$0x4400] =	vst v63  }
0xb9: {  	s24 =	rddreg [dreg:$0x9]  }
0xba: {  	[tilespmem:s20], [sflag:$0x1] =	stream.indirect.gather [hbm4b:s3+s8], $0x10, s8, s8, $0xb8;
	[tilespmem:$0x4400] =	vst v63  }
0xbb: {  	s18 =	rddreg [dreg:$0x7]  }
0xbc: {  	[tilespmem:s22], [sflag:$0x1] =	stream.indirect.gather [hbm4b:s3+s8], $0x10, s21, s8, $0xb8;
	[tilespmem:$0x4400] =	vst v63  }
0xbd: {  	s17 =	rddreg [dreg:$0x6]  }
0xbe: {  	[tilespmem:s18], [sflag:$0x1] =	stream.indirect.gather [hbm4b:s3+s8], $0x10, s17, s8, $0xb8;
	[tilespmem:$0x4400] =	vst v63  }
0xbf: {  	s25 =	rddreg [dreg:$0xa]  }
0xc0: {  	[tilespmem:s24], [sflag:$0x1] =	stream.indirect.gather [hbm4b:s3+s8], $0x10, s23, s8, $0xb8;
	[tilespmem:$0x4400] =	vst v63  }
0xc1: {  	s26 =	rddreg [dreg:$0xb]  }
0xc2: {  	[tilespmem:s26], [sflag:$0x1] =	stream.indirect.gather [hbm4b:s3+s8], $0x10, s25, s8, $0xb8;
	[tilespmem:$0x4400] =	vst v63  }
0xc3: {  	s28 =	rddreg [dreg:$0xc]  }
0xc4: {  	[tilespmem:s29], [sflag:$0x1] =	stream.indirect.gather [hbm4b:s3+s8], $0x10, s28, s8, $0xb8;
	[tilespmem:$0x4400] =	vst v63  }
0xc5: {  	s31 =	rddreg [dreg:$0xf]  }
0xc6: {  	[tilespmem:s31], [sflag:$0x1] =	stream.indirect.gather [hbm4b:s3+s8], $0x10, s30, s8, $0xb8;
	[tilespmem:$0x4400] =	vst v63  }
0xc7: {  	_ =	swait.ge [sflag:s10], $0x800  }
0xc8: {  	[sflag:s10] =	ssyncset.done $0x0  }
0xc9: {  	[sflag:s10] =	ssyncadd.s32 $0xFFFFF800  }
0xca: {  	_ =	swait.ge [sflag:s10], $0x800  }
0xcb: {  	[sflag:s10] =	ssyncset.done $0x0  }
0xcc: {  	[sflag:s10] =	ssyncadd.s32 $0xFFFFF800  }
0xcd: {  	_ =	swait.ge [sflag:s10], $0x800  }
0xce: {  	[sflag:s10] =	ssyncset.done $0x0  }
0xcf: {  	[sflag:s10] =	ssyncadd.s32 $0xFFFFF800  }
0xd0: {  	_ =	swait.ge [sflag:s10], $0x800  }
0xd1: {  	[sflag:s10] =	ssyncset.done $0x0  }
0xd2: {  	[sflag:s10] =	ssyncadd.s32 $0xFFFFF800  }
0xd3: {  	_ =	swait.ge [sflag:s10], $0x800  }
0xd4: {  	[sflag:s10] =	ssyncset.done $0x0  }
0xd5: {  	[sflag:s10] =	ssyncadd.s32 $0xFFFFF800  }
0xd6: {  	_ =	swait.ge [sflag:s10], $0x800  }
0xd7: {  	[sflag:s10] =	ssyncset.done $0x0  }
0xd8: {  	[sflag:s10] =	ssyncadd.s32 $0xFFFFF800  }
0xd9: {  	_ =	swait.ge [sflag:s10], $0x800  }
0xda: {  	[sflag:s10] =	ssyncset.done $0x0  }
0xdb: {  	[sflag:s10] =	ssyncadd.s32 $0xFFFFF800  }
0xdc: {  	_ =	swait.ge [sflag:s10], $0x800  }
0xdd: {  	p0 =	sne.s32 s14, $0x10000;
	[sflag:s10] =	ssyncset.done $0x0  }
.Ltmp0:
0xde: {  	[sflag:s10] =	ssyncadd.s32 $0xFFFFF800;
	(pc) =	sbr.rel @p0 .LBB2_2-.Ltmp0, $4  }
0xdf: {  	[hbm4b:s12+s2] =	stream.linear.scatter [tilespmem:s9], [sflag:$0x2], $0x4000, $0x38;
	[tilespmem:$0x4400] =	vst v63  }
0xe0: {  	_ =	swait.ge [sflag:s7], $0x4000  }
0xe1: {  	s13 =	sadd.s32 $0x80, s13;
	[sflag:s7] =	ssyncset.done $0x0  }
0xe2: {  	s14 =	sadd.s32 $0x400, s14;
	s12 =	sadd.s32 $0x800, s12;
	[sflag:s7] =	ssyncadd.s32 $0xFFFFC000  }
0xe3: {  	s11 =	sadd.s32 $0x1, s11  }
0xe4: {  	p0 =	sne.s32 s11, s4  }
.Ltmp1:
0xe5: {  	_ = 	snop;
	(pc) =	sbr.rel @p0 .LBB2_1-.Ltmp1, $1  }
0xe6: {  	_ =	sdelay $0x3  }
0xe7: {  	_ =	sfence.sel $0x180000  }
0xe8: {  	[bflag:$0x0] =	sbarrier.arrive $0xFFFF  }
0xe9: {  	p0 =	sne.s32 s1, $0x0;
	_ =	strace $0x90000047  }
0xea: {  	s0 =	sadd.s32 @!p0 $0x100000, s0;
	[bflag:$0x2] =	sbarrier.arrive $0xFFFF  }
0xeb: {  	[sflag:s0] =	ssyncadd.tile.s32 @!p0 $0x1;
	_ =	shalt  }
.Lfunc_end2:
_tile_overlayer_lowered:
.L_overlay_start_2:
0xec: {  	(tag) =	ssettag $0x2  }
0xed: {  	s0 =	rddreg [dreg:$0x0];
	s2 =	stileid.u32  }
0xee: {  	s1 =	rddreg [dreg:$0x1];
	p0 =	sne.s32 s2, $0x0  }
0xef: {  	s3 =	rddreg [dreg:$0x2];
	[bflag:$0x3] =	sbarrier.arrive $0xFFFF;
	s2 =	simm.s32 @!p0 $0x1C02  }
0xf0: {  	[timem:s3], [sflag:s2] =	dma.local @!p0 [hbm:s0], s1  }
0xf1: {  	s0 =	simm.s32 @!p0 $0x2  }
0xf2: {  	_ =	swait.ge @!p0 [sflag:s0], s1  }
0xf3: {  	s1 =	ssub.s32 @!p0 $0x0, s1;
	[sflag:s0] =	ssyncset.done @!p0 $0x0  }
0xf4: {  	[sflag:s0] =	ssyncadd.s32 @!p0 s1  }
0xf5: {  	[bflag:$0x3] =	sbarrier.arrive $0xFFFF  }
0xf6: {  	_ =	shalt  }

</sc_bundles>
